<compile_context>
chip_gen: v7x
topology: tpu7x:2x2x1
jax: 0.10.2.dev20260603
libtpu: 0.0.44.dev20260713+nightly
codegen_flags: <defaults>
</compile_context>

<pallas_src>
import jax
import jax.numpy as jnp
from jax import lax
from jax.experimental import pallas as pl
from jax.experimental.pallas import tpu as pltpu
from jax.experimental.pallas import tpu_sc as plsc

_PRE = 12000
_POST = 2000
_T = 0.7
_C = 128
_RB = 96
_G = 8


def _nms_kernel(x1_ref, y1_ref, x2p_ref, y2p_ref, area_ref, keep_ref):
    ii = lax.broadcasted_iota(jnp.int32, (_C, _C), 0)
    jj = lax.broadcasted_iota(jnp.int32, (_C, _C), 1)
    eye = jnp.where(ii == jj, 1.0, 0.0).astype(jnp.float32)
    upper = jnp.where(ii < jj, 1.0, 0.0).astype(jnp.float32)

    r3 = lax.broadcasted_iota(jnp.int32, (_RB, 1, _C), 0)
    l3 = lax.broadcasted_iota(jnp.int32, (_RB, 1, _C), 2)
    keep_ref[...] = jnp.where(r3 * _C + l3 < _PRE, 1.0, 0.0).astype(jnp.float32)

    def row(ref, b):
        return ref[pl.ds(b, 1)].reshape(1, _C)

    def tocol(v):
        return lax.dot_general(eye, v, (((1,), (1,)), ((), ())),
                               preferred_element_type=jnp.float32)

    def sup_tile(kcols, crows):
        kx1, ky1, kx2p, ky2p, karea = kcols
        cx1, cy1, cx2p, cy2p, carea = crows
        w = jnp.maximum(0.0, jnp.minimum(kx2p, cx2p) - jnp.maximum(kx1, cx1))
        h = jnp.maximum(0.0, jnp.minimum(ky2p, cy2p) - jnp.maximum(ky1, cy1))
        inter = w * h
        denom = karea + carea - inter
        return jnp.where(inter > _T * denom, 1.0, 0.0).astype(jnp.float32)

    def keyblock(kb, _):
        kcols = (tocol(row(x1_ref, kb)), tocol(row(y1_ref, kb)),
                 tocol(row(x2p_ref, kb)), tocol(row(y2p_ref, kb)),
                 tocol(row(area_ref, kb)))

        crows_kb = (row(x1_ref, kb), row(y1_ref, kb), row(x2p_ref, kb),
                    row(y2p_ref, kb), row(area_ref, kb))
        supU = sup_tile(kcols, crows_kb) * upper
        kin = keep_ref[pl.ds(kb, 1)].reshape(1, _C)

        def jcond(st):
            _, changed, it = st
            return jnp.logical_and(changed, it < _C + 2)

        def jbody(st):
            cur, _, it = st
            cnt = lax.dot_general(cur, supU, (((1,), (0,)), ((), ())),
                                  preferred_element_type=jnp.float32)
            new = kin * jnp.where(cnt < 0.5, 1.0, 0.0)
            return new, jnp.any(new != cur), it + 1

        kfix, _, _ = lax.while_loop(jcond, jbody,
                                    (kin, jnp.bool_(True), jnp.int32(0)))
        keep_ref[pl.ds(kb, 1)] = kfix.reshape(1, 1, _C)

        kbool = tocol(kfix) > 0.5
        kx1m = jnp.where(kbool, kcols[0], 1e30)

        def group(g, _):
            base = g * _G
            c4 = [r.reshape(_G, _C) for r in
                  (x1_ref[pl.ds(base, _G)], y1_ref[pl.ds(base, _G)],
                   x2p_ref[pl.ds(base, _G)], y2p_ref[pl.ds(base, _G)],
                   area_ref[pl.ds(base, _G)])]
            keep4 = keep_ref[pl.ds(base, _G)].reshape(_G, _C)
            outs = []
            for k in range(_G):
                _, ky1, kx2p, ky2p, karea = kcols
                cx1, cy1, cx2p, cy2p, carea = (c[k:k + 1, :] for c in c4)
                w = jnp.maximum(0.0, jnp.minimum(kx2p, cx2p)
                                - jnp.maximum(kx1m, cx1))
                h = jnp.maximum(0.0, jnp.minimum(ky2p, cy2p)
                                - jnp.maximum(ky1, cy1))
                inter = w * h
                denom = karea + carea - inter
                diff = inter - _T * denom
                cnt = jnp.max(diff, axis=0, keepdims=True)
                guard = (base + k) > kb
                fac = jnp.where(jnp.logical_and(cnt > 0.0, guard), 0.0, 1.0)
                outs.append(keep4[k:k + 1, :] * fac)
            keep_ref[pl.ds(base, _G)] = (
                jnp.concatenate(outs, axis=0).reshape(_G, 1, _C))
            return 0

        lax.fori_loop((kb + 1) // _G, _RB // _G, group, 0)
        return 0

    lax.fori_loop(0, _RB, keyblock, 0)


_NPAD = _RB * _C
_NW = 32
_KPW = 2048 // _NW


def _sc_gather_body(kidx_hbm, boxesf_hbm, scores_hbm,
                    kboxf_out, kscore_out,
                    kidx_v, sidx_v, sgat_v, sval_v,
                    idx4_v, bgat_v, bval_v, sem):
    wid = lax.axis_index("s") * 2 + lax.axis_index("c")
    base = wid * _KPW

    pltpu.sync_copy(kidx_hbm.at[pl.ds(base, _KPW)], kidx_v)
    for c in range(_KPW // 16):
        sel = kidx_v[pl.ds(c * 16, 16)]
        sidx_v[pl.ds(c * 16, 16)] = jnp.maximum(sel, 0)

    pltpu.async_copy(scores_hbm.at[sidx_v], sgat_v, sem).wait()
    for c in range(_KPW // 16):
        good = kidx_v[pl.ds(c * 16, 16)] >= 0
        v = sgat_v[pl.ds(c * 16, 16)]
        sval_v[pl.ds(c * 16, 16)] = jnp.where(good, v, 0.0)
    pltpu.sync_copy(sval_v, kscore_out.at[pl.ds(base, _KPW)])

    for k in range(4):
        for c in range(_KPW // 16):
            sel = kidx_v[pl.ds(c * 16, 16)]
            idx4_v[pl.ds(k * _KPW + c * 16, 16)] = (
                jnp.maximum(sel, 0) * 4 + k)
    pltpu.async_copy(boxesf_hbm.at[idx4_v], bgat_v, sem).wait()
    for k in range(4):
        for c in range(_KPW // 16):
            good = kidx_v[pl.ds(c * 16, 16)] >= 0
            v = bgat_v[pl.ds(k * _KPW + c * 16, 16)]
            bval_v[pl.ds(k * _KPW + c * 16, 16)] = jnp.where(good, v, 0.0)
    for k in range(4):
        pltpu.sync_copy(
            bval_v.at[pl.ds(k * _KPW, _KPW)],
            kboxf_out.at[pl.ds(k * 2048 + base, _KPW)])


def _sc_gather(kidx_pad, boxesf, scores):
    f = pl.kernel(
        _sc_gather_body,
        mesh=plsc.VectorSubcoreMesh(core_axis_name="c", subcore_axis_name="s"),
        out_type=[
            jax.ShapeDtypeStruct((4 * 2048,), jnp.float32),
            jax.ShapeDtypeStruct((2048,), jnp.float32),
        ],
        scratch_types=[
            pltpu.VMEM((_KPW,), jnp.int32),
            pltpu.VMEM((_KPW,), jnp.int32),
            pltpu.VMEM((_KPW,), jnp.float32),
            pltpu.VMEM((_KPW,), jnp.float32),
            pltpu.VMEM((_KPW * 4,), jnp.int32),
            pltpu.VMEM((_KPW * 4,), jnp.float32),
            pltpu.VMEM((_KPW * 4,), jnp.float32),
            pltpu.SemaphoreType.DMA,
        ],
    )
    return f(kidx_pad, boxesf, scores)


def kernel(scores, boxes):
    order = lax.top_k(scores, _PRE)[1]
    bs = boxes[order]
    pad = _RB * _C - _PRE
    bs = jnp.concatenate([bs, jnp.zeros((pad, 4), jnp.float32)], axis=0)
    x1 = bs[:, 0].reshape(_RB, 1, _C)
    y1 = bs[:, 1].reshape(_RB, 1, _C)
    x2p = (bs[:, 2] + 1.0).reshape(_RB, 1, _C)
    y2p = (bs[:, 3] + 1.0).reshape(_RB, 1, _C)
    area = ((bs[:, 2] - bs[:, 0] + 1.0) * (bs[:, 3] - bs[:, 1] + 1.0)
            ).reshape(_RB, 1, _C)

    keep3 = pl.pallas_call(
        _nms_kernel,
        out_shape=jax.ShapeDtypeStruct((_RB, 1, _C), jnp.float32),
    )(x1, y1, x2p, y2p, area)

    keep = keep3.reshape(-1)[:_PRE] > 0.5
    kept_rank = jnp.cumsum(keep.astype(jnp.int32)) - 1
    keep = keep & (kept_rank < _POST)
    num_kept = jnp.sum(keep.astype(jnp.int32))
    masked_rank = jnp.where(keep, jnp.cumsum(keep.astype(jnp.int32)) - 1,
                            _PRE + 1)
    keep_idx = jnp.full((_POST,), -1, dtype=jnp.int32)
    pos = jnp.clip(masked_rank, 0, _POST - 1)
    src = jnp.where(keep, order.astype(jnp.int32), -1)
    keep_idx = keep_idx.at[pos].set(jnp.where(keep, src, keep_idx[pos]))
    kidx_pad = jnp.concatenate(
        [keep_idx, jnp.full((2048 - _POST,), -1, jnp.int32)])
    kboxf, kscore = _sc_gather(kidx_pad, boxes.reshape(-1), scores)
    kept_boxes = kboxf.reshape(4, 2048)[:, :_POST].T
    kept_scores = kscore[:_POST]
    return keep_idx, num_kept, kept_boxes, kept_scores

# --- scband reference (transcript-rebuilt; emitter-appended) ---
"""Pipeline reference for scband-object-detector-3882650435977 (READ-ONLY COPY).

The authoritative reference and input builder live on the scoring server;
editing this copy changes nothing except your own understanding.
"""

import jax, jax.numpy as jnp
import numpy as np

PRE_NMS_TOPN = 12000
POST_NMS_TOPN = 2000
NMS_THRESH = 0.7


def _make_boxes(key, n):
    k1, k2 = jax.random.split(key)
    ctrs = jax.random.uniform(k1, (n, 2), dtype=jnp.float32) * 592.0
    whs = jax.random.uniform(k2, (n, 2), dtype=jnp.float32) * 120.0 + 8.0
    x1y1 = ctrs - 0.5 * whs
    x2y2 = ctrs + 0.5 * whs
    return jnp.concatenate([x1y1, x2y2], axis=1)


def setup_inputs(seed: int = 0) -> dict:
    key = jax.random.key(seed)
    k1, k2 = jax.random.split(key)
    scores = jax.random.uniform(k1, (20000,), dtype=jnp.float32)
    boxes = _make_boxes(k2, 20000)
    return {"scores": scores, "boxes": boxes}


def _iou_matrix(boxes):
    # boxes: [n, 4] in (x1, y1, x2, y2); matches torch nms overlap with +1 convention
    x1 = boxes[:, 0]
    y1 = boxes[:, 1]
    x2 = boxes[:, 2]
    y2 = boxes[:, 3]
    areas = (x2 - x1 + 1.0) * (y2 - y1 + 1.0)
    xx1 = jnp.maximum(x1[:, None], x1[None, :])
    yy1 = jnp.maximum(y1[:, None], y1[None, :])
    xx2 = jnp.minimum(x2[:, None], x2[None, :])
    yy2 = jnp.minimum(y2[:, None], y2[None, :])
    w = jnp.maximum(0.0, xx2 - xx1 + 1.0)
    h = jnp.maximum(0.0, yy2 - yy1 + 1.0)
    inter = w * h
    return inter / (areas[:, None] + areas[None, :] - inter)


def _greedy_nms_sorted(boxes_sorted, nms_thresh, post_nms_topn):
    # boxes_sorted: [n, 4] already sorted by descending score.
    # Returns (keep_mask [n] bool) implementing sequential greedy NMS via lax.fori_loop.
    n = boxes_sorted.shape[0]
    iou = _iou_matrix(boxes_sorted)

    def body(i, keep):
        is_kept = keep[i]
        suppress = (iou[i] > nms_thresh) & (jnp.arange(n) > i) & is_kept
        return keep & (~suppress)

    keep0 = jnp.ones((n,), dtype=bool)
    keep = jax.lax.fori_loop(0, n, body, keep0)
    # enforce post_nms_topn cap on kept boxes (in sorted order)
    kept_rank = jnp.cumsum(keep.astype(jnp.int32)) - 1
    keep = keep & (kept_rank < post_nms_topn)
    return keep


def reference(scores, boxes):
    # Faithful translation of apply_nms/_nms_single_im for a single image,
    # returning fixed-size outputs for jit-friendliness:
    #   keep_idx: int32[POST_NMS_TOPN] indices into original arrays (padded with -1)
    #   num_kept: int32 scalar
    n = scores.shape[0]
    order = jnp.argsort(-scores)  # descending sort by score
    order = order[:PRE_NMS_TOPN]
    boxes_sorted = boxes[order]
    keep_mask = _greedy_nms_sorted(boxes_sorted, NMS_THRESH, POST_NMS_TOPN)
    num_kept = jnp.sum(keep_mask.astype(jnp.int32))
    # gather kept indices in sorted order, pad with -1
    masked_rank = jnp.where(keep_mask, jnp.cumsum(keep_mask.astype(jnp.int32)) - 1, PRE_NMS_TOPN + 1)
    keep_idx = jnp.full((POST_NMS_TOPN,), -1, dtype=jnp.int32)
    pos = jnp.clip(masked_rank, 0, POST_NMS_TOPN - 1)
    src = jnp.where(keep_mask, order.astype(jnp.int32), -1)
    keep_idx = keep_idx.at[pos].set(jnp.where(keep_mask, src, keep_idx[pos]))
    kept_boxes = jnp.where((keep_idx >= 0)[:, None], boxes[jnp.clip(keep_idx, 0)], 0.0)
    kept_scores = jnp.where(keep_idx >= 0, scores[jnp.clip(keep_idx, 0)], 0.0)
    return keep_idx, num_kept, kept_boxes, kept_scores


if False:  # reference __main__ guard neutralized (emitter)
    out = reference(**setup_inputs())
    print(out[1], out[0][:10])

if __name__ == "__main__":
    import jax
    _d = setup_inputs()
    print(jax.jit(kernel)(*tuple(_d.values())))

</pallas_src>

<mosaic_0001>
#map = affine_map<(d0, d1) -> (0)>
module attributes {stable_mosaic.version = 14 : i64} {
  func.func @_sc_gather_body(%arg0: i32, %arg1: i32, %arg2: memref<2048xi32, #tpu.memory_space<hbm>>, %arg3: memref<80000xf32, #tpu.memory_space<hbm>>, %arg4: memref<20000xf32, #tpu.memory_space<hbm>>, %arg5: memref<8192xf32, #tpu.memory_space<hbm>>, %arg6: memref<2048xf32, #tpu.memory_space<hbm>>, %arg7: memref<64xi32, #tpu.memory_space<vmem>>, %arg8: memref<64xi32, #tpu.memory_space<vmem>>, %arg9: memref<64xf32, #tpu.memory_space<vmem>>, %arg10: memref<64xf32, #tpu.memory_space<vmem>>, %arg11: memref<256xi32, #tpu.memory_space<vmem>>, %arg12: memref<256xf32, #tpu.memory_space<vmem>>, %arg13: memref<256xf32, #tpu.memory_space<vmem>>, %arg14: memref<!tpu.dma_semaphore, #tpu.memory_space<semaphore_mem>>) attributes {dimension_semantics = [#tpu.dimension_semantics<core_parallel>, #tpu.dimension_semantics<subcore_parallel>], iteration_bounds = array<i64: 2, 16>, scalar_prefetch = 0 : i64, scratch_operands = 8 : i64, tpu.core_type = #tpu.core_type<sc_vector_subcore>, window_params = [{transform_indices = #map}, {transform_indices = #map}, {transform_indices = #map}, {transform_indices = #map}, {transform_indices = #map}]} {
    %mul3A = arith.constant 2 : i32
    %mul3A_0 = arith.muli %arg1, %mul3A : i32
    %add3A = arith.addi %mul3A_0, %arg0 : i32
    %mul3A_1 = arith.constant 64 : i32
    %mul3A_2 = arith.muli %add3A, %mul3A_1 : i32
    "tpu.region"() ({
      %run_scoped3A = tpu.sem_alloc : memref<!tpu.dma_semaphore, #tpu.memory_space<semaphore_mem>>
      %dma_start3A_626 = tpu.memref_slice %arg2[%mul3A_2] : memref<2048xi32, #tpu.memory_space<hbm>> -> memref<64xi32, #tpu.memory_space<hbm>>
      %dma_start3A_627 = tpu.memref_slice %arg2[%mul3A_2] : memref<2048xi32, #tpu.memory_space<hbm>> -> memref<64xi32, #tpu.memory_space<hbm>>
      tpu.enqueue_dma source(%dma_start3A_627 : memref<64xi32, #tpu.memory_space<hbm>>) target(%arg7 : memref<64xi32, #tpu.memory_space<vmem>>) target_semaphore(%run_scoped3A : memref<!tpu.dma_semaphore, #tpu.memory_space<semaphore_mem>>)
      %dma_wait3A_628 = tpu.memref_slice %arg2[%mul3A_2] : memref<2048xi32, #tpu.memory_space<hbm>> -> memref<64xi32, #tpu.memory_space<hbm>>
      %dma_wait3A_629 = tpu.memref_slice %arg2[%mul3A_2] : memref<2048xi32, #tpu.memory_space<hbm>> -> memref<64xi32, #tpu.memory_space<hbm>>
      tpu.wait_dma2 semaphore(%run_scoped3A : memref<!tpu.dma_semaphore, #tpu.memory_space<semaphore_mem>>) src(%dma_wait3A_629 : memref<64xi32, #tpu.memory_space<hbm>>) dst(%arg7 : memref<64xi32, #tpu.memory_space<vmem>>)
      tpu.yield
    }) : () -> ()
    %get3A = arith.constant 0 : index
    %get3A_3 = tpu.vector_load %arg7[%get3A] {strides = array<i32>} : memref<64xi32, #tpu.memory_space<vmem>>, vector<16xi32>,
    %get3A_4 = vector.shape_cast %get3A_3 : vector<16xi32> to vector<16xi32>
    %max3A = arith.constant 0 : i32
    %max3A_5 = vector.broadcast %max3A : i32 to vector<16xi32>
    %max3A_6 = arith.maxsi %get3A_4, %max3A_5 : vector<16xi32>
    %swap3A = arith.constant 0 : index
    %swap3A_7 = tpu.vector_load %arg8[%swap3A] {strides = array<i32>} : memref<64xi32, #tpu.memory_space<vmem>>, vector<16xi32>,
    %swap3A_8 = vector.shape_cast %swap3A_7 : vector<16xi32> to vector<16xi32>
    %swap3A_9 = vector.shape_cast %max3A_6 : vector<16xi32> to vector<16xi32>
    tpu.vector_store %arg8[%swap3A], %swap3A_9 {strides = array<i32>} : memref<64xi32, #tpu.memory_space<vmem>>, vector<16xi32>,
    %get3A_10 = arith.constant 16 : index
    %get3A_11 = tpu.vector_load %arg7[%get3A_10] {strides = array<i32>} : memref<64xi32, #tpu.memory_space<vmem>>, vector<16xi32>,
    %get3A_12 = vector.shape_cast %get3A_11 : vector<16xi32> to vector<16xi32>
    %max3A_13 = arith.constant 0 : i32
    %max3A_14 = vector.broadcast %max3A_13 : i32 to vector<16xi32>
    %max3A_15 = arith.maxsi %get3A_12, %max3A_14 : vector<16xi32>
    %swap3A_16 = arith.constant 16 : index
    %swap3A_17 = tpu.vector_load %arg8[%swap3A_16] {strides = array<i32>} : memref<64xi32, #tpu.memory_space<vmem>>, vector<16xi32>,
    %swap3A_18 = vector.shape_cast %swap3A_17 : vector<16xi32> to vector<16xi32>
    %swap3A_19 = vector.shape_cast %max3A_15 : vector<16xi32> to vector<16xi32>
    tpu.vector_store %arg8[%swap3A_16], %swap3A_19 {strides = array<i32>} : memref<64xi32, #tpu.memory_space<vmem>>, vector<16xi32>,
    %get3A_20 = arith.constant 32 : index
    %get3A_21 = tpu.vector_load %arg7[%get3A_20] {strides = array<i32>} : memref<64xi32, #tpu.memory_space<vmem>>, vector<16xi32>,
    %get3A_22 = vector.shape_cast %get3A_21 : vector<16xi32> to vector<16xi32>
    %max3A_23 = arith.constant 0 : i32
    %max3A_24 = vector.broadcast %max3A_23 : i32 to vector<16xi32>
    %max3A_25 = arith.maxsi %get3A_22, %max3A_24 : vector<16xi32>
    %swap3A_26 = arith.constant 32 : index
    %swap3A_27 = tpu.vector_load %arg8[%swap3A_26] {strides = array<i32>} : memref<64xi32, #tpu.memory_space<vmem>>, vector<16xi32>,
    %swap3A_28 = vector.shape_cast %swap3A_27 : vector<16xi32> to vector<16xi32>
    %swap3A_29 = vector.shape_cast %max3A_25 : vector<16xi32> to vector<16xi32>
    tpu.vector_store %arg8[%swap3A_26], %swap3A_29 {strides = array<i32>} : memref<64xi32, #tpu.memory_space<vmem>>, vector<16xi32>,
    %get3A_30 = arith.constant 48 : index
    %get3A_31 = tpu.vector_load %arg7[%get3A_30] {strides = array<i32>} : memref<64xi32, #tpu.memory_space<vmem>>, vector<16xi32>,
    %get3A_32 = vector.shape_cast %get3A_31 : vector<16xi32> to vector<16xi32>
    %max3A_33 = arith.constant 0 : i32
    %max3A_34 = vector.broadcast %max3A_33 : i32 to vector<16xi32>
    %max3A_35 = arith.maxsi %get3A_32, %max3A_34 : vector<16xi32>
    %swap3A_36 = arith.constant 48 : index
    %swap3A_37 = tpu.vector_load %arg8[%swap3A_36] {strides = array<i32>} : memref<64xi32, #tpu.memory_space<vmem>>, vector<16xi32>,
    %swap3A_38 = vector.shape_cast %swap3A_37 : vector<16xi32> to vector<16xi32>
    %swap3A_39 = vector.shape_cast %max3A_35 : vector<16xi32> to vector<16xi32>
    tpu.vector_store %arg8[%swap3A_36], %swap3A_39 {strides = array<i32>} : memref<64xi32, #tpu.memory_space<vmem>>, vector<16xi32>,
    %dma_start3A = arith.constant 0 : i32
    %dma_start3A_40 = tpu.memref_slice %arg4[%dma_start3A] : memref<20000xf32, #tpu.memory_space<hbm>> -> memref<20000xf32, #tpu.memory_space<hbm>>
    tpu.enqueue_indirect_dma source(%dma_start3A_40 : memref<20000xf32, #tpu.memory_space<hbm>>) target(%arg9 : memref<64xf32, #tpu.memory_space<vmem>>) offsets(%arg8 : memref<64xi32, #tpu.memory_space<vmem>>) semaphore(%arg14 : memref<!tpu.dma_semaphore, #tpu.memory_space<semaphore_mem>>)
    %dma_wait3A = arith.constant 0 : i32
    %dma_wait3A_41 = tpu.memref_slice %arg4[%dma_wait3A] : memref<20000xf32, #tpu.memory_space<hbm>> -> memref<20000xf32, #tpu.memory_space<hbm>>
    tpu.wait_indirect_dma semaphore(%arg14 : memref<!tpu.dma_semaphore, #tpu.memory_space<semaphore_mem>>) src(%dma_wait3A_41 : memref<20000xf32, #tpu.memory_space<hbm>>) dst(%arg9 : memref<64xf32, #tpu.memory_space<vmem>>)
    %get3A_42 = arith.constant 0 : index
    %get3A_43 = tpu.vector_load %arg7[%get3A_42] {strides = array<i32>} : memref<64xi32, #tpu.memory_space<vmem>>, vector<16xi32>,
    %get3A_44 = vector.shape_cast %get3A_43 : vector<16xi32> to vector<16xi32>
    %ge3A = arith.constant 0 : i32
    %ge3A_45 = vector.broadcast %ge3A : i32 to vector<16xi32>
    %ge3A_46 = arith.cmpi sge, %get3A_44, %ge3A_45 : vector<16xi32>
    %get3A_47 = arith.constant 0 : index
    %get3A_48 = tpu.vector_load %arg9[%get3A_47] {strides = array<i32>} : memref<64xf32, #tpu.memory_space<vmem>>, vector<16xf32>,
    %get3A_49 = vector.shape_cast %get3A_48 : vector<16xf32> to vector<16xf32>
    %jit3A = arith.constant 0.000000e+00 : f32
    %broadcast_in_dim3A = vector.broadcast %jit3A : f32 to vector<16xf32>
    %select_n3A = arith.select %ge3A_46, %get3A_49, %broadcast_in_dim3A : vector<16xi1>, vector<16xf32>
    %swap3A_50 = arith.constant 0 : index
    %swap3A_51 = tpu.vector_load %arg10[%swap3A_50] {strides = array<i32>} : memref<64xf32, #tpu.memory_space<vmem>>, vector<16xf32>,
    %swap3A_52 = vector.shape_cast %swap3A_51 : vector<16xf32> to vector<16xf32>
    %swap3A_53 = vector.shape_cast %select_n3A : vector<16xf32> to vector<16xf32>
    tpu.vector_store %arg10[%swap3A_50], %swap3A_53 {strides = array<i32>} : memref<64xf32, #tpu.memory_space<vmem>>, vector<16xf32>,
    %get3A_54 = arith.constant 16 : index
    %get3A_55 = tpu.vector_load %arg7[%get3A_54] {strides = array<i32>} : memref<64xi32, #tpu.memory_space<vmem>>, vector<16xi32>,
    %get3A_56 = vector.shape_cast %get3A_55 : vector<16xi32> to vector<16xi32>
    %ge3A_57 = arith.constant 0 : i32
    %ge3A_58 = vector.broadcast %ge3A_57 : i32 to vector<16xi32>
    %ge3A_59 = arith.cmpi sge, %get3A_56, %ge3A_58 : vector<16xi32>
    %get3A_60 = arith.constant 16 : index
    %get3A_61 = tpu.vector_load %arg9[%get3A_60] {strides = array<i32>} : memref<64xf32, #tpu.memory_space<vmem>>, vector<16xf32>,
    %get3A_62 = vector.shape_cast %get3A_61 : vector<16xf32> to vector<16xf32>
    %jit3A_63 = arith.constant 0.000000e+00 : f32
    %broadcast_in_dim3A_64 = vector.broadcast %jit3A_63 : f32 to vector<16xf32>
    %select_n3A_65 = arith.select %ge3A_59, %get3A_62, %broadcast_in_dim3A_64 : vector<16xi1>, vector<16xf32>
    %swap3A_66 = arith.constant 16 : index
    %swap3A_67 = tpu.vector_load %arg10[%swap3A_66] {strides = array<i32>} : memref<64xf32, #tpu.memory_space<vmem>>, vector<16xf32>,
    %swap3A_68 = vector.shape_cast %swap3A_67 : vector<16xf32> to vector<16xf32>
    %swap3A_69 = vector.shape_cast %select_n3A_65 : vector<16xf32> to vector<16xf32>
    tpu.vector_store %arg10[%swap3A_66], %swap3A_69 {strides = array<i32>} : memref<64xf32, #tpu.memory_space<vmem>>, vector<16xf32>,
    %get3A_70 = arith.constant 32 : index
    %get3A_71 = tpu.vector_load %arg7[%get3A_70] {strides = array<i32>} : memref<64xi32, #tpu.memory_space<vmem>>, vector<16xi32>,
    %get3A_72 = vector.shape_cast %get3A_71 : vector<16xi32> to vector<16xi32>
    %ge3A_73 = arith.constant 0 : i32
    %ge3A_74 = vector.broadcast %ge3A_73 : i32 to vector<16xi32>
    %ge3A_75 = arith.cmpi sge, %get3A_72, %ge3A_74 : vector<16xi32>
    %get3A_76 = arith.constant 32 : index
    %get3A_77 = tpu.vector_load %arg9[%get3A_76] {strides = array<i32>} : memref<64xf32, #tpu.memory_space<vmem>>, vector<16xf32>,
    %get3A_78 = vector.shape_cast %get3A_77 : vector<16xf32> to vector<16xf32>
    %jit3A_79 = arith.constant 0.000000e+00 : f32
    %broadcast_in_dim3A_80 = vector.broadcast %jit3A_79 : f32 to vector<16xf32>
    %select_n3A_81 = arith.select %ge3A_75, %get3A_78, %broadcast_in_dim3A_80 : vector<16xi1>, vector<16xf32>
    %swap3A_82 = arith.constant 32 : index
    %swap3A_83 = tpu.vector_load %arg10[%swap3A_82] {strides = array<i32>} : memref<64xf32, #tpu.memory_space<vmem>>, vector<16xf32>,
    %swap3A_84 = vector.shape_cast %swap3A_83 : vector<16xf32> to vector<16xf32>
    %swap3A_85 = vector.shape_cast %select_n3A_81 : vector<16xf32> to vector<16xf32>
    tpu.vector_store %arg10[%swap3A_82], %swap3A_85 {strides = array<i32>} : memref<64xf32, #tpu.memory_space<vmem>>, vector<16xf32>,
    %get3A_86 = arith.constant 48 : index
    %get3A_87 = tpu.vector_load %arg7[%get3A_86] {strides = array<i32>} : memref<64xi32, #tpu.memory_space<vmem>>, vector<16xi32>,
    %get3A_88 = vector.shape_cast %get3A_87 : vector<16xi32> to vector<16xi32>
    %ge3A_89 = arith.constant 0 : i32
    %ge3A_90 = vector.broadcast %ge3A_89 : i32 to vector<16xi32>
    %ge3A_91 = arith.cmpi sge, %get3A_88, %ge3A_90 : vector<16xi32>
    %get3A_92 = arith.constant 48 : index
    %get3A_93 = tpu.vector_load %arg9[%get3A_92] {strides = array<i32>} : memref<64xf32, #tpu.memory_space<vmem>>, vector<16xf32>,
    %get3A_94 = vector.shape_cast %get3A_93 : vector<16xf32> to vector<16xf32>
    %jit3A_95 = arith.constant 0.000000e+00 : f32
    %broadcast_in_dim3A_96 = vector.broadcast %jit3A_95 : f32 to vector<16xf32>
    %select_n3A_97 = arith.select %ge3A_91, %get3A_94, %broadcast_in_dim3A_96 : vector<16xi1>, vector<16xf32>
    %swap3A_98 = arith.constant 48 : index
    %swap3A_99 = tpu.vector_load %arg10[%swap3A_98] {strides = array<i32>} : memref<64xf32, #tpu.memory_space<vmem>>, vector<16xf32>,
    %swap3A_100 = vector.shape_cast %swap3A_99 : vector<16xf32> to vector<16xf32>
    %swap3A_101 = vector.shape_cast %select_n3A_97 : vector<16xf32> to vector<16xf32>
    tpu.vector_store %arg10[%swap3A_98], %swap3A_101 {strides = array<i32>} : memref<64xf32, #tpu.memory_space<vmem>>, vector<16xf32>,
    "tpu.region"() ({
      %run_scoped3A = tpu.sem_alloc : memref<!tpu.dma_semaphore, #tpu.memory_space<semaphore_mem>>
      %dma_start3A_626 = tpu.memref_slice %arg6[%mul3A_2] : memref<2048xf32, #tpu.memory_space<hbm>> -> memref<64xf32, #tpu.memory_space<hbm>>
      %dma_start3A_627 = tpu.memref_slice %arg6[%mul3A_2] : memref<2048xf32, #tpu.memory_space<hbm>> -> memref<64xf32, #tpu.memory_space<hbm>>
      tpu.enqueue_dma source(%arg10 : memref<64xf32, #tpu.memory_space<vmem>>) target(%dma_start3A_627 : memref<64xf32, #tpu.memory_space<hbm>>) target_semaphore(%run_scoped3A : memref<!tpu.dma_semaphore, #tpu.memory_space<semaphore_mem>>)
      %dma_wait3A_628 = tpu.memref_slice %arg6[%mul3A_2] : memref<2048xf32, #tpu.memory_space<hbm>> -> memref<64xf32, #tpu.memory_space<hbm>>
      %dma_wait3A_629 = tpu.memref_slice %arg6[%mul3A_2] : memref<2048xf32, #tpu.memory_space<hbm>> -> memref<64xf32, #tpu.memory_space<hbm>>
      tpu.wait_dma2 semaphore(%run_scoped3A : memref<!tpu.dma_semaphore, #tpu.memory_space<semaphore_mem>>) src(%arg10 : memref<64xf32, #tpu.memory_space<vmem>>) dst(%dma_wait3A_629 : memref<64xf32, #tpu.memory_space<hbm>>)
      tpu.yield
    }) : () -> ()
    %get3A_102 = arith.constant 0 : index
    %get3A_103 = tpu.vector_load %arg7[%get3A_102] {strides = array<i32>} : memref<64xi32, #tpu.memory_space<vmem>>, vector<16xi32>,
    %get3A_104 = vector.shape_cast %get3A_103 : vector<16xi32> to vector<16xi32>
    %max3A_105 = arith.constant 0 : i32
    %max3A_106 = vector.broadcast %max3A_105 : i32 to vector<16xi32>
    %max3A_107 = arith.maxsi %get3A_104, %max3A_106 : vector<16xi32>
    %mul3A_108 = arith.constant 4 : i32
    %mul3A_109 = vector.broadcast %mul3A_108 : i32 to vector<16xi32>
    %mul3A_110 = arith.muli %max3A_107, %mul3A_109 : vector<16xi32>
    %add3A_111 = arith.constant 0 : i32
    %add3A_112 = vector.broadcast %add3A_111 : i32 to vector<16xi32>
    %add3A_113 = arith.addi %mul3A_110, %add3A_112 : vector<16xi32>
    %swap3A_114 = arith.constant 0 : index
    %swap3A_115 = tpu.vector_load %arg11[%swap3A_114] {strides = array<i32>} : memref<256xi32, #tpu.memory_space<vmem>>, vector<16xi32>,
    %swap3A_116 = vector.shape_cast %swap3A_115 : vector<16xi32> to vector<16xi32>
    %swap3A_117 = vector.shape_cast %add3A_113 : vector<16xi32> to vector<16xi32>
    tpu.vector_store %arg11[%swap3A_114], %swap3A_117 {strides = array<i32>} : memref<256xi32, #tpu.memory_space<vmem>>, vector<16xi32>,
    %get3A_118 = arith.constant 16 : index
    %get3A_119 = tpu.vector_load %arg7[%get3A_118] {strides = array<i32>} : memref<64xi32, #tpu.memory_space<vmem>>, vector<16xi32>,
    %get3A_120 = vector.shape_cast %get3A_119 : vector<16xi32> to vector<16xi32>
    %max3A_121 = arith.constant 0 : i32
    %max3A_122 = vector.broadcast %max3A_121 : i32 to vector<16xi32>
    %max3A_123 = arith.maxsi %get3A_120, %max3A_122 : vector<16xi32>
    %mul3A_124 = arith.constant 4 : i32
    %mul3A_125 = vector.broadcast %mul3A_124 : i32 to vector<16xi32>
    %mul3A_126 = arith.muli %max3A_123, %mul3A_125 : vector<16xi32>
    %add3A_127 = arith.constant 0 : i32
    %add3A_128 = vector.broadcast %add3A_127 : i32 to vector<16xi32>
    %add3A_129 = arith.addi %mul3A_126, %add3A_128 : vector<16xi32>
    %swap3A_130 = arith.constant 16 : index
    %swap3A_131 = tpu.vector_load %arg11[%swap3A_130] {strides = array<i32>} : memref<256xi32, #tpu.memory_space<vmem>>, vector<16xi32>,
    %swap3A_132 = vector.shape_cast %swap3A_131 : vector<16xi32> to vector<16xi32>
    %swap3A_133 = vector.shape_cast %add3A_129 : vector<16xi32> to vector<16xi32>
    tpu.vector_store %arg11[%swap3A_130], %swap3A_133 {strides = array<i32>} : memref<256xi32, #tpu.memory_space<vmem>>, vector<16xi32>,
    %get3A_134 = arith.constant 32 : index
    %get3A_135 = tpu.vector_load %arg7[%get3A_134] {strides = array<i32>} : memref<64xi32, #tpu.memory_space<vmem>>, vector<16xi32>,
    %get3A_136 = vector.shape_cast %get3A_135 : vector<16xi32> to vector<16xi32>
    %max3A_137 = arith.constant 0 : i32
    %max3A_138 = vector.broadcast %max3A_137 : i32 to vector<16xi32>
    %max3A_139 = arith.maxsi %get3A_136, %max3A_138 : vector<16xi32>
    %mul3A_140 = arith.constant 4 : i32
    %mul3A_141 = vector.broadcast %mul3A_140 : i32 to vector<16xi32>
    %mul3A_142 = arith.muli %max3A_139, %mul3A_141 : vector<16xi32>
    %add3A_143 = arith.constant 0 : i32
    %add3A_144 = vector.broadcast %add3A_143 : i32 to vector<16xi32>
    %add3A_145 = arith.addi %mul3A_142, %add3A_144 : vector<16xi32>
    %swap3A_146 = arith.constant 32 : index
    %swap3A_147 = tpu.vector_load %arg11[%swap3A_146] {strides = array<i32>} : memref<256xi32, #tpu.memory_space<vmem>>, vector<16xi32>,
    %swap3A_148 = vector.shape_cast %swap3A_147 : vector<16xi32> to vector<16xi32>
    %swap3A_149 = vector.shape_cast %add3A_145 : vector<16xi32> to vector<16xi32>
    tpu.vector_store %arg11[%swap3A_146], %swap3A_149 {strides = array<i32>} : memref<256xi32, #tpu.memory_space<vmem>>, vector<16xi32>,
    %get3A_150 = arith.constant 48 : index
    %get3A_151 = tpu.vector_load %arg7[%get3A_150] {strides = array<i32>} : memref<64xi32, #tpu.memory_space<vmem>>, vector<16xi32>,
    %get3A_152 = vector.shape_cast %get3A_151 : vector<16xi32> to vector<16xi32>
    %max3A_153 = arith.constant 0 : i32
    %max3A_154 = vector.broadcast %max3A_153 : i32 to vector<16xi32>
    %max3A_155 = arith.maxsi %get3A_152, %max3A_154 : vector<16xi32>
    %mul3A_156 = arith.constant 4 : i32
    %mul3A_157 = vector.broadcast %mul3A_156 : i32 to vector<16xi32>
    %mul3A_158 = arith.muli %max3A_155, %mul3A_157 : vector<16xi32>
    %add3A_159 = arith.constant 0 : i32
    %add3A_160 = vector.broadcast %add3A_159 : i32 to vector<16xi32>
    %add3A_161 = arith.addi %mul3A_158, %add3A_160 : vector<16xi32>
    %swap3A_162 = arith.constant 48 : index
    %swap3A_163 = tpu.vector_load %arg11[%swap3A_162] {strides = array<i32>} : memref<256xi32, #tpu.memory_space<vmem>>, vector<16xi32>,
    %swap3A_164 = vector.shape_cast %swap3A_163 : vector<16xi32> to vector<16xi32>
    %swap3A_165 = vector.shape_cast %add3A_161 : vector<16xi32> to vector<16xi32>
    tpu.vector_store %arg11[%swap3A_162], %swap3A_165 {strides = array<i32>} : memref<256xi32, #tpu.memory_space<vmem>>, vector<16xi32>,
    %get3A_166 = arith.constant 0 : index
    %get3A_167 = tpu.vector_load %arg7[%get3A_166] {strides = array<i32>} : memref<64xi32, #tpu.memory_space<vmem>>, vector<16xi32>,
    %get3A_168 = vector.shape_cast %get3A_167 : vector<16xi32> to vector<16xi32>
    %max3A_169 = arith.constant 0 : i32
    %max3A_170 = vector.broadcast %max3A_169 : i32 to vector<16xi32>
    %max3A_171 = arith.maxsi %get3A_168, %max3A_170 : vector<16xi32>
    %mul3A_172 = arith.constant 4 : i32
    %mul3A_173 = vector.broadcast %mul3A_172 : i32 to vector<16xi32>
    %mul3A_174 = arith.muli %max3A_171, %mul3A_173 : vector<16xi32>
    %add3A_175 = arith.constant 1 : i32
    %add3A_176 = vector.broadcast %add3A_175 : i32 to vector<16xi32>
    %add3A_177 = arith.addi %mul3A_174, %add3A_176 : vector<16xi32>
    %swap3A_178 = arith.constant 64 : index
    %swap3A_179 = tpu.vector_load %arg11[%swap3A_178] {strides = array<i32>} : memref<256xi32, #tpu.memory_space<vmem>>, vector<16xi32>,
    %swap3A_180 = vector.shape_cast %swap3A_179 : vector<16xi32> to vector<16xi32>
    %swap3A_181 = vector.shape_cast %add3A_177 : vector<16xi32> to vector<16xi32>
    tpu.vector_store %arg11[%swap3A_178], %swap3A_181 {strides = array<i32>} : memref<256xi32, #tpu.memory_space<vmem>>, vector<16xi32>,
    %get3A_182 = arith.constant 16 : index
    %get3A_183 = tpu.vector_load %arg7[%get3A_182] {strides = array<i32>} : memref<64xi32, #tpu.memory_space<vmem>>, vector<16xi32>,
    %get3A_184 = vector.shape_cast %get3A_183 : vector<16xi32> to vector<16xi32>
    %max3A_185 = arith.constant 0 : i32
    %max3A_186 = vector.broadcast %max3A_185 : i32 to vector<16xi32>
    %max3A_187 = arith.maxsi %get3A_184, %max3A_186 : vector<16xi32>
    %mul3A_188 = arith.constant 4 : i32
    %mul3A_189 = vector.broadcast %mul3A_188 : i32 to vector<16xi32>
    %mul3A_190 = arith.muli %max3A_187, %mul3A_189 : vector<16xi32>
    %add3A_191 = arith.constant 1 : i32
    %add3A_192 = vector.broadcast %add3A_191 : i32 to vector<16xi32>
    %add3A_193 = arith.addi %mul3A_190, %add3A_192 : vector<16xi32>
    %swap3A_194 = arith.constant 80 : index
    %swap3A_195 = tpu.vector_load %arg11[%swap3A_194] {strides = array<i32>} : memref<256xi32, #tpu.memory_space<vmem>>, vector<16xi32>,
    %swap3A_196 = vector.shape_cast %swap3A_195 : vector<16xi32> to vector<16xi32>
    %swap3A_197 = vector.shape_cast %add3A_193 : vector<16xi32> to vector<16xi32>
    tpu.vector_store %arg11[%swap3A_194], %swap3A_197 {strides = array<i32>} : memref<256xi32, #tpu.memory_space<vmem>>, vector<16xi32>,
    %get3A_198 = arith.constant 32 : index
    %get3A_199 = tpu.vector_load %arg7[%get3A_198] {strides = array<i32>} : memref<64xi32, #tpu.memory_space<vmem>>, vector<16xi32>,
    %get3A_200 = vector.shape_cast %get3A_199 : vector<16xi32> to vector<16xi32>
    %max3A_201 = arith.constant 0 : i32
    %max3A_202 = vector.broadcast %max3A_201 : i32 to vector<16xi32>
    %max3A_203 = arith.maxsi %get3A_200, %max3A_202 : vector<16xi32>
    %mul3A_204 = arith.constant 4 : i32
    %mul3A_205 = vector.broadcast %mul3A_204 : i32 to vector<16xi32>
    %mul3A_206 = arith.muli %max3A_203, %mul3A_205 : vector<16xi32>
    %add3A_207 = arith.constant 1 : i32
    %add3A_208 = vector.broadcast %add3A_207 : i32 to vector<16xi32>
    %add3A_209 = arith.addi %mul3A_206, %add3A_208 : vector<16xi32>
    %swap3A_210 = arith.constant 96 : index
    %swap3A_211 = tpu.vector_load %arg11[%swap3A_210] {strides = array<i32>} : memref<256xi32, #tpu.memory_space<vmem>>, vector<16xi32>,
    %swap3A_212 = vector.shape_cast %swap3A_211 : vector<16xi32> to vector<16xi32>
    %swap3A_213 = vector.shape_cast %add3A_209 : vector<16xi32> to vector<16xi32>
    tpu.vector_store %arg11[%swap3A_210], %swap3A_213 {strides = array<i32>} : memref<256xi32, #tpu.memory_space<vmem>>, vector<16xi32>,
    %get3A_214 = arith.constant 48 : index
    %get3A_215 = tpu.vector_load %arg7[%get3A_214] {strides = array<i32>} : memref<64xi32, #tpu.memory_space<vmem>>, vector<16xi32>,
    %get3A_216 = vector.shape_cast %get3A_215 : vector<16xi32> to vector<16xi32>
    %max3A_217 = arith.constant 0 : i32
    %max3A_218 = vector.broadcast %max3A_217 : i32 to vector<16xi32>
    %max3A_219 = arith.maxsi %get3A_216, %max3A_218 : vector<16xi32>
    %mul3A_220 = arith.constant 4 : i32
    %mul3A_221 = vector.broadcast %mul3A_220 : i32 to vector<16xi32>
    %mul3A_222 = arith.muli %max3A_219, %mul3A_221 : vector<16xi32>
    %add3A_223 = arith.constant 1 : i32
    %add3A_224 = vector.broadcast %add3A_223 : i32 to vector<16xi32>
    %add3A_225 = arith.addi %mul3A_222, %add3A_224 : vector<16xi32>
    %swap3A_226 = arith.constant 112 : index
    %swap3A_227 = tpu.vector_load %arg11[%swap3A_226] {strides = array<i32>} : memref<256xi32, #tpu.memory_space<vmem>>, vector<16xi32>,
    %swap3A_228 = vector.shape_cast %swap3A_227 : vector<16xi32> to vector<16xi32>
    %swap3A_229 = vector.shape_cast %add3A_225 : vector<16xi32> to vector<16xi32>
    tpu.vector_store %arg11[%swap3A_226], %swap3A_229 {strides = array<i32>} : memref<256xi32, #tpu.memory_space<vmem>>, vector<16xi32>,
    %get3A_230 = arith.constant 0 : index
    %get3A_231 = tpu.vector_load %arg7[%get3A_230] {strides = array<i32>} : memref<64xi32, #tpu.memory_space<vmem>>, vector<16xi32>,
    %get3A_232 = vector.shape_cast %get3A_231 : vector<16xi32> to vector<16xi32>
    %max3A_233 = arith.constant 0 : i32
    %max3A_234 = vector.broadcast %max3A_233 : i32 to vector<16xi32>
    %max3A_235 = arith.maxsi %get3A_232, %max3A_234 : vector<16xi32>
    %mul3A_236 = arith.constant 4 : i32
    %mul3A_237 = vector.broadcast %mul3A_236 : i32 to vector<16xi32>
    %mul3A_238 = arith.muli %max3A_235, %mul3A_237 : vector<16xi32>
    %add3A_239 = arith.constant 2 : i32
    %add3A_240 = vector.broadcast %add3A_239 : i32 to vector<16xi32>
    %add3A_241 = arith.addi %mul3A_238, %add3A_240 : vector<16xi32>
    %swap3A_242 = arith.constant 128 : index
    %swap3A_243 = tpu.vector_load %arg11[%swap3A_242] {strides = array<i32>} : memref<256xi32, #tpu.memory_space<vmem>>, vector<16xi32>,
    %swap3A_244 = vector.shape_cast %swap3A_243 : vector<16xi32> to vector<16xi32>
    %swap3A_245 = vector.shape_cast %add3A_241 : vector<16xi32> to vector<16xi32>
    tpu.vector_store %arg11[%swap3A_242], %swap3A_245 {strides = array<i32>} : memref<256xi32, #tpu.memory_space<vmem>>, vector<16xi32>,
    %get3A_246 = arith.constant 16 : index
    %get3A_247 = tpu.vector_load %arg7[%get3A_246] {strides = array<i32>} : memref<64xi32, #tpu.memory_space<vmem>>, vector<16xi32>,
    %get3A_248 = vector.shape_cast %get3A_247 : vector<16xi32> to vector<16xi32>
    %max3A_249 = arith.constant 0 : i32
    %max3A_250 = vector.broadcast %max3A_249 : i32 to vector<16xi32>
    %max3A_251 = arith.maxsi %get3A_248, %max3A_250 : vector<16xi32>
    %mul3A_252 = arith.constant 4 : i32
    %mul3A_253 = vector.broadcast %mul3A_252 : i32 to vector<16xi32>
    %mul3A_254 = arith.muli %max3A_251, %mul3A_253 : vector<16xi32>
    %add3A_255 = arith.constant 2 : i32
    %add3A_256 = vector.broadcast %add3A_255 : i32 to vector<16xi32>
    %add3A_257 = arith.addi %mul3A_254, %add3A_256 : vector<16xi32>
    %swap3A_258 = arith.constant 144 : index
    %swap3A_259 = tpu.vector_load %arg11[%swap3A_258] {strides = array<i32>} : memref<256xi32, #tpu.memory_space<vmem>>, vector<16xi32>,
    %swap3A_260 = vector.shape_cast %swap3A_259 : vector<16xi32> to vector<16xi32>
    %swap3A_261 = vector.shape_cast %add3A_257 : vector<16xi32> to vector<16xi32>
    tpu.vector_store %arg11[%swap3A_258], %swap3A_261 {strides = array<i32>} : memref<256xi32, #tpu.memory_space<vmem>>, vector<16xi32>,
    %get3A_262 = arith.constant 32 : index
    %get3A_263 = tpu.vector_load %arg7[%get3A_262] {strides = array<i32>} : memref<64xi32, #tpu.memory_space<vmem>>, vector<16xi32>,
    %get3A_264 = vector.shape_cast %get3A_263 : vector<16xi32> to vector<16xi32>
    %max3A_265 = arith.constant 0 : i32
    %max3A_266 = vector.broadcast %max3A_265 : i32 to vector<16xi32>
    %max3A_267 = arith.maxsi %get3A_264, %max3A_266 : vector<16xi32>
    %mul3A_268 = arith.constant 4 : i32
    %mul3A_269 = vector.broadcast %mul3A_268 : i32 to vector<16xi32>
    %mul3A_270 = arith.muli %max3A_267, %mul3A_269 : vector<16xi32>
    %add3A_271 = arith.constant 2 : i32
    %add3A_272 = vector.broadcast %add3A_271 : i32 to vector<16xi32>
    %add3A_273 = arith.addi %mul3A_270, %add3A_272 : vector<16xi32>
    %swap3A_274 = arith.constant 160 : index
    %swap3A_275 = tpu.vector_load %arg11[%swap3A_274] {strides = array<i32>} : memref<256xi32, #tpu.memory_space<vmem>>, vector<16xi32>,
    %swap3A_276 = vector.shape_cast %swap3A_275 : vector<16xi32> to vector<16xi32>
    %swap3A_277 = vector.shape_cast %add3A_273 : vector<16xi32> to vector<16xi32>
    tpu.vector_store %arg11[%swap3A_274], %swap3A_277 {strides = array<i32>} : memref<256xi32, #tpu.memory_space<vmem>>, vector<16xi32>,
    %get3A_278 = arith.constant 48 : index
    %get3A_279 = tpu.vector_load %arg7[%get3A_278] {strides = array<i32>} : memref<64xi32, #tpu.memory_space<vmem>>, vector<16xi32>,
    %get3A_280 = vector.shape_cast %get3A_279 : vector<16xi32> to vector<16xi32>
    %max3A_281 = arith.constant 0 : i32
    %max3A_282 = vector.broadcast %max3A_281 : i32 to vector<16xi32>
    %max3A_283 = arith.maxsi %get3A_280, %max3A_282 : vector<16xi32>
    %mul3A_284 = arith.constant 4 : i32
    %mul3A_285 = vector.broadcast %mul3A_284 : i32 to vector<16xi32>
    %mul3A_286 = arith.muli %max3A_283, %mul3A_285 : vector<16xi32>
    %add3A_287 = arith.constant 2 : i32
    %add3A_288 = vector.broadcast %add3A_287 : i32 to vector<16xi32>
    %add3A_289 = arith.addi %mul3A_286, %add3A_288 : vector<16xi32>
    %swap3A_290 = arith.constant 176 : index
    %swap3A_291 = tpu.vector_load %arg11[%swap3A_290] {strides = array<i32>} : memref<256xi32, #tpu.memory_space<vmem>>, vector<16xi32>,
    %swap3A_292 = vector.shape_cast %swap3A_291 : vector<16xi32> to vector<16xi32>
    %swap3A_293 = vector.shape_cast %add3A_289 : vector<16xi32> to vector<16xi32>
    tpu.vector_store %arg11[%swap3A_290], %swap3A_293 {strides = array<i32>} : memref<256xi32, #tpu.memory_space<vmem>>, vector<16xi32>,
    %get3A_294 = arith.constant 0 : index
    %get3A_295 = tpu.vector_load %arg7[%get3A_294] {strides = array<i32>} : memref<64xi32, #tpu.memory_space<vmem>>, vector<16xi32>,
    %get3A_296 = vector.shape_cast %get3A_295 : vector<16xi32> to vector<16xi32>
    %max3A_297 = arith.constant 0 : i32
    %max3A_298 = vector.broadcast %max3A_297 : i32 to vector<16xi32>
    %max3A_299 = arith.maxsi %get3A_296, %max3A_298 : vector<16xi32>
    %mul3A_300 = arith.constant 4 : i32
    %mul3A_301 = vector.broadcast %mul3A_300 : i32 to vector<16xi32>
    %mul3A_302 = arith.muli %max3A_299, %mul3A_301 : vector<16xi32>
    %add3A_303 = arith.constant 3 : i32
    %add3A_304 = vector.broadcast %add3A_303 : i32 to vector<16xi32>
    %add3A_305 = arith.addi %mul3A_302, %add3A_304 : vector<16xi32>
    %swap3A_306 = arith.constant 192 : index
    %swap3A_307 = tpu.vector_load %arg11[%swap3A_306] {strides = array<i32>} : memref<256xi32, #tpu.memory_space<vmem>>, vector<16xi32>,
    %swap3A_308 = vector.shape_cast %swap3A_307 : vector<16xi32> to vector<16xi32>
    %swap3A_309 = vector.shape_cast %add3A_305 : vector<16xi32> to vector<16xi32>
    tpu.vector_store %arg11[%swap3A_306], %swap3A_309 {strides = array<i32>} : memref<256xi32, #tpu.memory_space<vmem>>, vector<16xi32>,
    %get3A_310 = arith.constant 16 : index
    %get3A_311 = tpu.vector_load %arg7[%get3A_310] {strides = array<i32>} : memref<64xi32, #tpu.memory_space<vmem>>, vector<16xi32>,
    %get3A_312 = vector.shape_cast %get3A_311 : vector<16xi32> to vector<16xi32>
    %max3A_313 = arith.constant 0 : i32
    %max3A_314 = vector.broadcast %max3A_313 : i32 to vector<16xi32>
    %max3A_315 = arith.maxsi %get3A_312, %max3A_314 : vector<16xi32>
    %mul3A_316 = arith.constant 4 : i32
    %mul3A_317 = vector.broadcast %mul3A_316 : i32 to vector<16xi32>
    %mul3A_318 = arith.muli %max3A_315, %mul3A_317 : vector<16xi32>
    %add3A_319 = arith.constant 3 : i32
    %add3A_320 = vector.broadcast %add3A_319 : i32 to vector<16xi32>
    %add3A_321 = arith.addi %mul3A_318, %add3A_320 : vector<16xi32>
    %swap3A_322 = arith.constant 208 : index
    %swap3A_323 = tpu.vector_load %arg11[%swap3A_322] {strides = array<i32>} : memref<256xi32, #tpu.memory_space<vmem>>, vector<16xi32>,
    %swap3A_324 = vector.shape_cast %swap3A_323 : vector<16xi32> to vector<16xi32>
    %swap3A_325 = vector.shape_cast %add3A_321 : vector<16xi32> to vector<16xi32>
    tpu.vector_store %arg11[%swap3A_322], %swap3A_325 {strides = array<i32>} : memref<256xi32, #tpu.memory_space<vmem>>, vector<16xi32>,
    %get3A_326 = arith.constant 32 : index
    %get3A_327 = tpu.vector_load %arg7[%get3A_326] {strides = array<i32>} : memref<64xi32, #tpu.memory_space<vmem>>, vector<16xi32>,
    %get3A_328 = vector.shape_cast %get3A_327 : vector<16xi32> to vector<16xi32>
    %max3A_329 = arith.constant 0 : i32
    %max3A_330 = vector.broadcast %max3A_329 : i32 to vector<16xi32>
    %max3A_331 = arith.maxsi %get3A_328, %max3A_330 : vector<16xi32>
    %mul3A_332 = arith.constant 4 : i32
    %mul3A_333 = vector.broadcast %mul3A_332 : i32 to vector<16xi32>
    %mul3A_334 = arith.muli %max3A_331, %mul3A_333 : vector<16xi32>
    %add3A_335 = arith.constant 3 : i32
    %add3A_336 = vector.broadcast %add3A_335 : i32 to vector<16xi32>
    %add3A_337 = arith.addi %mul3A_334, %add3A_336 : vector<16xi32>
    %swap3A_338 = arith.constant 224 : index
    %swap3A_339 = tpu.vector_load %arg11[%swap3A_338] {strides = array<i32>} : memref<256xi32, #tpu.memory_space<vmem>>, vector<16xi32>,
    %swap3A_340 = vector.shape_cast %swap3A_339 : vector<16xi32> to vector<16xi32>
    %swap3A_341 = vector.shape_cast %add3A_337 : vector<16xi32> to vector<16xi32>
    tpu.vector_store %arg11[%swap3A_338], %swap3A_341 {strides = array<i32>} : memref<256xi32, #tpu.memory_space<vmem>>, vector<16xi32>,
    %get3A_342 = arith.constant 48 : index
    %get3A_343 = tpu.vector_load %arg7[%get3A_342] {strides = array<i32>} : memref<64xi32, #tpu.memory_space<vmem>>, vector<16xi32>,
    %get3A_344 = vector.shape_cast %get3A_343 : vector<16xi32> to vector<16xi32>
    %max3A_345 = arith.constant 0 : i32
    %max3A_346 = vector.broadcast %max3A_345 : i32 to vector<16xi32>
    %max3A_347 = arith.maxsi %get3A_344, %max3A_346 : vector<16xi32>
    %mul3A_348 = arith.constant 4 : i32
    %mul3A_349 = vector.broadcast %mul3A_348 : i32 to vector<16xi32>
    %mul3A_350 = arith.muli %max3A_347, %mul3A_349 : vector<16xi32>
    %add3A_351 = arith.constant 3 : i32
    %add3A_352 = vector.broadcast %add3A_351 : i32 to vector<16xi32>
    %add3A_353 = arith.addi %mul3A_350, %add3A_352 : vector<16xi32>
    %swap3A_354 = arith.constant 240 : index
    %swap3A_355 = tpu.vector_load %arg11[%swap3A_354] {strides = array<i32>} : memref<256xi32, #tpu.memory_space<vmem>>, vector<16xi32>,
    %swap3A_356 = vector.shape_cast %swap3A_355 : vector<16xi32> to vector<16xi32>
    %swap3A_357 = vector.shape_cast %add3A_353 : vector<16xi32> to vector<16xi32>
    tpu.vector_store %arg11[%swap3A_354], %swap3A_357 {strides = array<i32>} : memref<256xi32, #tpu.memory_space<vmem>>, vector<16xi32>,
    %dma_start3A_358 = arith.constant 0 : i32
    %dma_start3A_359 = tpu.memref_slice %arg3[%dma_start3A_358] : memref<80000xf32, #tpu.memory_space<hbm>> -> memref<80000xf32, #tpu.memory_space<hbm>>
    tpu.enqueue_indirect_dma source(%dma_start3A_359 : memref<80000xf32, #tpu.memory_space<hbm>>) target(%arg12 : memref<256xf32, #tpu.memory_space<vmem>>) offsets(%arg11 : memref<256xi32, #tpu.memory_space<vmem>>) semaphore(%arg14 : memref<!tpu.dma_semaphore, #tpu.memory_space<semaphore_mem>>)
    %dma_wait3A_360 = arith.constant 0 : i32
    %dma_wait3A_361 = tpu.memref_slice %arg3[%dma_wait3A_360] : memref<80000xf32, #tpu.memory_space<hbm>> -> memref<80000xf32, #tpu.memory_space<hbm>>
    tpu.wait_indirect_dma semaphore(%arg14 : memref<!tpu.dma_semaphore, #tpu.memory_space<semaphore_mem>>) src(%dma_wait3A_361 : memref<80000xf32, #tpu.memory_space<hbm>>) dst(%arg12 : memref<256xf32, #tpu.memory_space<vmem>>)
    %get3A_362 = arith.constant 0 : index
    %get3A_363 = tpu.vector_load %arg7[%get3A_362] {strides = array<i32>} : memref<64xi32, #tpu.memory_space<vmem>>, vector<16xi32>,
    %get3A_364 = vector.shape_cast %get3A_363 : vector<16xi32> to vector<16xi32>
    %ge3A_365 = arith.constant 0 : i32
    %ge3A_366 = vector.broadcast %ge3A_365 : i32 to vector<16xi32>
    %ge3A_367 = arith.cmpi sge, %get3A_364, %ge3A_366 : vector<16xi32>
    %get3A_368 = arith.constant 0 : index
    %get3A_369 = tpu.vector_load %arg12[%get3A_368] {strides = array<i32>} : memref<256xf32, #tpu.memory_space<vmem>>, vector<16xf32>,
    %get3A_370 = vector.shape_cast %get3A_369 : vector<16xf32> to vector<16xf32>
    %jit3A_371 = arith.constant 0.000000e+00 : f32
    %broadcast_in_dim3A_372 = vector.broadcast %jit3A_371 : f32 to vector<16xf32>
    %select_n3A_373 = arith.select %ge3A_367, %get3A_370, %broadcast_in_dim3A_372 : vector<16xi1>, vector<16xf32>
    %swap3A_374 = arith.constant 0 : index
    %swap3A_375 = tpu.vector_load %arg13[%swap3A_374] {strides = array<i32>} : memref<256xf32, #tpu.memory_space<vmem>>, vector<16xf32>,
    %swap3A_376 = vector.shape_cast %swap3A_375 : vector<16xf32> to vector<16xf32>
    %swap3A_377 = vector.shape_cast %select_n3A_373 : vector<16xf32> to vector<16xf32>
    tpu.vector_store %arg13[%swap3A_374], %swap3A_377 {strides = array<i32>} : memref<256xf32, #tpu.memory_space<vmem>>, vector<16xf32>,
    %get3A_378 = arith.constant 16 : index
    %get3A_379 = tpu.vector_load %arg7[%get3A_378] {strides = array<i32>} : memref<64xi32, #tpu.memory_space<vmem>>, vector<16xi32>,
    %get3A_380 = vector.shape_cast %get3A_379 : vector<16xi32> to vector<16xi32>
    %ge3A_381 = arith.constant 0 : i32
    %ge3A_382 = vector.broadcast %ge3A_381 : i32 to vector<16xi32>
    %ge3A_383 = arith.cmpi sge, %get3A_380, %ge3A_382 : vector<16xi32>
    %get3A_384 = arith.constant 16 : index
    %get3A_385 = tpu.vector_load %arg12[%get3A_384] {strides = array<i32>} : memref<256xf32, #tpu.memory_space<vmem>>, vector<16xf32>,
    %get3A_386 = vector.shape_cast %get3A_385 : vector<16xf32> to vector<16xf32>
    %jit3A_387 = arith.constant 0.000000e+00 : f32
    %broadcast_in_dim3A_388 = vector.broadcast %jit3A_387 : f32 to vector<16xf32>
    %select_n3A_389 = arith.select %ge3A_383, %get3A_386, %broadcast_in_dim3A_388 : vector<16xi1>, vector<16xf32>
    %swap3A_390 = arith.constant 16 : index
    %swap3A_391 = tpu.vector_load %arg13[%swap3A_390] {strides = array<i32>} : memref<256xf32, #tpu.memory_space<vmem>>, vector<16xf32>,
    %swap3A_392 = vector.shape_cast %swap3A_391 : vector<16xf32> to vector<16xf32>
    %swap3A_393 = vector.shape_cast %select_n3A_389 : vector<16xf32> to vector<16xf32>
    tpu.vector_store %arg13[%swap3A_390], %swap3A_393 {strides = array<i32>} : memref<256xf32, #tpu.memory_space<vmem>>, vector<16xf32>,
    %get3A_394 = arith.constant 32 : index
    %get3A_395 = tpu.vector_load %arg7[%get3A_394] {strides = array<i32>} : memref<64xi32, #tpu.memory_space<vmem>>, vector<16xi32>,
    %get3A_396 = vector.shape_cast %get3A_395 : vector<16xi32> to vector<16xi32>
    %ge3A_397 = arith.constant 0 : i32
    %ge3A_398 = vector.broadcast %ge3A_397 : i32 to vector<16xi32>
    %ge3A_399 = arith.cmpi sge, %get3A_396, %ge3A_398 : vector<16xi32>
    %get3A_400 = arith.constant 32 : index
    %get3A_401 = tpu.vector_load %arg12[%get3A_400] {strides = array<i32>} : memref<256xf32, #tpu.memory_space<vmem>>, vector<16xf32>,
    %get3A_402 = vector.shape_cast %get3A_401 : vector<16xf32> to vector<16xf32>
    %jit3A_403 = arith.constant 0.000000e+00 : f32
    %broadcast_in_dim3A_404 = vector.broadcast %jit3A_403 : f32 to vector<16xf32>
    %select_n3A_405 = arith.select %ge3A_399, %get3A_402, %broadcast_in_dim3A_404 : vector<16xi1>, vector<16xf32>
    %swap3A_406 = arith.constant 32 : index
    %swap3A_407 = tpu.vector_load %arg13[%swap3A_406] {strides = array<i32>} : memref<256xf32, #tpu.memory_space<vmem>>, vector<16xf32>,
    %swap3A_408 = vector.shape_cast %swap3A_407 : vector<16xf32> to vector<16xf32>
    %swap3A_409 = vector.shape_cast %select_n3A_405 : vector<16xf32> to vector<16xf32>
    tpu.vector_store %arg13[%swap3A_406], %swap3A_409 {strides = array<i32>} : memref<256xf32, #tpu.memory_space<vmem>>, vector<16xf32>,
    %get3A_410 = arith.constant 48 : index
    %get3A_411 = tpu.vector_load %arg7[%get3A_410] {strides = array<i32>} : memref<64xi32, #tpu.memory_space<vmem>>, vector<16xi32>,
    %get3A_412 = vector.shape_cast %get3A_411 : vector<16xi32> to vector<16xi32>
    %ge3A_413 = arith.constant 0 : i32
    %ge3A_414 = vector.broadcast %ge3A_413 : i32 to vector<16xi32>
    %ge3A_415 = arith.cmpi sge, %get3A_412, %ge3A_414 : vector<16xi32>
    %get3A_416 = arith.constant 48 : index
    %get3A_417 = tpu.vector_load %arg12[%get3A_416] {strides = array<i32>} : memref<256xf32, #tpu.memory_space<vmem>>, vector<16xf32>,
    %get3A_418 = vector.shape_cast %get3A_417 : vector<16xf32> to vector<16xf32>
    %jit3A_419 = arith.constant 0.000000e+00 : f32
    %broadcast_in_dim3A_420 = vector.broadcast %jit3A_419 : f32 to vector<16xf32>
    %select_n3A_421 = arith.select %ge3A_415, %get3A_418, %broadcast_in_dim3A_420 : vector<16xi1>, vector<16xf32>
    %swap3A_422 = arith.constant 48 : index
    %swap3A_423 = tpu.vector_load %arg13[%swap3A_422] {strides = array<i32>} : memref<256xf32, #tpu.memory_space<vmem>>, vector<16xf32>,
    %swap3A_424 = vector.shape_cast %swap3A_423 : vector<16xf32> to vector<16xf32>
    %swap3A_425 = vector.shape_cast %select_n3A_421 : vector<16xf32> to vector<16xf32>
    tpu.vector_store %arg13[%swap3A_422], %swap3A_425 {strides = array<i32>} : memref<256xf32, #tpu.memory_space<vmem>>, vector<16xf32>,
    %get3A_426 = arith.constant 0 : index
    %get3A_427 = tpu.vector_load %arg7[%get3A_426] {strides = array<i32>} : memref<64xi32, #tpu.memory_space<vmem>>, vector<16xi32>,
    %get3A_428 = vector.shape_cast %get3A_427 : vector<16xi32> to vector<16xi32>
    %ge3A_429 = arith.constant 0 : i32
    %ge3A_430 = vector.broadcast %ge3A_429 : i32 to vector<16xi32>
    %ge3A_431 = arith.cmpi sge, %get3A_428, %ge3A_430 : vector<16xi32>
    %get3A_432 = arith.constant 64 : index
    %get3A_433 = tpu.vector_load %arg12[%get3A_432] {strides = array<i32>} : memref<256xf32, #tpu.memory_space<vmem>>, vector<16xf32>,
    %get3A_434 = vector.shape_cast %get3A_433 : vector<16xf32> to vector<16xf32>
    %jit3A_435 = arith.constant 0.000000e+00 : f32
    %broadcast_in_dim3A_436 = vector.broadcast %jit3A_435 : f32 to vector<16xf32>
    %select_n3A_437 = arith.select %ge3A_431, %get3A_434, %broadcast_in_dim3A_436 : vector<16xi1>, vector<16xf32>
    %swap3A_438 = arith.constant 64 : index
    %swap3A_439 = tpu.vector_load %arg13[%swap3A_438] {strides = array<i32>} : memref<256xf32, #tpu.memory_space<vmem>>, vector<16xf32>,
    %swap3A_440 = vector.shape_cast %swap3A_439 : vector<16xf32> to vector<16xf32>
    %swap3A_441 = vector.shape_cast %select_n3A_437 : vector<16xf32> to vector<16xf32>
    tpu.vector_store %arg13[%swap3A_438], %swap3A_441 {strides = array<i32>} : memref<256xf32, #tpu.memory_space<vmem>>, vector<16xf32>,
    %get3A_442 = arith.constant 16 : index
    %get3A_443 = tpu.vector_load %arg7[%get3A_442] {strides = array<i32>} : memref<64xi32, #tpu.memory_space<vmem>>, vector<16xi32>,
    %get3A_444 = vector.shape_cast %get3A_443 : vector<16xi32> to vector<16xi32>
    %ge3A_445 = arith.constant 0 : i32
    %ge3A_446 = vector.broadcast %ge3A_445 : i32 to vector<16xi32>
    %ge3A_447 = arith.cmpi sge, %get3A_444, %ge3A_446 : vector<16xi32>
    %get3A_448 = arith.constant 80 : index
    %get3A_449 = tpu.vector_load %arg12[%get3A_448] {strides = array<i32>} : memref<256xf32, #tpu.memory_space<vmem>>, vector<16xf32>,
    %get3A_450 = vector.shape_cast %get3A_449 : vector<16xf32> to vector<16xf32>
    %jit3A_451 = arith.constant 0.000000e+00 : f32
    %broadcast_in_dim3A_452 = vector.broadcast %jit3A_451 : f32 to vector<16xf32>
    %select_n3A_453 = arith.select %ge3A_447, %get3A_450, %broadcast_in_dim3A_452 : vector<16xi1>, vector<16xf32>
    %swap3A_454 = arith.constant 80 : index
    %swap3A_455 = tpu.vector_load %arg13[%swap3A_454] {strides = array<i32>} : memref<256xf32, #tpu.memory_space<vmem>>, vector<16xf32>,
    %swap3A_456 = vector.shape_cast %swap3A_455 : vector<16xf32> to vector<16xf32>
    %swap3A_457 = vector.shape_cast %select_n3A_453 : vector<16xf32> to vector<16xf32>
    tpu.vector_store %arg13[%swap3A_454], %swap3A_457 {strides = array<i32>} : memref<256xf32, #tpu.memory_space<vmem>>, vector<16xf32>,
    %get3A_458 = arith.constant 32 : index
    %get3A_459 = tpu.vector_load %arg7[%get3A_458] {strides = array<i32>} : memref<64xi32, #tpu.memory_space<vmem>>, vector<16xi32>,
    %get3A_460 = vector.shape_cast %get3A_459 : vector<16xi32> to vector<16xi32>
    %ge3A_461 = arith.constant 0 : i32
    %ge3A_462 = vector.broadcast %ge3A_461 : i32 to vector<16xi32>
    %ge3A_463 = arith.cmpi sge, %get3A_460, %ge3A_462 : vector<16xi32>
    %get3A_464 = arith.constant 96 : index
    %get3A_465 = tpu.vector_load %arg12[%get3A_464] {strides = array<i32>} : memref<256xf32, #tpu.memory_space<vmem>>, vector<16xf32>,
    %get3A_466 = vector.shape_cast %get3A_465 : vector<16xf32> to vector<16xf32>
    %jit3A_467 = arith.constant 0.000000e+00 : f32
    %broadcast_in_dim3A_468 = vector.broadcast %jit3A_467 : f32 to vector<16xf32>
    %select_n3A_469 = arith.select %ge3A_463, %get3A_466, %broadcast_in_dim3A_468 : vector<16xi1>, vector<16xf32>
    %swap3A_470 = arith.constant 96 : index
    %swap3A_471 = tpu.vector_load %arg13[%swap3A_470] {strides = array<i32>} : memref<256xf32, #tpu.memory_space<vmem>>, vector<16xf32>,
    %swap3A_472 = vector.shape_cast %swap3A_471 : vector<16xf32> to vector<16xf32>
    %swap3A_473 = vector.shape_cast %select_n3A_469 : vector<16xf32> to vector<16xf32>
    tpu.vector_store %arg13[%swap3A_470], %swap3A_473 {strides = array<i32>} : memref<256xf32, #tpu.memory_space<vmem>>, vector<16xf32>,
    %get3A_474 = arith.constant 48 : index
    %get3A_475 = tpu.vector_load %arg7[%get3A_474] {strides = array<i32>} : memref<64xi32, #tpu.memory_space<vmem>>, vector<16xi32>,
    %get3A_476 = vector.shape_cast %get3A_475 : vector<16xi32> to vector<16xi32>
    %ge3A_477 = arith.constant 0 : i32
    %ge3A_478 = vector.broadcast %ge3A_477 : i32 to vector<16xi32>
    %ge3A_479 = arith.cmpi sge, %get3A_476, %ge3A_478 : vector<16xi32>
    %get3A_480 = arith.constant 112 : index
    %get3A_481 = tpu.vector_load %arg12[%get3A_480] {strides = array<i32>} : memref<256xf32, #tpu.memory_space<vmem>>, vector<16xf32>,
    %get3A_482 = vector.shape_cast %get3A_481 : vector<16xf32> to vector<16xf32>
    %jit3A_483 = arith.constant 0.000000e+00 : f32
    %broadcast_in_dim3A_484 = vector.broadcast %jit3A_483 : f32 to vector<16xf32>
    %select_n3A_485 = arith.select %ge3A_479, %get3A_482, %broadcast_in_dim3A_484 : vector<16xi1>, vector<16xf32>
    %swap3A_486 = arith.constant 112 : index
    %swap3A_487 = tpu.vector_load %arg13[%swap3A_486] {strides = array<i32>} : memref<256xf32, #tpu.memory_space<vmem>>, vector<16xf32>,
    %swap3A_488 = vector.shape_cast %swap3A_487 : vector<16xf32> to vector<16xf32>
    %swap3A_489 = vector.shape_cast %select_n3A_485 : vector<16xf32> to vector<16xf32>
    tpu.vector_store %arg13[%swap3A_486], %swap3A_489 {strides = array<i32>} : memref<256xf32, #tpu.memory_space<vmem>>, vector<16xf32>,
    %get3A_490 = arith.constant 0 : index
    %get3A_491 = tpu.vector_load %arg7[%get3A_490] {strides = array<i32>} : memref<64xi32, #tpu.memory_space<vmem>>, vector<16xi32>,
    %get3A_492 = vector.shape_cast %get3A_491 : vector<16xi32> to vector<16xi32>
    %ge3A_493 = arith.constant 0 : i32
    %ge3A_494 = vector.broadcast %ge3A_493 : i32 to vector<16xi32>
    %ge3A_495 = arith.cmpi sge, %get3A_492, %ge3A_494 : vector<16xi32>
    %get3A_496 = arith.constant 128 : index
    %get3A_497 = tpu.vector_load %arg12[%get3A_496] {strides = array<i32>} : memref<256xf32, #tpu.memory_space<vmem>>, vector<16xf32>,
    %get3A_498 = vector.shape_cast %get3A_497 : vector<16xf32> to vector<16xf32>
    %jit3A_499 = arith.constant 0.000000e+00 : f32
    %broadcast_in_dim3A_500 = vector.broadcast %jit3A_499 : f32 to vector<16xf32>
    %select_n3A_501 = arith.select %ge3A_495, %get3A_498, %broadcast_in_dim3A_500 : vector<16xi1>, vector<16xf32>
    %swap3A_502 = arith.constant 128 : index
    %swap3A_503 = tpu.vector_load %arg13[%swap3A_502] {strides = array<i32>} : memref<256xf32, #tpu.memory_space<vmem>>, vector<16xf32>,
    %swap3A_504 = vector.shape_cast %swap3A_503 : vector<16xf32> to vector<16xf32>
    %swap3A_505 = vector.shape_cast %select_n3A_501 : vector<16xf32> to vector<16xf32>
    tpu.vector_store %arg13[%swap3A_502], %swap3A_505 {strides = array<i32>} : memref<256xf32, #tpu.memory_space<vmem>>, vector<16xf32>,
    %get3A_506 = arith.constant 16 : index
    %get3A_507 = tpu.vector_load %arg7[%get3A_506] {strides = array<i32>} : memref<64xi32, #tpu.memory_space<vmem>>, vector<16xi32>,
    %get3A_508 = vector.shape_cast %get3A_507 : vector<16xi32> to vector<16xi32>
    %ge3A_509 = arith.constant 0 : i32
    %ge3A_510 = vector.broadcast %ge3A_509 : i32 to vector<16xi32>
    %ge3A_511 = arith.cmpi sge, %get3A_508, %ge3A_510 : vector<16xi32>
    %get3A_512 = arith.constant 144 : index
    %get3A_513 = tpu.vector_load %arg12[%get3A_512] {strides = array<i32>} : memref<256xf32, #tpu.memory_space<vmem>>, vector<16xf32>,
    %get3A_514 = vector.shape_cast %get3A_513 : vector<16xf32> to vector<16xf32>
    %jit3A_515 = arith.constant 0.000000e+00 : f32
    %broadcast_in_dim3A_516 = vector.broadcast %jit3A_515 : f32 to vector<16xf32>
    %select_n3A_517 = arith.select %ge3A_511, %get3A_514, %broadcast_in_dim3A_516 : vector<16xi1>, vector<16xf32>
    %swap3A_518 = arith.constant 144 : index
    %swap3A_519 = tpu.vector_load %arg13[%swap3A_518] {strides = array<i32>} : memref<256xf32, #tpu.memory_space<vmem>>, vector<16xf32>,
    %swap3A_520 = vector.shape_cast %swap3A_519 : vector<16xf32> to vector<16xf32>
    %swap3A_521 = vector.shape_cast %select_n3A_517 : vector<16xf32> to vector<16xf32>
    tpu.vector_store %arg13[%swap3A_518], %swap3A_521 {strides = array<i32>} : memref<256xf32, #tpu.memory_space<vmem>>, vector<16xf32>,
    %get3A_522 = arith.constant 32 : index
    %get3A_523 = tpu.vector_load %arg7[%get3A_522] {strides = array<i32>} : memref<64xi32, #tpu.memory_space<vmem>>, vector<16xi32>,
    %get3A_524 = vector.shape_cast %get3A_523 : vector<16xi32> to vector<16xi32>
    %ge3A_525 = arith.constant 0 : i32
    %ge3A_526 = vector.broadcast %ge3A_525 : i32 to vector<16xi32>
    %ge3A_527 = arith.cmpi sge, %get3A_524, %ge3A_526 : vector<16xi32>
    %get3A_528 = arith.constant 160 : index
    %get3A_529 = tpu.vector_load %arg12[%get3A_528] {strides = array<i32>} : memref<256xf32, #tpu.memory_space<vmem>>, vector<16xf32>,
    %get3A_530 = vector.shape_cast %get3A_529 : vector<16xf32> to vector<16xf32>
    %jit3A_531 = arith.constant 0.000000e+00 : f32
    %broadcast_in_dim3A_532 = vector.broadcast %jit3A_531 : f32 to vector<16xf32>
    %select_n3A_533 = arith.select %ge3A_527, %get3A_530, %broadcast_in_dim3A_532 : vector<16xi1>, vector<16xf32>
    %swap3A_534 = arith.constant 160 : index
    %swap3A_535 = tpu.vector_load %arg13[%swap3A_534] {strides = array<i32>} : memref<256xf32, #tpu.memory_space<vmem>>, vector<16xf32>,
    %swap3A_536 = vector.shape_cast %swap3A_535 : vector<16xf32> to vector<16xf32>
    %swap3A_537 = vector.shape_cast %select_n3A_533 : vector<16xf32> to vector<16xf32>
    tpu.vector_store %arg13[%swap3A_534], %swap3A_537 {strides = array<i32>} : memref<256xf32, #tpu.memory_space<vmem>>, vector<16xf32>,
    %get3A_538 = arith.constant 48 : index
    %get3A_539 = tpu.vector_load %arg7[%get3A_538] {strides = array<i32>} : memref<64xi32, #tpu.memory_space<vmem>>, vector<16xi32>,
    %get3A_540 = vector.shape_cast %get3A_539 : vector<16xi32> to vector<16xi32>
    %ge3A_541 = arith.constant 0 : i32
    %ge3A_542 = vector.broadcast %ge3A_541 : i32 to vector<16xi32>
    %ge3A_543 = arith.cmpi sge, %get3A_540, %ge3A_542 : vector<16xi32>
    %get3A_544 = arith.constant 176 : index
    %get3A_545 = tpu.vector_load %arg12[%get3A_544] {strides = array<i32>} : memref<256xf32, #tpu.memory_space<vmem>>, vector<16xf32>,
    %get3A_546 = vector.shape_cast %get3A_545 : vector<16xf32> to vector<16xf32>
    %jit3A_547 = arith.constant 0.000000e+00 : f32
    %broadcast_in_dim3A_548 = vector.broadcast %jit3A_547 : f32 to vector<16xf32>
    %select_n3A_549 = arith.select %ge3A_543, %get3A_546, %broadcast_in_dim3A_548 : vector<16xi1>, vector<16xf32>
    %swap3A_550 = arith.constant 176 : index
    %swap3A_551 = tpu.vector_load %arg13[%swap3A_550] {strides = array<i32>} : memref<256xf32, #tpu.memory_space<vmem>>, vector<16xf32>,
    %swap3A_552 = vector.shape_cast %swap3A_551 : vector<16xf32> to vector<16xf32>
    %swap3A_553 = vector.shape_cast %select_n3A_549 : vector<16xf32> to vector<16xf32>
    tpu.vector_store %arg13[%swap3A_550], %swap3A_553 {strides = array<i32>} : memref<256xf32, #tpu.memory_space<vmem>>, vector<16xf32>,
    %get3A_554 = arith.constant 0 : index
    %get3A_555 = tpu.vector_load %arg7[%get3A_554] {strides = array<i32>} : memref<64xi32, #tpu.memory_space<vmem>>, vector<16xi32>,
    %get3A_556 = vector.shape_cast %get3A_555 : vector<16xi32> to vector<16xi32>
    %ge3A_557 = arith.constant 0 : i32
    %ge3A_558 = vector.broadcast %ge3A_557 : i32 to vector<16xi32>
    %ge3A_559 = arith.cmpi sge, %get3A_556, %ge3A_558 : vector<16xi32>
    %get3A_560 = arith.constant 192 : index
    %get3A_561 = tpu.vector_load %arg12[%get3A_560] {strides = array<i32>} : memref<256xf32, #tpu.memory_space<vmem>>, vector<16xf32>,
    %get3A_562 = vector.shape_cast %get3A_561 : vector<16xf32> to vector<16xf32>
    %jit3A_563 = arith.constant 0.000000e+00 : f32
    %broadcast_in_dim3A_564 = vector.broadcast %jit3A_563 : f32 to vector<16xf32>
    %select_n3A_565 = arith.select %ge3A_559, %get3A_562, %broadcast_in_dim3A_564 : vector<16xi1>, vector<16xf32>
    %swap3A_566 = arith.constant 192 : index
    %swap3A_567 = tpu.vector_load %arg13[%swap3A_566] {strides = array<i32>} : memref<256xf32, #tpu.memory_space<vmem>>, vector<16xf32>,
    %swap3A_568 = vector.shape_cast %swap3A_567 : vector<16xf32> to vector<16xf32>
    %swap3A_569 = vector.shape_cast %select_n3A_565 : vector<16xf32> to vector<16xf32>
    tpu.vector_store %arg13[%swap3A_566], %swap3A_569 {strides = array<i32>} : memref<256xf32, #tpu.memory_space<vmem>>, vector<16xf32>,
    %get3A_570 = arith.constant 16 : index
    %get3A_571 = tpu.vector_load %arg7[%get3A_570] {strides = array<i32>} : memref<64xi32, #tpu.memory_space<vmem>>, vector<16xi32>,
    %get3A_572 = vector.shape_cast %get3A_571 : vector<16xi32> to vector<16xi32>
    %ge3A_573 = arith.constant 0 : i32
    %ge3A_574 = vector.broadcast %ge3A_573 : i32 to vector<16xi32>
    %ge3A_575 = arith.cmpi sge, %get3A_572, %ge3A_574 : vector<16xi32>
    %get3A_576 = arith.constant 208 : index
    %get3A_577 = tpu.vector_load %arg12[%get3A_576] {strides = array<i32>} : memref<256xf32, #tpu.memory_space<vmem>>, vector<16xf32>,
    %get3A_578 = vector.shape_cast %get3A_577 : vector<16xf32> to vector<16xf32>
    %jit3A_579 = arith.constant 0.000000e+00 : f32
    %broadcast_in_dim3A_580 = vector.broadcast %jit3A_579 : f32 to vector<16xf32>
    %select_n3A_581 = arith.select %ge3A_575, %get3A_578, %broadcast_in_dim3A_580 : vector<16xi1>, vector<16xf32>
    %swap3A_582 = arith.constant 208 : index
    %swap3A_583 = tpu.vector_load %arg13[%swap3A_582] {strides = array<i32>} : memref<256xf32, #tpu.memory_space<vmem>>, vector<16xf32>,
    %swap3A_584 = vector.shape_cast %swap3A_583 : vector<16xf32> to vector<16xf32>
    %swap3A_585 = vector.shape_cast %select_n3A_581 : vector<16xf32> to vector<16xf32>
    tpu.vector_store %arg13[%swap3A_582], %swap3A_585 {strides = array<i32>} : memref<256xf32, #tpu.memory_space<vmem>>, vector<16xf32>,
    %get3A_586 = arith.constant 32 : index
    %get3A_587 = tpu.vector_load %arg7[%get3A_586] {strides = array<i32>} : memref<64xi32, #tpu.memory_space<vmem>>, vector<16xi32>,
    %get3A_588 = vector.shape_cast %get3A_587 : vector<16xi32> to vector<16xi32>
    %ge3A_589 = arith.constant 0 : i32
    %ge3A_590 = vector.broadcast %ge3A_589 : i32 to vector<16xi32>
    %ge3A_591 = arith.cmpi sge, %get3A_588, %ge3A_590 : vector<16xi32>
    %get3A_592 = arith.constant 224 : index
    %get3A_593 = tpu.vector_load %arg12[%get3A_592] {strides = array<i32>} : memref<256xf32, #tpu.memory_space<vmem>>, vector<16xf32>,
    %get3A_594 = vector.shape_cast %get3A_593 : vector<16xf32> to vector<16xf32>
    %jit3A_595 = arith.constant 0.000000e+00 : f32
    %broadcast_in_dim3A_596 = vector.broadcast %jit3A_595 : f32 to vector<16xf32>
    %select_n3A_597 = arith.select %ge3A_591, %get3A_594, %broadcast_in_dim3A_596 : vector<16xi1>, vector<16xf32>
    %swap3A_598 = arith.constant 224 : index
    %swap3A_599 = tpu.vector_load %arg13[%swap3A_598] {strides = array<i32>} : memref<256xf32, #tpu.memory_space<vmem>>, vector<16xf32>,
    %swap3A_600 = vector.shape_cast %swap3A_599 : vector<16xf32> to vector<16xf32>
    %swap3A_601 = vector.shape_cast %select_n3A_597 : vector<16xf32> to vector<16xf32>
    tpu.vector_store %arg13[%swap3A_598], %swap3A_601 {strides = array<i32>} : memref<256xf32, #tpu.memory_space<vmem>>, vector<16xf32>,
    %get3A_602 = arith.constant 48 : index
    %get3A_603 = tpu.vector_load %arg7[%get3A_602] {strides = array<i32>} : memref<64xi32, #tpu.memory_space<vmem>>, vector<16xi32>,
    %get3A_604 = vector.shape_cast %get3A_603 : vector<16xi32> to vector<16xi32>
    %ge3A_605 = arith.constant 0 : i32
    %ge3A_606 = vector.broadcast %ge3A_605 : i32 to vector<16xi32>
    %ge3A_607 = arith.cmpi sge, %get3A_604, %ge3A_606 : vector<16xi32>
    %get3A_608 = arith.constant 240 : index
    %get3A_609 = tpu.vector_load %arg12[%get3A_608] {strides = array<i32>} : memref<256xf32, #tpu.memory_space<vmem>>, vector<16xf32>,
    %get3A_610 = vector.shape_cast %get3A_609 : vector<16xf32> to vector<16xf32>
    %jit3A_611 = arith.constant 0.000000e+00 : f32
    %broadcast_in_dim3A_612 = vector.broadcast %jit3A_611 : f32 to vector<16xf32>
    %select_n3A_613 = arith.select %ge3A_607, %get3A_610, %broadcast_in_dim3A_612 : vector<16xi1>, vector<16xf32>
    %swap3A_614 = arith.constant 240 : index
    %swap3A_615 = tpu.vector_load %arg13[%swap3A_614] {strides = array<i32>} : memref<256xf32, #tpu.memory_space<vmem>>, vector<16xf32>,
    %swap3A_616 = vector.shape_cast %swap3A_615 : vector<16xf32> to vector<16xf32>
    %swap3A_617 = vector.shape_cast %select_n3A_613 : vector<16xf32> to vector<16xf32>
    tpu.vector_store %arg13[%swap3A_614], %swap3A_617 {strides = array<i32>} : memref<256xf32, #tpu.memory_space<vmem>>, vector<16xf32>,
    %add3A_618 = arith.constant 0 : i32
    %add3A_619 = arith.addi %add3A_618, %mul3A_2 : i32
    "tpu.region"() ({
      %run_scoped3A = tpu.sem_alloc : memref<!tpu.dma_semaphore, #tpu.memory_space<semaphore_mem>>
      %dma_start3A_626 = arith.constant 0 : i32
      %dma_start3A_627 = tpu.memref_slice %arg13[%dma_start3A_626] : memref<256xf32, #tpu.memory_space<vmem>> -> memref<64xf32, #tpu.memory_space<vmem>>
      %dma_start3A_628 = tpu.memref_slice %arg5[%add3A_619] : memref<8192xf32, #tpu.memory_space<hbm>> -> memref<64xf32, #tpu.memory_space<hbm>>
      %dma_start3A_629 = tpu.memref_slice %arg5[%add3A_619] : memref<8192xf32, #tpu.memory_space<hbm>> -> memref<64xf32, #tpu.memory_space<hbm>>
      %dma_start3A_630 = arith.constant 0 : i32
      %dma_start3A_631 = tpu.memref_slice %arg13[%dma_start3A_630] : memref<256xf32, #tpu.memory_space<vmem>> -> memref<64xf32, #tpu.memory_space<vmem>>
      tpu.enqueue_dma source(%dma_start3A_631 : memref<64xf32, #tpu.memory_space<vmem>>) target(%dma_start3A_629 : memref<64xf32, #tpu.memory_space<hbm>>) target_semaphore(%run_scoped3A : memref<!tpu.dma_semaphore, #tpu.memory_space<semaphore_mem>>)
      %dma_wait3A_632 = arith.constant 0 : i32
      %dma_wait3A_633 = tpu.memref_slice %arg13[%dma_wait3A_632] : memref<256xf32, #tpu.memory_space<vmem>> -> memref<64xf32, #tpu.memory_space<vmem>>
      %dma_wait3A_634 = tpu.memref_slice %arg5[%add3A_619] : memref<8192xf32, #tpu.memory_space<hbm>> -> memref<64xf32, #tpu.memory_space<hbm>>
      %dma_wait3A_635 = tpu.memref_slice %arg5[%add3A_619] : memref<8192xf32, #tpu.memory_space<hbm>> -> memref<64xf32, #tpu.memory_space<hbm>>
      %dma_wait3A_636 = arith.constant 0 : i32
      %dma_wait3A_637 = tpu.memref_slice %arg13[%dma_wait3A_636] : memref<256xf32, #tpu.memory_space<vmem>> -> memref<64xf32, #tpu.memory_space<vmem>>
      tpu.wait_dma2 semaphore(%run_scoped3A : memref<!tpu.dma_semaphore, #tpu.memory_space<semaphore_mem>>) src(%dma_wait3A_637 : memref<64xf32, #tpu.memory_space<vmem>>) dst(%dma_wait3A_635 : memref<64xf32, #tpu.memory_space<hbm>>)
      tpu.yield
    }) : () -> ()
    %add3A_620 = arith.constant 2048 : i32
    %add3A_621 = arith.addi %add3A_620, %mul3A_2 : i32
    "tpu.region"() ({
      %run_scoped3A = tpu.sem_alloc : memref<!tpu.dma_semaphore, #tpu.memory_space<semaphore_mem>>
      %dma_start3A_626 = arith.constant 64 : i32
      %dma_start3A_627 = tpu.memref_slice %arg13[%dma_start3A_626] : memref<256xf32, #tpu.memory_space<vmem>> -> memref<64xf32, #tpu.memory_space<vmem>>
      %dma_start3A_628 = tpu.memref_slice %arg5[%add3A_621] : memref<8192xf32, #tpu.memory_space<hbm>> -> memref<64xf32, #tpu.memory_space<hbm>>
      %dma_start3A_629 = tpu.memref_slice %arg5[%add3A_621] : memref<8192xf32, #tpu.memory_space<hbm>> -> memref<64xf32, #tpu.memory_space<hbm>>
      %dma_start3A_630 = arith.constant 64 : i32
      %dma_start3A_631 = tpu.memref_slice %arg13[%dma_start3A_630] : memref<256xf32, #tpu.memory_space<vmem>> -> memref<64xf32, #tpu.memory_space<vmem>>
      tpu.enqueue_dma source(%dma_start3A_631 : memref<64xf32, #tpu.memory_space<vmem>>) target(%dma_start3A_629 : memref<64xf32, #tpu.memory_space<hbm>>) target_semaphore(%run_scoped3A : memref<!tpu.dma_semaphore, #tpu.memory_space<semaphore_mem>>)
      %dma_wait3A_632 = arith.constant 64 : i32
      %dma_wait3A_633 = tpu.memref_slice %arg13[%dma_wait3A_632] : memref<256xf32, #tpu.memory_space<vmem>> -> memref<64xf32, #tpu.memory_space<vmem>>
      %dma_wait3A_634 = tpu.memref_slice %arg5[%add3A_621] : memref<8192xf32, #tpu.memory_space<hbm>> -> memref<64xf32, #tpu.memory_space<hbm>>
      %dma_wait3A_635 = tpu.memref_slice %arg5[%add3A_621] : memref<8192xf32, #tpu.memory_space<hbm>> -> memref<64xf32, #tpu.memory_space<hbm>>
      %dma_wait3A_636 = arith.constant 64 : i32
      %dma_wait3A_637 = tpu.memref_slice %arg13[%dma_wait3A_636] : memref<256xf32, #tpu.memory_space<vmem>> -> memref<64xf32, #tpu.memory_space<vmem>>
      tpu.wait_dma2 semaphore(%run_scoped3A : memref<!tpu.dma_semaphore, #tpu.memory_space<semaphore_mem>>) src(%dma_wait3A_637 : memref<64xf32, #tpu.memory_space<vmem>>) dst(%dma_wait3A_635 : memref<64xf32, #tpu.memory_space<hbm>>)
      tpu.yield
    }) : () -> ()
    %add3A_622 = arith.constant 4096 : i32
    %add3A_623 = arith.addi %add3A_622, %mul3A_2 : i32
    "tpu.region"() ({
      %run_scoped3A = tpu.sem_alloc : memref<!tpu.dma_semaphore, #tpu.memory_space<semaphore_mem>>
      %dma_start3A_626 = arith.constant 128 : i32
      %dma_start3A_627 = tpu.memref_slice %arg13[%dma_start3A_626] : memref<256xf32, #tpu.memory_space<vmem>> -> memref<64xf32, #tpu.memory_space<vmem>>
      %dma_start3A_628 = tpu.memref_slice %arg5[%add3A_623] : memref<8192xf32, #tpu.memory_space<hbm>> -> memref<64xf32, #tpu.memory_space<hbm>>
      %dma_start3A_629 = tpu.memref_slice %arg5[%add3A_623] : memref<8192xf32, #tpu.memory_space<hbm>> -> memref<64xf32, #tpu.memory_space<hbm>>
      %dma_start3A_630 = arith.constant 128 : i32
      %dma_start3A_631 = tpu.memref_slice %arg13[%dma_start3A_630] : memref<256xf32, #tpu.memory_space<vmem>> -> memref<64xf32, #tpu.memory_space<vmem>>
      tpu.enqueue_dma source(%dma_start3A_631 : memref<64xf32, #tpu.memory_space<vmem>>) target(%dma_start3A_629 : memref<64xf32, #tpu.memory_space<hbm>>) target_semaphore(%run_scoped3A : memref<!tpu.dma_semaphore, #tpu.memory_space<semaphore_mem>>)
      %dma_wait3A_632 = arith.constant 128 : i32
      %dma_wait3A_633 = tpu.memref_slice %arg13[%dma_wait3A_632] : memref<256xf32, #tpu.memory_space<vmem>> -> memref<64xf32, #tpu.memory_space<vmem>>
      %dma_wait3A_634 = tpu.memref_slice %arg5[%add3A_623] : memref<8192xf32, #tpu.memory_space<hbm>> -> memref<64xf32, #tpu.memory_space<hbm>>
      %dma_wait3A_635 = tpu.memref_slice %arg5[%add3A_623] : memref<8192xf32, #tpu.memory_space<hbm>> -> memref<64xf32, #tpu.memory_space<hbm>>
      %dma_wait3A_636 = arith.constant 128 : i32
      %dma_wait3A_637 = tpu.memref_slice %arg13[%dma_wait3A_636] : memref<256xf32, #tpu.memory_space<vmem>> -> memref<64xf32, #tpu.memory_space<vmem>>
      tpu.wait_dma2 semaphore(%run_scoped3A : memref<!tpu.dma_semaphore, #tpu.memory_space<semaphore_mem>>) src(%dma_wait3A_637 : memref<64xf32, #tpu.memory_space<vmem>>) dst(%dma_wait3A_635 : memref<64xf32, #tpu.memory_space<hbm>>)
      tpu.yield
    }) : () -> ()
    %add3A_624 = arith.constant 6144 : i32
    %add3A_625 = arith.addi %add3A_624, %mul3A_2 : i32
    "tpu.region"() ({
      %run_scoped3A = tpu.sem_alloc : memref<!tpu.dma_semaphore, #tpu.memory_space<semaphore_mem>>
      %dma_start3A_626 = arith.constant 192 : i32
      %dma_start3A_627 = tpu.memref_slice %arg13[%dma_start3A_626] : memref<256xf32, #tpu.memory_space<vmem>> -> memref<64xf32, #tpu.memory_space<vmem>>
      %dma_start3A_628 = tpu.memref_slice %arg5[%add3A_625] : memref<8192xf32, #tpu.memory_space<hbm>> -> memref<64xf32, #tpu.memory_space<hbm>>
      %dma_start3A_629 = tpu.memref_slice %arg5[%add3A_625] : memref<8192xf32, #tpu.memory_space<hbm>> -> memref<64xf32, #tpu.memory_space<hbm>>
      %dma_start3A_630 = arith.constant 192 : i32
      %dma_start3A_631 = tpu.memref_slice %arg13[%dma_start3A_630] : memref<256xf32, #tpu.memory_space<vmem>> -> memref<64xf32, #tpu.memory_space<vmem>>
      tpu.enqueue_dma source(%dma_start3A_631 : memref<64xf32, #tpu.memory_space<vmem>>) target(%dma_start3A_629 : memref<64xf32, #tpu.memory_space<hbm>>) target_semaphore(%run_scoped3A : memref<!tpu.dma_semaphore, #tpu.memory_space<semaphore_mem>>)
      %dma_wait3A_632 = arith.constant 192 : i32
      %dma_wait3A_633 = tpu.memref_slice %arg13[%dma_wait3A_632] : memref<256xf32, #tpu.memory_space<vmem>> -> memref<64xf32, #tpu.memory_space<vmem>>
      %dma_wait3A_634 = tpu.memref_slice %arg5[%add3A_625] : memref<8192xf32, #tpu.memory_space<hbm>> -> memref<64xf32, #tpu.memory_space<hbm>>
      %dma_wait3A_635 = tpu.memref_slice %arg5[%add3A_625] : memref<8192xf32, #tpu.memory_space<hbm>> -> memref<64xf32, #tpu.memory_space<hbm>>
      %dma_wait3A_636 = arith.constant 192 : i32
      %dma_wait3A_637 = tpu.memref_slice %arg13[%dma_wait3A_636] : memref<256xf32, #tpu.memory_space<vmem>> -> memref<64xf32, #tpu.memory_space<vmem>>
      tpu.wait_dma2 semaphore(%run_scoped3A : memref<!tpu.dma_semaphore, #tpu.memory_space<semaphore_mem>>) src(%dma_wait3A_637 : memref<64xf32, #tpu.memory_space<vmem>>) dst(%dma_wait3A_635 : memref<64xf32, #tpu.memory_space<hbm>>)
      tpu.yield
    }) : () -> ()
    return
  }
}

module attributes {stable_mosaic.version = 14 : i64} {
  func.func @_nms_kernel(%arg0: memref<96x1x128xf32, #tpu.memory_space<vmem>>, %arg1: memref<96x1x128xf32, #tpu.memory_space<vmem>>, %arg2: memref<96x1x128xf32, #tpu.memory_space<vmem>>, %arg3: memref<96x1x128xf32, #tpu.memory_space<vmem>>, %arg4: memref<96x1x128xf32, #tpu.memory_space<vmem>>, %arg5: memref<96x1x128xf32, #tpu.memory_space<vmem>>) attributes {dimension_semantics = [], scalar_prefetch = 0 : i64, scratch_operands = 0 : i64, tpu.core_type = #tpu.core_type<tc>} {
    %iota3A = tpu.iota {dimensions = array<i32: 0>} : vector<128x128xi32>
    %iota3A_0 = tpu.iota {dimensions = array<i32: 1>} : vector<128x128xi32>
    %eq3A = arith.cmpi eq, %iota3A, %iota3A_0 : vector<128x128xi32>
    %jit3A = arith.constant 1.000000e+00 : f32
    %jit3A_1 = arith.constant 0.000000e+00 : f32
    %broadcast_in_dim3A = vector.broadcast %jit3A : f32 to vector<128x128xf32>
    %broadcast_in_dim3A_2 = vector.broadcast %jit3A_1 : f32 to vector<128x128xf32>
    %select_n3A = arith.select %eq3A, %broadcast_in_dim3A, %broadcast_in_dim3A_2 : vector<128x128xi1>, vector<128x128xf32>
    %lt3A = arith.cmpi slt, %iota3A, %iota3A_0 : vector<128x128xi32>
    %jit3A_3 = arith.constant 1.000000e+00 : f32
    %jit3A_4 = arith.constant 0.000000e+00 : f32
    %broadcast_in_dim3A_5 = vector.broadcast %jit3A_3 : f32 to vector<128x128xf32>
    %broadcast_in_dim3A_6 = vector.broadcast %jit3A_4 : f32 to vector<128x128xf32>
    %select_n3A_7 = arith.select %lt3A, %broadcast_in_dim3A_5, %broadcast_in_dim3A_6 : vector<128x128xi1>, vector<128x128xf32>
    %iota3A_8 = tpu.iota {dimensions = array<i32: 0>} : vector<96x1x128xi32>
    %iota3A_9 = tpu.iota {dimensions = array<i32: 2>} : vector<96x1x128xi32>
    %mul3A = arith.constant 128 : i32
    %mul3A_10 = vector.broadcast %mul3A : i32 to vector<96x1x128xi32>
    %mul3A_11 = arith.muli %iota3A_8, %mul3A_10 : vector<96x1x128xi32>
    %add3A = arith.addi %mul3A_11, %iota3A_9 : vector<96x1x128xi32>
    %lt3A_12 = arith.constant 12000 : i32
    %lt3A_13 = vector.broadcast %lt3A_12 : i32 to vector<96x1x128xi32>
    %lt3A_14 = arith.cmpi slt, %add3A, %lt3A_13 : vector<96x1x128xi32>
    %jit3A_15 = arith.constant 1.000000e+00 : f32
    %jit3A_16 = arith.constant 0.000000e+00 : f32
    %broadcast_in_dim3A_17 = vector.broadcast %jit3A_15 : f32 to vector<96x1x128xf32>
    %broadcast_in_dim3A_18 = vector.broadcast %jit3A_16 : f32 to vector<96x1x128xf32>
    %select_n3A_19 = arith.select %lt3A_14, %broadcast_in_dim3A_17, %broadcast_in_dim3A_18 : vector<96x1x128xi1>, vector<96x1x128xf32>
    %swap3A = arith.constant 0 : index
    %swap3A_20 = arith.constant 0 : index
    %swap3A_21 = arith.constant 0 : index
    %swap3A_22 = vector.load %arg5[%swap3A, %swap3A_20, %swap3A_21] : memref<96x1x128xf32, #tpu.memory_space<vmem>>, vector<96x1x128xf32>
    tpu.vector_store %arg5[%swap3A, %swap3A_20, %swap3A_21], %select_n3A_19 {strides = array<i32>} : memref<96x1x128xf32, #tpu.memory_space<vmem>>, vector<96x1x128xf32>,
    %scan3A = arith.constant 0 : i32
    %scan3A_23 = arith.constant 96 : i32
    %scan3A_24 = arith.addi %scan3A, %scan3A_23 : i32
    %scan3A_25 = arith.constant 1 : i32
    scf.for %scan3A_27 = %scan3A to %scan3A_24 step %scan3A_25  : i32 {
      %get3A = arith.index_cast %scan3A_27 : i32 to index
      %get3A_28 = arith.constant 0 : index
      %get3A_29 = arith.constant 0 : index
      %get3A_30 = vector.load %arg0[%get3A, %get3A_28, %get3A_29] : memref<96x1x128xf32, #tpu.memory_space<vmem>>, vector<1x1x128xf32>
      %reshape3A = vector.shape_cast %get3A_30 : vector<1x1x128xf32> to vector<1x128xf32>
      %dot_general3A = arith.constant dense<0.000000e+00> : vector<128x1xf32>
      %dot_general3A_31 = tpu.matmul %select_n3A, %reshape3A, %dot_general3A {dimension_numbers = #tpu.dot_dimension_numbers<[1], [1], [0], [0], [0, 0, 1, 0], [], []>, transpose_lhs_hint = false} : vector<128x128xf32>, vector<1x128xf32>, vector<128x1xf32> -> vector<128x1xf32>
      %get3A_32 = arith.index_cast %scan3A_27 : i32 to index
      %get3A_33 = arith.constant 0 : index
      %get3A_34 = arith.constant 0 : index
      %get3A_35 = vector.load %arg1[%get3A_32, %get3A_33, %get3A_34] : memref<96x1x128xf32, #tpu.memory_space<vmem>>, vector<1x1x128xf32>
      %reshape3A_36 = vector.shape_cast %get3A_35 : vector<1x1x128xf32> to vector<1x128xf32>
      %dot_general3A_37 = arith.constant dense<0.000000e+00> : vector<128x1xf32>
      %dot_general3A_38 = tpu.matmul %select_n3A, %reshape3A_36, %dot_general3A_37 {dimension_numbers = #tpu.dot_dimension_numbers<[1], [1], [0], [0], [0, 0, 1, 0], [], []>, transpose_lhs_hint = false} : vector<128x128xf32>, vector<1x128xf32>, vector<128x1xf32> -> vector<128x1xf32>
      %get3A_39 = arith.index_cast %scan3A_27 : i32 to index
      %get3A_40 = arith.constant 0 : index
      %get3A_41 = arith.constant 0 : index
      %get3A_42 = vector.load %arg2[%get3A_39, %get3A_40, %get3A_41] : memref<96x1x128xf32, #tpu.memory_space<vmem>>, vector<1x1x128xf32>
      %reshape3A_43 = vector.shape_cast %get3A_42 : vector<1x1x128xf32> to vector<1x128xf32>
      %dot_general3A_44 = arith.constant dense<0.000000e+00> : vector<128x1xf32>
      %dot_general3A_45 = tpu.matmul %select_n3A, %reshape3A_43, %dot_general3A_44 {dimension_numbers = #tpu.dot_dimension_numbers<[1], [1], [0], [0], [0, 0, 1, 0], [], []>, transpose_lhs_hint = false} : vector<128x128xf32>, vector<1x128xf32>, vector<128x1xf32> -> vector<128x1xf32>
      %get3A_46 = arith.index_cast %scan3A_27 : i32 to index
      %get3A_47 = arith.constant 0 : index
      %get3A_48 = arith.constant 0 : index
      %get3A_49 = vector.load %arg3[%get3A_46, %get3A_47, %get3A_48] : memref<96x1x128xf32, #tpu.memory_space<vmem>>, vector<1x1x128xf32>
      %reshape3A_50 = vector.shape_cast %get3A_49 : vector<1x1x128xf32> to vector<1x128xf32>
      %dot_general3A_51 = arith.constant dense<0.000000e+00> : vector<128x1xf32>
      %dot_general3A_52 = tpu.matmul %select_n3A, %reshape3A_50, %dot_general3A_51 {dimension_numbers = #tpu.dot_dimension_numbers<[1], [1], [0], [0], [0, 0, 1, 0], [], []>, transpose_lhs_hint = false} : vector<128x128xf32>, vector<1x128xf32>, vector<128x1xf32> -> vector<128x1xf32>
      %get3A_53 = arith.index_cast %scan3A_27 : i32 to index
      %get3A_54 = arith.constant 0 : index
      %get3A_55 = arith.constant 0 : index
      %get3A_56 = vector.load %arg4[%get3A_53, %get3A_54, %get3A_55] : memref<96x1x128xf32, #tpu.memory_space<vmem>>, vector<1x1x128xf32>
      %reshape3A_57 = vector.shape_cast %get3A_56 : vector<1x1x128xf32> to vector<1x128xf32>
      %dot_general3A_58 = arith.constant dense<0.000000e+00> : vector<128x1xf32>
      %dot_general3A_59 = tpu.matmul %select_n3A, %reshape3A_57, %dot_general3A_58 {dimension_numbers = #tpu.dot_dimension_numbers<[1], [1], [0], [0], [0, 0, 1, 0], [], []>, transpose_lhs_hint = false} : vector<128x128xf32>, vector<1x128xf32>, vector<128x1xf32> -> vector<128x1xf32>
      %get3A_60 = arith.index_cast %scan3A_27 : i32 to index
      %get3A_61 = arith.constant 0 : index
      %get3A_62 = arith.constant 0 : index
      %get3A_63 = vector.load %arg0[%get3A_60, %get3A_61, %get3A_62] : memref<96x1x128xf32, #tpu.memory_space<vmem>>, vector<1x1x128xf32>
      %reshape3A_64 = vector.shape_cast %get3A_63 : vector<1x1x128xf32> to vector<1x128xf32>
      %get3A_65 = arith.index_cast %scan3A_27 : i32 to index
      %get3A_66 = arith.constant 0 : index
      %get3A_67 = arith.constant 0 : index
      %get3A_68 = vector.load %arg1[%get3A_65, %get3A_66, %get3A_67] : memref<96x1x128xf32, #tpu.memory_space<vmem>>, vector<1x1x128xf32>
      %reshape3A_69 = vector.shape_cast %get3A_68 : vector<1x1x128xf32> to vector<1x128xf32>
      %get3A_70 = arith.index_cast %scan3A_27 : i32 to index
      %get3A_71 = arith.constant 0 : index
      %get3A_72 = arith.constant 0 : index
      %get3A_73 = vector.load %arg2[%get3A_70, %get3A_71, %get3A_72] : memref<96x1x128xf32, #tpu.memory_space<vmem>>, vector<1x1x128xf32>
      %reshape3A_74 = vector.shape_cast %get3A_73 : vector<1x1x128xf32> to vector<1x128xf32>
      %get3A_75 = arith.index_cast %scan3A_27 : i32 to index
      %get3A_76 = arith.constant 0 : index
      %get3A_77 = arith.constant 0 : index
      %get3A_78 = vector.load %arg3[%get3A_75, %get3A_76, %get3A_77] : memref<96x1x128xf32, #tpu.memory_space<vmem>>, vector<1x1x128xf32>
      %reshape3A_79 = vector.shape_cast %get3A_78 : vector<1x1x128xf32> to vector<1x128xf32>
      %get3A_80 = arith.index_cast %scan3A_27 : i32 to index
      %get3A_81 = arith.constant 0 : index
      %get3A_82 = arith.constant 0 : index
      %get3A_83 = vector.load %arg4[%get3A_80, %get3A_81, %get3A_82] : memref<96x1x128xf32, #tpu.memory_space<vmem>>, vector<1x1x128xf32>
      %reshape3A_84 = vector.shape_cast %get3A_83 : vector<1x1x128xf32> to vector<1x128xf32>
      %min3A = vector.broadcast %dot_general3A_45 : vector<128x1xf32> to vector<128x128xf32>
      %min3A_85 = vector.broadcast %reshape3A_74 : vector<1x128xf32> to vector<128x128xf32>
      %min3A_86 = arith.minimumf %min3A, %min3A_85 : vector<128x128xf32>
      %max3A = vector.broadcast %dot_general3A_31 : vector<128x1xf32> to vector<128x128xf32>
      %max3A_87 = vector.broadcast %reshape3A_64 : vector<1x128xf32> to vector<128x128xf32>
      %max3A_88 = arith.maximumf %max3A, %max3A_87 : vector<128x128xf32>
      %sub3A = arith.subf %min3A_86, %max3A_88 : vector<128x128xf32>
      %max3A_89 = arith.constant 0.000000e+00 : f32
      %max3A_90 = vector.broadcast %max3A_89 : f32 to vector<128x128xf32>
      %max3A_91 = arith.maximumf %max3A_90, %sub3A : vector<128x128xf32>
      %min3A_92 = vector.broadcast %dot_general3A_52 : vector<128x1xf32> to vector<128x128xf32>
      %min3A_93 = vector.broadcast %reshape3A_79 : vector<1x128xf32> to vector<128x128xf32>
      %min3A_94 = arith.minimumf %min3A_92, %min3A_93 : vector<128x128xf32>
      %max3A_95 = vector.broadcast %dot_general3A_38 : vector<128x1xf32> to vector<128x128xf32>
      %max3A_96 = vector.broadcast %reshape3A_69 : vector<1x128xf32> to vector<128x128xf32>
      %max3A_97 = arith.maximumf %max3A_95, %max3A_96 : vector<128x128xf32>
      %sub3A_98 = arith.subf %min3A_94, %max3A_97 : vector<128x128xf32>
      %max3A_99 = arith.constant 0.000000e+00 : f32
      %max3A_100 = vector.broadcast %max3A_99 : f32 to vector<128x128xf32>
      %max3A_101 = arith.maximumf %max3A_100, %sub3A_98 : vector<128x128xf32>
      %mul3A_102 = arith.mulf %max3A_91, %max3A_101 : vector<128x128xf32>
      %add3A_103 = vector.broadcast %dot_general3A_59 : vector<128x1xf32> to vector<128x128xf32>
      %add3A_104 = vector.broadcast %reshape3A_84 : vector<1x128xf32> to vector<128x128xf32>
      %add3A_105 = arith.addf %add3A_103, %add3A_104 : vector<128x128xf32>
      %sub3A_106 = arith.subf %add3A_105, %mul3A_102 : vector<128x128xf32>
      %mul3A_107 = arith.constant 0.699999988 : f32
      %mul3A_108 = vector.broadcast %mul3A_107 : f32 to vector<128x128xf32>
      %mul3A_109 = arith.mulf %mul3A_108, %sub3A_106 : vector<128x128xf32>
      %gt3A = arith.cmpf ogt, %mul3A_102, %mul3A_109 : vector<128x128xf32>
      %jit3A_110 = arith.constant 1.000000e+00 : f32
      %jit3A_111 = arith.constant 0.000000e+00 : f32
      %broadcast_in_dim3A_112 = vector.broadcast %jit3A_110 : f32 to vector<128x128xf32>
      %broadcast_in_dim3A_113 = vector.broadcast %jit3A_111 : f32 to vector<128x128xf32>
      %select_n3A_114 = arith.select %gt3A, %broadcast_in_dim3A_112, %broadcast_in_dim3A_113 : vector<128x128xi1>, vector<128x128xf32>
      %mul3A_115 = arith.mulf %select_n3A_114, %select_n3A_7 : vector<128x128xf32>
      %get3A_116 = arith.index_cast %scan3A_27 : i32 to index
      %get3A_117 = arith.constant 0 : index
      %get3A_118 = arith.constant 0 : index
      %get3A_119 = vector.load %arg5[%get3A_116, %get3A_117, %get3A_118] : memref<96x1x128xf32, #tpu.memory_space<vmem>>, vector<1x1x128xf32>
      %reshape3A_120 = vector.shape_cast %get3A_119 : vector<1x1x128xf32> to vector<1x128xf32>
      %while3A = arith.constant true
      %while3A_121 = arith.constant 0 : i32
      %while3A_122:3 = scf.while (%while3A_169 = %reshape3A_120, %while3A_170 = %while3A, %while3A_171 = %while3A_121) : (vector<1x128xf32>, i1, i32) -> (vector<1x128xf32>, i1, i32) {
        %lt3A_172 = arith.constant 130 : i32
        %lt3A_173 = arith.cmpi slt, %while3A_171, %lt3A_172 : i32
        %and3A_174 = arith.andi %while3A_170, %lt3A_173 : i1
        scf.condition(%and3A_174) %while3A_169, %while3A_170, %while3A_171 : vector<1x128xf32>, i1, i32
      } do {
      ^bb0(%while3A_169: vector<1x128xf32>, %while3A_170: i1, %while3A_171: i32):
        %dot_general3A_172 = arith.constant dense<0.000000e+00> : vector<1x128xf32>
        %dot_general3A_173 = tpu.matmul %while3A_169, %mul3A_115, %dot_general3A_172 {dimension_numbers = #tpu.dot_dimension_numbers<[1], [0], [0], [1], [0, 0, 1, 1], [], []>, transpose_lhs_hint = false} : vector<1x128xf32>, vector<128x128xf32>, vector<1x128xf32> -> vector<1x128xf32>
        %lt3A_174 = arith.constant 5.000000e-01 : f32
        %lt3A_175 = vector.broadcast %lt3A_174 : f32 to vector<1x128xf32>
        %lt3A_176 = arith.cmpf olt, %dot_general3A_173, %lt3A_175 : vector<1x128xf32>
        %jit3A_177 = arith.constant 1.000000e+00 : f32
        %jit3A_178 = arith.constant 0.000000e+00 : f32
        %broadcast_in_dim3A_179 = vector.broadcast %jit3A_177 : f32 to vector<1x128xf32>
        %broadcast_in_dim3A_180 = vector.broadcast %jit3A_178 : f32 to vector<1x128xf32>
        %select_n3A_181 = arith.select %lt3A_176, %broadcast_in_dim3A_179, %broadcast_in_dim3A_180 : vector<1x128xi1>, vector<1x128xf32>
        %mul3A_182 = arith.mulf %reshape3A_120, %select_n3A_181 : vector<1x128xf32>
        %ne3A_183 = arith.cmpf one, %mul3A_182, %while3A_169 : vector<1x128xf32>
        %reduce_or3A = arith.constant 1.000000e+00 : f32
        %reduce_or3A_184 = arith.constant 0.000000e+00 : f32
        %reduce_or3A_185 = vector.broadcast %reduce_or3A : f32 to vector<1x128xf32>
        %reduce_or3A_186 = vector.broadcast %reduce_or3A_184 : f32 to vector<1x128xf32>
        %reduce_or3A_187 = arith.select %ne3A_183, %reduce_or3A_185, %reduce_or3A_186 : vector<1x128xi1>, vector<1x128xf32>
        %reduce_or3A_188 = vector.shape_cast %reduce_or3A_187 : vector<1x128xf32> to vector<1x1x128xf32>
        %reduce_or3A_189 = arith.constant dense<0xFF800000> : vector<1xf32>
        %reduce_or3A_190 = vector.multi_reduction <maximumf>, %reduce_or3A_188, %reduce_or3A_189 [1, 2] : vector<1x1x128xf32> to vector<1xf32>
        %reduce_or3A_191 = vector.shape_cast %reduce_or3A_190 : vector<1xf32> to vector<1x1x1xf32>
        %reduce_or3A_192 = vector.extract %reduce_or3A_191[0, 0, 0] : f32 from vector<1x1x1xf32>
        %reduce_or3A_193 = arith.constant 0.000000e+00 : f32
        %reduce_or3A_194 = arith.cmpf ogt, %reduce_or3A_192, %reduce_or3A_193 : f32
        %add3A_195 = arith.constant 1 : i32
        %add3A_196 = arith.addi %while3A_171, %add3A_195 : i32
        scf.yield %mul3A_182, %reduce_or3A_194, %add3A_196 : vector<1x128xf32>, i1, i32
      }
      %reshape3A_123 = vector.shape_cast %while3A_122#0 : vector<1x128xf32> to vector<1x1x128xf32>
      %swap3A_124 = arith.index_cast %scan3A_27 : i32 to index
      %swap3A_125 = arith.constant 0 : index
      %swap3A_126 = arith.constant 0 : index
      %swap3A_127 = vector.load %arg5[%swap3A_124, %swap3A_125, %swap3A_126] : memref<96x1x128xf32, #tpu.memory_space<vmem>>, vector<1x1x128xf32>
      tpu.vector_store %arg5[%swap3A_124, %swap3A_125, %swap3A_126], %reshape3A_123 {strides = array<i32>} : memref<96x1x128xf32, #tpu.memory_space<vmem>>, vector<1x1x128xf32>,
      %dot_general3A_128 = arith.constant dense<0.000000e+00> : vector<128x1xf32>
      %dot_general3A_129 = tpu.matmul %select_n3A, %while3A_122#0, %dot_general3A_128 {dimension_numbers = #tpu.dot_dimension_numbers<[1], [1], [0], [0], [0, 0, 1, 0], [], []>, transpose_lhs_hint = false} : vector<128x128xf32>, vector<1x128xf32>, vector<128x1xf32> -> vector<128x1xf32>
      %gt3A_130 = arith.constant 5.000000e-01 : f32
      %gt3A_131 = vector.broadcast %gt3A_130 : f32 to vector<128x1xf32>
      %gt3A_132 = arith.cmpf ogt, %dot_general3A_129, %gt3A_131 : vector<128x1xf32>
      %jit3A_133 = arith.constant 1.000000e+30 : f32
      %broadcast_in_dim3A_134 = vector.broadcast %jit3A_133 : f32 to vector<128x1xf32>
      %select_n3A_135 = arith.select %gt3A_132, %dot_general3A_31, %broadcast_in_dim3A_134 : vector<128x1xi1>, vector<128x1xf32>
      %add3A_136 = arith.constant 1 : i32
      %add3A_137 = arith.addi %scan3A_27, %add3A_136 : i32
      %jit3A_138 = arith.constant 8 : i32
      %div3A = arith.divsi %add3A_137, %jit3A_138 : i32
      %sign3A = arith.constant 0 : i32
      %sign3A_139 = arith.cmpi sgt, %add3A_137, %sign3A : i32
      %sign3A_140 = arith.extui %sign3A_139 : i1 to i32
      %sign3A_141 = arith.constant 0 : i32
      %sign3A_142 = arith.cmpi slt, %add3A_137, %sign3A_141 : i32
      %sign3A_143 = arith.extui %sign3A_142 : i1 to i32
      %sign3A_144 = arith.subi %sign3A_140, %sign3A_143 : i32
      %sign3A_145 = arith.constant 0 : i32
      %sign3A_146 = arith.cmpi sgt, %jit3A_138, %sign3A_145 : i32
      %sign3A_147 = arith.extui %sign3A_146 : i1 to i32
      %sign3A_148 = arith.constant 0 : i32
      %sign3A_149 = arith.cmpi slt, %jit3A_138, %sign3A_148 : i32
      %sign3A_150 = arith.extui %sign3A_149 : i1 to i32
      %sign3A_151 = arith.subi %sign3A_147, %sign3A_150 : i32
      %ne3A = arith.cmpi ne, %sign3A_144, %sign3A_151 : i32
      %rem3A = arith.remsi %add3A_137, %jit3A_138 : i32
      %ne3A_152 = arith.constant 0 : i32
      %ne3A_153 = arith.cmpi ne, %rem3A, %ne3A_152 : i32
      %and3A = arith.andi %ne3A, %ne3A_153 : i1
      %sub3A_154 = arith.constant 1 : i32
      %sub3A_155 = arith.subi %div3A, %sub3A_154 : i32
      %select_n3A_156 = arith.select %and3A, %sub3A_155, %div3A : i32
      %while3A_157 = arith.constant 12 : i32
      %while3A_158 = arith.constant 0 : i32
      %while3A_159 = arith.subi %while3A_157, %select_n3A_156 : i32
      %while3A_160 = arith.addi %select_n3A_156, %while3A_159 : i32
      %while3A_161 = arith.constant 1 : i32
      %while3A_162 = arith.divsi %while3A_159, %while3A_161 : i32
      %while3A_163 = arith.muli %while3A_162, %while3A_161 : i32
      %while3A_164 = arith.addi %select_n3A_156, %while3A_163 : i32
      %while3A_165 = arith.constant 1 : i32
      %while3A_166 = scf.for %while3A_169 = %select_n3A_156 to %while3A_164 step %while3A_165 iter_args(%while3A_170 = %while3A_158) -> (i32)  : i32 {
        %mul3A_171 = arith.constant 8 : i32
        %mul3A_172 = arith.muli %while3A_169, %mul3A_171 : i32
        %get3A_173 = arith.index_cast %mul3A_172 : i32 to index
        %get3A_174 = arith.constant 0 : index
        %get3A_175 = arith.constant 0 : index
        %get3A_176 = vector.load %arg0[%get3A_173, %get3A_174, %get3A_175] : memref<96x1x128xf32, #tpu.memory_space<vmem>>, vector<8x1x128xf32>
        %get3A_177 = arith.index_cast %mul3A_172 : i32 to index
        %get3A_178 = arith.constant 0 : index
        %get3A_179 = arith.constant 0 : index
        %get3A_180 = vector.load %arg1[%get3A_177, %get3A_178, %get3A_179] : memref<96x1x128xf32, #tpu.memory_space<vmem>>, vector<8x1x128xf32>
        %get3A_181 = arith.index_cast %mul3A_172 : i32 to index
        %get3A_182 = arith.constant 0 : index
        %get3A_183 = arith.constant 0 : index
        %get3A_184 = vector.load %arg2[%get3A_181, %get3A_182, %get3A_183] : memref<96x1x128xf32, #tpu.memory_space<vmem>>, vector<8x1x128xf32>
        %get3A_185 = arith.index_cast %mul3A_172 : i32 to index
        %get3A_186 = arith.constant 0 : index
        %get3A_187 = arith.constant 0 : index
        %get3A_188 = vector.load %arg3[%get3A_185, %get3A_186, %get3A_187] : memref<96x1x128xf32, #tpu.memory_space<vmem>>, vector<8x1x128xf32>
        %get3A_189 = arith.index_cast %mul3A_172 : i32 to index
        %get3A_190 = arith.constant 0 : index
        %get3A_191 = arith.constant 0 : index
        %get3A_192 = vector.load %arg4[%get3A_189, %get3A_190, %get3A_191] : memref<96x1x128xf32, #tpu.memory_space<vmem>>, vector<8x1x128xf32>
        %reshape3A_193 = vector.shape_cast %get3A_176 : vector<8x1x128xf32> to vector<8x128xf32>
        %reshape3A_194 = vector.shape_cast %get3A_180 : vector<8x1x128xf32> to vector<8x128xf32>
        %reshape3A_195 = vector.shape_cast %get3A_184 : vector<8x1x128xf32> to vector<8x128xf32>
        %reshape3A_196 = vector.shape_cast %get3A_188 : vector<8x1x128xf32> to vector<8x128xf32>
        %reshape3A_197 = vector.shape_cast %get3A_192 : vector<8x1x128xf32> to vector<8x128xf32>
        %get3A_198 = arith.index_cast %mul3A_172 : i32 to index
        %get3A_199 = arith.constant 0 : index
        %get3A_200 = arith.constant 0 : index
        %get3A_201 = vector.load %arg5[%get3A_198, %get3A_199, %get3A_200] : memref<96x1x128xf32, #tpu.memory_space<vmem>>, vector<8x1x128xf32>
        %reshape3A_202 = vector.shape_cast %get3A_201 : vector<8x1x128xf32> to vector<8x128xf32>
        %slice3A = vector.extract_strided_slice %reshape3A_193 {offsets = [0, 0], sizes = [1, 128], strides = [1, 1]} : vector<8x128xf32> to vector<1x128xf32>
        %slice3A_203 = vector.extract_strided_slice %reshape3A_194 {offsets = [0, 0], sizes = [1, 128], strides = [1, 1]} : vector<8x128xf32> to vector<1x128xf32>
        %slice3A_204 = vector.extract_strided_slice %reshape3A_195 {offsets = [0, 0], sizes = [1, 128], strides = [1, 1]} : vector<8x128xf32> to vector<1x128xf32>
        %slice3A_205 = vector.extract_strided_slice %reshape3A_196 {offsets = [0, 0], sizes = [1, 128], strides = [1, 1]} : vector<8x128xf32> to vector<1x128xf32>
        %slice3A_206 = vector.extract_strided_slice %reshape3A_197 {offsets = [0, 0], sizes = [1, 128], strides = [1, 1]} : vector<8x128xf32> to vector<1x128xf32>
        %min3A_207 = vector.broadcast %dot_general3A_45 : vector<128x1xf32> to vector<128x128xf32>
        %min3A_208 = vector.broadcast %slice3A_204 : vector<1x128xf32> to vector<128x128xf32>
        %min3A_209 = arith.minimumf %min3A_207, %min3A_208 : vector<128x128xf32>
        %max3A_210 = vector.broadcast %select_n3A_135 : vector<128x1xf32> to vector<128x128xf32>
        %max3A_211 = vector.broadcast %slice3A : vector<1x128xf32> to vector<128x128xf32>
        %max3A_212 = arith.maximumf %max3A_210, %max3A_211 : vector<128x128xf32>
        %sub3A_213 = arith.subf %min3A_209, %max3A_212 : vector<128x128xf32>
        %max3A_214 = arith.constant 0.000000e+00 : f32
        %max3A_215 = vector.broadcast %max3A_214 : f32 to vector<128x128xf32>
        %max3A_216 = arith.maximumf %max3A_215, %sub3A_213 : vector<128x128xf32>
        %min3A_217 = vector.broadcast %dot_general3A_52 : vector<128x1xf32> to vector<128x128xf32>
        %min3A_218 = vector.broadcast %slice3A_205 : vector<1x128xf32> to vector<128x128xf32>
        %min3A_219 = arith.minimumf %min3A_217, %min3A_218 : vector<128x128xf32>
        %max3A_220 = vector.broadcast %dot_general3A_38 : vector<128x1xf32> to vector<128x128xf32>
        %max3A_221 = vector.broadcast %slice3A_203 : vector<1x128xf32> to vector<128x128xf32>
        %max3A_222 = arith.maximumf %max3A_220, %max3A_221 : vector<128x128xf32>
        %sub3A_223 = arith.subf %min3A_219, %max3A_222 : vector<128x128xf32>
        %max3A_224 = arith.constant 0.000000e+00 : f32
        %max3A_225 = vector.broadcast %max3A_224 : f32 to vector<128x128xf32>
        %max3A_226 = arith.maximumf %max3A_225, %sub3A_223 : vector<128x128xf32>
        %mul3A_227 = arith.mulf %max3A_216, %max3A_226 : vector<128x128xf32>
        %add3A_228 = vector.broadcast %dot_general3A_59 : vector<128x1xf32> to vector<128x128xf32>
        %add3A_229 = vector.broadcast %slice3A_206 : vector<1x128xf32> to vector<128x128xf32>
        %add3A_230 = arith.addf %add3A_228, %add3A_229 : vector<128x128xf32>
        %sub3A_231 = arith.subf %add3A_230, %mul3A_227 : vector<128x128xf32>
        %mul3A_232 = arith.constant 0.699999988 : f32
        %mul3A_233 = vector.broadcast %mul3A_232 : f32 to vector<128x128xf32>
        %mul3A_234 = arith.mulf %mul3A_233, %sub3A_231 : vector<128x128xf32>
        %sub3A_235 = arith.subf %mul3A_227, %mul3A_234 : vector<128x128xf32>
        %reduce_max3A = arith.constant dense<0xFF800000> : vector<128xf32>
        %reduce_max3A_236 = vector.multi_reduction <maximumf>, %sub3A_235, %reduce_max3A [0] : vector<128x128xf32> to vector<128xf32>
        %broadcast_in_dim3A_237 = vector.shape_cast %reduce_max3A_236 : vector<128xf32> to vector<1x128xf32>
        %add3A_238 = arith.constant 0 : i32
        %add3A_239 = arith.addi %mul3A_172, %add3A_238 : i32
        %gt3A_240 = arith.cmpi sgt, %add3A_239, %scan3A_27 : i32
        %gt3A_241 = arith.constant 0.000000e+00 : f32
        %gt3A_242 = vector.broadcast %gt3A_241 : f32 to vector<1x128xf32>
        %gt3A_243 = arith.cmpf ogt, %broadcast_in_dim3A_237, %gt3A_242 : vector<1x128xf32>
        %and3A_244 = vector.broadcast %gt3A_240 : i1 to vector<1x128xi1>
        %and3A_245 = arith.andi %gt3A_243, %and3A_244 : vector<1x128xi1>
        %jit3A_246 = arith.constant 0.000000e+00 : f32
        %jit3A_247 = arith.constant 1.000000e+00 : f32
        %broadcast_in_dim3A_248 = vector.broadcast %jit3A_246 : f32 to vector<1x128xf32>
        %broadcast_in_dim3A_249 = vector.broadcast %jit3A_247 : f32 to vector<1x128xf32>
        %select_n3A_250 = arith.select %and3A_245, %broadcast_in_dim3A_248, %broadcast_in_dim3A_249 : vector<1x128xi1>, vector<1x128xf32>
        %slice3A_251 = vector.extract_strided_slice %reshape3A_202 {offsets = [0, 0], sizes = [1, 128], strides = [1, 1]} : vector<8x128xf32> to vector<1x128xf32>
        %mul3A_252 = arith.mulf %slice3A_251, %select_n3A_250 : vector<1x128xf32>
        %slice3A_253 = vector.extract_strided_slice %reshape3A_193 {offsets = [1, 0], sizes = [1, 128], strides = [1, 1]} : vector<8x128xf32> to vector<1x128xf32>
        %slice3A_254 = vector.extract_strided_slice %reshape3A_194 {offsets = [1, 0], sizes = [1, 128], strides = [1, 1]} : vector<8x128xf32> to vector<1x128xf32>
        %slice3A_255 = vector.extract_strided_slice %reshape3A_195 {offsets = [1, 0], sizes = [1, 128], strides = [1, 1]} : vector<8x128xf32> to vector<1x128xf32>
        %slice3A_256 = vector.extract_strided_slice %reshape3A_196 {offsets = [1, 0], sizes = [1, 128], strides = [1, 1]} : vector<8x128xf32> to vector<1x128xf32>
        %slice3A_257 = vector.extract_strided_slice %reshape3A_197 {offsets = [1, 0], sizes = [1, 128], strides = [1, 1]} : vector<8x128xf32> to vector<1x128xf32>
        %min3A_258 = vector.broadcast %dot_general3A_45 : vector<128x1xf32> to vector<128x128xf32>
        %min3A_259 = vector.broadcast %slice3A_255 : vector<1x128xf32> to vector<128x128xf32>
        %min3A_260 = arith.minimumf %min3A_258, %min3A_259 : vector<128x128xf32>
        %max3A_261 = vector.broadcast %select_n3A_135 : vector<128x1xf32> to vector<128x128xf32>
        %max3A_262 = vector.broadcast %slice3A_253 : vector<1x128xf32> to vector<128x128xf32>
        %max3A_263 = arith.maximumf %max3A_261, %max3A_262 : vector<128x128xf32>
        %sub3A_264 = arith.subf %min3A_260, %max3A_263 : vector<128x128xf32>
        %max3A_265 = arith.constant 0.000000e+00 : f32
        %max3A_266 = vector.broadcast %max3A_265 : f32 to vector<128x128xf32>
        %max3A_267 = arith.maximumf %max3A_266, %sub3A_264 : vector<128x128xf32>
        %min3A_268 = vector.broadcast %dot_general3A_52 : vector<128x1xf32> to vector<128x128xf32>
        %min3A_269 = vector.broadcast %slice3A_256 : vector<1x128xf32> to vector<128x128xf32>
        %min3A_270 = arith.minimumf %min3A_268, %min3A_269 : vector<128x128xf32>
        %max3A_271 = vector.broadcast %dot_general3A_38 : vector<128x1xf32> to vector<128x128xf32>
        %max3A_272 = vector.broadcast %slice3A_254 : vector<1x128xf32> to vector<128x128xf32>
        %max3A_273 = arith.maximumf %max3A_271, %max3A_272 : vector<128x128xf32>
        %sub3A_274 = arith.subf %min3A_270, %max3A_273 : vector<128x128xf32>
        %max3A_275 = arith.constant 0.000000e+00 : f32
        %max3A_276 = vector.broadcast %max3A_275 : f32 to vector<128x128xf32>
        %max3A_277 = arith.maximumf %max3A_276, %sub3A_274 : vector<128x128xf32>
        %mul3A_278 = arith.mulf %max3A_267, %max3A_277 : vector<128x128xf32>
        %add3A_279 = vector.broadcast %dot_general3A_59 : vector<128x1xf32> to vector<128x128xf32>
        %add3A_280 = vector.broadcast %slice3A_257 : vector<1x128xf32> to vector<128x128xf32>
        %add3A_281 = arith.addf %add3A_279, %add3A_280 : vector<128x128xf32>
        %sub3A_282 = arith.subf %add3A_281, %mul3A_278 : vector<128x128xf32>
        %mul3A_283 = arith.constant 0.699999988 : f32
        %mul3A_284 = vector.broadcast %mul3A_283 : f32 to vector<128x128xf32>
        %mul3A_285 = arith.mulf %mul3A_284, %sub3A_282 : vector<128x128xf32>
        %sub3A_286 = arith.subf %mul3A_278, %mul3A_285 : vector<128x128xf32>
        %reduce_max3A_287 = arith.constant dense<0xFF800000> : vector<128xf32>
        %reduce_max3A_288 = vector.multi_reduction <maximumf>, %sub3A_286, %reduce_max3A_287 [0] : vector<128x128xf32> to vector<128xf32>
        %broadcast_in_dim3A_289 = vector.shape_cast %reduce_max3A_288 : vector<128xf32> to vector<1x128xf32>
        %add3A_290 = arith.constant 1 : i32
        %add3A_291 = arith.addi %mul3A_172, %add3A_290 : i32
        %gt3A_292 = arith.cmpi sgt, %add3A_291, %scan3A_27 : i32
        %gt3A_293 = arith.constant 0.000000e+00 : f32
        %gt3A_294 = vector.broadcast %gt3A_293 : f32 to vector<1x128xf32>
        %gt3A_295 = arith.cmpf ogt, %broadcast_in_dim3A_289, %gt3A_294 : vector<1x128xf32>
        %and3A_296 = vector.broadcast %gt3A_292 : i1 to vector<1x128xi1>
        %and3A_297 = arith.andi %gt3A_295, %and3A_296 : vector<1x128xi1>
        %jit3A_298 = arith.constant 0.000000e+00 : f32
        %jit3A_299 = arith.constant 1.000000e+00 : f32
        %broadcast_in_dim3A_300 = vector.broadcast %jit3A_298 : f32 to vector<1x128xf32>
        %broadcast_in_dim3A_301 = vector.broadcast %jit3A_299 : f32 to vector<1x128xf32>
        %select_n3A_302 = arith.select %and3A_297, %broadcast_in_dim3A_300, %broadcast_in_dim3A_301 : vector<1x128xi1>, vector<1x128xf32>
        %slice3A_303 = vector.extract_strided_slice %reshape3A_202 {offsets = [1, 0], sizes = [1, 128], strides = [1, 1]} : vector<8x128xf32> to vector<1x128xf32>
        %mul3A_304 = arith.mulf %slice3A_303, %select_n3A_302 : vector<1x128xf32>
        %slice3A_305 = vector.extract_strided_slice %reshape3A_193 {offsets = [2, 0], sizes = [1, 128], strides = [1, 1]} : vector<8x128xf32> to vector<1x128xf32>
        %slice3A_306 = vector.extract_strided_slice %reshape3A_194 {offsets = [2, 0], sizes = [1, 128], strides = [1, 1]} : vector<8x128xf32> to vector<1x128xf32>
        %slice3A_307 = vector.extract_strided_slice %reshape3A_195 {offsets = [2, 0], sizes = [1, 128], strides = [1, 1]} : vector<8x128xf32> to vector<1x128xf32>
        %slice3A_308 = vector.extract_strided_slice %reshape3A_196 {offsets = [2, 0], sizes = [1, 128], strides = [1, 1]} : vector<8x128xf32> to vector<1x128xf32>
        %slice3A_309 = vector.extract_strided_slice %reshape3A_197 {offsets = [2, 0], sizes = [1, 128], strides = [1, 1]} : vector<8x128xf32> to vector<1x128xf32>
        %min3A_310 = vector.broadcast %dot_general3A_45 : vector<128x1xf32> to vector<128x128xf32>
        %min3A_311 = vector.broadcast %slice3A_307 : vector<1x128xf32> to vector<128x128xf32>
        %min3A_312 = arith.minimumf %min3A_310, %min3A_311 : vector<128x128xf32>
        %max3A_313 = vector.broadcast %select_n3A_135 : vector<128x1xf32> to vector<128x128xf32>
        %max3A_314 = vector.broadcast %slice3A_305 : vector<1x128xf32> to vector<128x128xf32>
        %max3A_315 = arith.maximumf %max3A_313, %max3A_314 : vector<128x128xf32>
        %sub3A_316 = arith.subf %min3A_312, %max3A_315 : vector<128x128xf32>
        %max3A_317 = arith.constant 0.000000e+00 : f32
        %max3A_318 = vector.broadcast %max3A_317 : f32 to vector<128x128xf32>
        %max3A_319 = arith.maximumf %max3A_318, %sub3A_316 : vector<128x128xf32>
        %min3A_320 = vector.broadcast %dot_general3A_52 : vector<128x1xf32> to vector<128x128xf32>
        %min3A_321 = vector.broadcast %slice3A_308 : vector<1x128xf32> to vector<128x128xf32>
        %min3A_322 = arith.minimumf %min3A_320, %min3A_321 : vector<128x128xf32>
        %max3A_323 = vector.broadcast %dot_general3A_38 : vector<128x1xf32> to vector<128x128xf32>
        %max3A_324 = vector.broadcast %slice3A_306 : vector<1x128xf32> to vector<128x128xf32>
        %max3A_325 = arith.maximumf %max3A_323, %max3A_324 : vector<128x128xf32>
        %sub3A_326 = arith.subf %min3A_322, %max3A_325 : vector<128x128xf32>
        %max3A_327 = arith.constant 0.000000e+00 : f32
        %max3A_328 = vector.broadcast %max3A_327 : f32 to vector<128x128xf32>
        %max3A_329 = arith.maximumf %max3A_328, %sub3A_326 : vector<128x128xf32>
        %mul3A_330 = arith.mulf %max3A_319, %max3A_329 : vector<128x128xf32>
        %add3A_331 = vector.broadcast %dot_general3A_59 : vector<128x1xf32> to vector<128x128xf32>
        %add3A_332 = vector.broadcast %slice3A_309 : vector<1x128xf32> to vector<128x128xf32>
        %add3A_333 = arith.addf %add3A_331, %add3A_332 : vector<128x128xf32>
        %sub3A_334 = arith.subf %add3A_333, %mul3A_330 : vector<128x128xf32>
        %mul3A_335 = arith.constant 0.699999988 : f32
        %mul3A_336 = vector.broadcast %mul3A_335 : f32 to vector<128x128xf32>
        %mul3A_337 = arith.mulf %mul3A_336, %sub3A_334 : vector<128x128xf32>
        %sub3A_338 = arith.subf %mul3A_330, %mul3A_337 : vector<128x128xf32>
        %reduce_max3A_339 = arith.constant dense<0xFF800000> : vector<128xf32>
        %reduce_max3A_340 = vector.multi_reduction <maximumf>, %sub3A_338, %reduce_max3A_339 [0] : vector<128x128xf32> to vector<128xf32>
        %broadcast_in_dim3A_341 = vector.shape_cast %reduce_max3A_340 : vector<128xf32> to vector<1x128xf32>
        %add3A_342 = arith.constant 2 : i32
        %add3A_343 = arith.addi %mul3A_172, %add3A_342 : i32
        %gt3A_344 = arith.cmpi sgt, %add3A_343, %scan3A_27 : i32
        %gt3A_345 = arith.constant 0.000000e+00 : f32
        %gt3A_346 = vector.broadcast %gt3A_345 : f32 to vector<1x128xf32>
        %gt3A_347 = arith.cmpf ogt, %broadcast_in_dim3A_341, %gt3A_346 : vector<1x128xf32>
        %and3A_348 = vector.broadcast %gt3A_344 : i1 to vector<1x128xi1>
        %and3A_349 = arith.andi %gt3A_347, %and3A_348 : vector<1x128xi1>
        %jit3A_350 = arith.constant 0.000000e+00 : f32
        %jit3A_351 = arith.constant 1.000000e+00 : f32
        %broadcast_in_dim3A_352 = vector.broadcast %jit3A_350 : f32 to vector<1x128xf32>
        %broadcast_in_dim3A_353 = vector.broadcast %jit3A_351 : f32 to vector<1x128xf32>
        %select_n3A_354 = arith.select %and3A_349, %broadcast_in_dim3A_352, %broadcast_in_dim3A_353 : vector<1x128xi1>, vector<1x128xf32>
        %slice3A_355 = vector.extract_strided_slice %reshape3A_202 {offsets = [2, 0], sizes = [1, 128], strides = [1, 1]} : vector<8x128xf32> to vector<1x128xf32>
        %mul3A_356 = arith.mulf %slice3A_355, %select_n3A_354 : vector<1x128xf32>
        %slice3A_357 = vector.extract_strided_slice %reshape3A_193 {offsets = [3, 0], sizes = [1, 128], strides = [1, 1]} : vector<8x128xf32> to vector<1x128xf32>
        %slice3A_358 = vector.extract_strided_slice %reshape3A_194 {offsets = [3, 0], sizes = [1, 128], strides = [1, 1]} : vector<8x128xf32> to vector<1x128xf32>
        %slice3A_359 = vector.extract_strided_slice %reshape3A_195 {offsets = [3, 0], sizes = [1, 128], strides = [1, 1]} : vector<8x128xf32> to vector<1x128xf32>
        %slice3A_360 = vector.extract_strided_slice %reshape3A_196 {offsets = [3, 0], sizes = [1, 128], strides = [1, 1]} : vector<8x128xf32> to vector<1x128xf32>
        %slice3A_361 = vector.extract_strided_slice %reshape3A_197 {offsets = [3, 0], sizes = [1, 128], strides = [1, 1]} : vector<8x128xf32> to vector<1x128xf32>
        %min3A_362 = vector.broadcast %dot_general3A_45 : vector<128x1xf32> to vector<128x128xf32>
        %min3A_363 = vector.broadcast %slice3A_359 : vector<1x128xf32> to vector<128x128xf32>
        %min3A_364 = arith.minimumf %min3A_362, %min3A_363 : vector<128x128xf32>
        %max3A_365 = vector.broadcast %select_n3A_135 : vector<128x1xf32> to vector<128x128xf32>
        %max3A_366 = vector.broadcast %slice3A_357 : vector<1x128xf32> to vector<128x128xf32>
        %max3A_367 = arith.maximumf %max3A_365, %max3A_366 : vector<128x128xf32>
        %sub3A_368 = arith.subf %min3A_364, %max3A_367 : vector<128x128xf32>
        %max3A_369 = arith.constant 0.000000e+00 : f32
        %max3A_370 = vector.broadcast %max3A_369 : f32 to vector<128x128xf32>
        %max3A_371 = arith.maximumf %max3A_370, %sub3A_368 : vector<128x128xf32>
        %min3A_372 = vector.broadcast %dot_general3A_52 : vector<128x1xf32> to vector<128x128xf32>
        %min3A_373 = vector.broadcast %slice3A_360 : vector<1x128xf32> to vector<128x128xf32>
        %min3A_374 = arith.minimumf %min3A_372, %min3A_373 : vector<128x128xf32>
        %max3A_375 = vector.broadcast %dot_general3A_38 : vector<128x1xf32> to vector<128x128xf32>
        %max3A_376 = vector.broadcast %slice3A_358 : vector<1x128xf32> to vector<128x128xf32>
        %max3A_377 = arith.maximumf %max3A_375, %max3A_376 : vector<128x128xf32>
        %sub3A_378 = arith.subf %min3A_374, %max3A_377 : vector<128x128xf32>
        %max3A_379 = arith.constant 0.000000e+00 : f32
        %max3A_380 = vector.broadcast %max3A_379 : f32 to vector<128x128xf32>
        %max3A_381 = arith.maximumf %max3A_380, %sub3A_378 : vector<128x128xf32>
        %mul3A_382 = arith.mulf %max3A_371, %max3A_381 : vector<128x128xf32>
        %add3A_383 = vector.broadcast %dot_general3A_59 : vector<128x1xf32> to vector<128x128xf32>
        %add3A_384 = vector.broadcast %slice3A_361 : vector<1x128xf32> to vector<128x128xf32>
        %add3A_385 = arith.addf %add3A_383, %add3A_384 : vector<128x128xf32>
        %sub3A_386 = arith.subf %add3A_385, %mul3A_382 : vector<128x128xf32>
        %mul3A_387 = arith.constant 0.699999988 : f32
        %mul3A_388 = vector.broadcast %mul3A_387 : f32 to vector<128x128xf32>
        %mul3A_389 = arith.mulf %mul3A_388, %sub3A_386 : vector<128x128xf32>
        %sub3A_390 = arith.subf %mul3A_382, %mul3A_389 : vector<128x128xf32>
        %reduce_max3A_391 = arith.constant dense<0xFF800000> : vector<128xf32>
        %reduce_max3A_392 = vector.multi_reduction <maximumf>, %sub3A_390, %reduce_max3A_391 [0] : vector<128x128xf32> to vector<128xf32>
        %broadcast_in_dim3A_393 = vector.shape_cast %reduce_max3A_392 : vector<128xf32> to vector<1x128xf32>
        %add3A_394 = arith.constant 3 : i32
        %add3A_395 = arith.addi %mul3A_172, %add3A_394 : i32
        %gt3A_396 = arith.cmpi sgt, %add3A_395, %scan3A_27 : i32
        %gt3A_397 = arith.constant 0.000000e+00 : f32
        %gt3A_398 = vector.broadcast %gt3A_397 : f32 to vector<1x128xf32>
        %gt3A_399 = arith.cmpf ogt, %broadcast_in_dim3A_393, %gt3A_398 : vector<1x128xf32>
        %and3A_400 = vector.broadcast %gt3A_396 : i1 to vector<1x128xi1>
        %and3A_401 = arith.andi %gt3A_399, %and3A_400 : vector<1x128xi1>
        %jit3A_402 = arith.constant 0.000000e+00 : f32
        %jit3A_403 = arith.constant 1.000000e+00 : f32
        %broadcast_in_dim3A_404 = vector.broadcast %jit3A_402 : f32 to vector<1x128xf32>
        %broadcast_in_dim3A_405 = vector.broadcast %jit3A_403 : f32 to vector<1x128xf32>
        %select_n3A_406 = arith.select %and3A_401, %broadcast_in_dim3A_404, %broadcast_in_dim3A_405 : vector<1x128xi1>, vector<1x128xf32>
        %slice3A_407 = vector.extract_strided_slice %reshape3A_202 {offsets = [3, 0], sizes = [1, 128], strides = [1, 1]} : vector<8x128xf32> to vector<1x128xf32>
        %mul3A_408 = arith.mulf %slice3A_407, %select_n3A_406 : vector<1x128xf32>
        %slice3A_409 = vector.extract_strided_slice %reshape3A_193 {offsets = [4, 0], sizes = [1, 128], strides = [1, 1]} : vector<8x128xf32> to vector<1x128xf32>
        %slice3A_410 = vector.extract_strided_slice %reshape3A_194 {offsets = [4, 0], sizes = [1, 128], strides = [1, 1]} : vector<8x128xf32> to vector<1x128xf32>
        %slice3A_411 = vector.extract_strided_slice %reshape3A_195 {offsets = [4, 0], sizes = [1, 128], strides = [1, 1]} : vector<8x128xf32> to vector<1x128xf32>
        %slice3A_412 = vector.extract_strided_slice %reshape3A_196 {offsets = [4, 0], sizes = [1, 128], strides = [1, 1]} : vector<8x128xf32> to vector<1x128xf32>
        %slice3A_413 = vector.extract_strided_slice %reshape3A_197 {offsets = [4, 0], sizes = [1, 128], strides = [1, 1]} : vector<8x128xf32> to vector<1x128xf32>
        %min3A_414 = vector.broadcast %dot_general3A_45 : vector<128x1xf32> to vector<128x128xf32>
        %min3A_415 = vector.broadcast %slice3A_411 : vector<1x128xf32> to vector<128x128xf32>
        %min3A_416 = arith.minimumf %min3A_414, %min3A_415 : vector<128x128xf32>
        %max3A_417 = vector.broadcast %select_n3A_135 : vector<128x1xf32> to vector<128x128xf32>
        %max3A_418 = vector.broadcast %slice3A_409 : vector<1x128xf32> to vector<128x128xf32>
        %max3A_419 = arith.maximumf %max3A_417, %max3A_418 : vector<128x128xf32>
        %sub3A_420 = arith.subf %min3A_416, %max3A_419 : vector<128x128xf32>
        %max3A_421 = arith.constant 0.000000e+00 : f32
        %max3A_422 = vector.broadcast %max3A_421 : f32 to vector<128x128xf32>
        %max3A_423 = arith.maximumf %max3A_422, %sub3A_420 : vector<128x128xf32>
        %min3A_424 = vector.broadcast %dot_general3A_52 : vector<128x1xf32> to vector<128x128xf32>
        %min3A_425 = vector.broadcast %slice3A_412 : vector<1x128xf32> to vector<128x128xf32>
        %min3A_426 = arith.minimumf %min3A_424, %min3A_425 : vector<128x128xf32>
        %max3A_427 = vector.broadcast %dot_general3A_38 : vector<128x1xf32> to vector<128x128xf32>
        %max3A_428 = vector.broadcast %slice3A_410 : vector<1x128xf32> to vector<128x128xf32>
        %max3A_429 = arith.maximumf %max3A_427, %max3A_428 : vector<128x128xf32>
        %sub3A_430 = arith.subf %min3A_426, %max3A_429 : vector<128x128xf32>
        %max3A_431 = arith.constant 0.000000e+00 : f32
        %max3A_432 = vector.broadcast %max3A_431 : f32 to vector<128x128xf32>
        %max3A_433 = arith.maximumf %max3A_432, %sub3A_430 : vector<128x128xf32>
        %mul3A_434 = arith.mulf %max3A_423, %max3A_433 : vector<128x128xf32>
        %add3A_435 = vector.broadcast %dot_general3A_59 : vector<128x1xf32> to vector<128x128xf32>
        %add3A_436 = vector.broadcast %slice3A_413 : vector<1x128xf32> to vector<128x128xf32>
        %add3A_437 = arith.addf %add3A_435, %add3A_436 : vector<128x128xf32>
        %sub3A_438 = arith.subf %add3A_437, %mul3A_434 : vector<128x128xf32>
        %mul3A_439 = arith.constant 0.699999988 : f32
        %mul3A_440 = vector.broadcast %mul3A_439 : f32 to vector<128x128xf32>
        %mul3A_441 = arith.mulf %mul3A_440, %sub3A_438 : vector<128x128xf32>
        %sub3A_442 = arith.subf %mul3A_434, %mul3A_441 : vector<128x128xf32>
        %reduce_max3A_443 = arith.constant dense<0xFF800000> : vector<128xf32>
        %reduce_max3A_444 = vector.multi_reduction <maximumf>, %sub3A_442, %reduce_max3A_443 [0] : vector<128x128xf32> to vector<128xf32>
        %broadcast_in_dim3A_445 = vector.shape_cast %reduce_max3A_444 : vector<128xf32> to vector<1x128xf32>
        %add3A_446 = arith.constant 4 : i32
        %add3A_447 = arith.addi %mul3A_172, %add3A_446 : i32
        %gt3A_448 = arith.cmpi sgt, %add3A_447, %scan3A_27 : i32
        %gt3A_449 = arith.constant 0.000000e+00 : f32
        %gt3A_450 = vector.broadcast %gt3A_449 : f32 to vector<1x128xf32>
        %gt3A_451 = arith.cmpf ogt, %broadcast_in_dim3A_445, %gt3A_450 : vector<1x128xf32>
        %and3A_452 = vector.broadcast %gt3A_448 : i1 to vector<1x128xi1>
        %and3A_453 = arith.andi %gt3A_451, %and3A_452 : vector<1x128xi1>
        %jit3A_454 = arith.constant 0.000000e+00 : f32
        %jit3A_455 = arith.constant 1.000000e+00 : f32
        %broadcast_in_dim3A_456 = vector.broadcast %jit3A_454 : f32 to vector<1x128xf32>
        %broadcast_in_dim3A_457 = vector.broadcast %jit3A_455 : f32 to vector<1x128xf32>
        %select_n3A_458 = arith.select %and3A_453, %broadcast_in_dim3A_456, %broadcast_in_dim3A_457 : vector<1x128xi1>, vector<1x128xf32>
        %slice3A_459 = vector.extract_strided_slice %reshape3A_202 {offsets = [4, 0], sizes = [1, 128], strides = [1, 1]} : vector<8x128xf32> to vector<1x128xf32>
        %mul3A_460 = arith.mulf %slice3A_459, %select_n3A_458 : vector<1x128xf32>
        %slice3A_461 = vector.extract_strided_slice %reshape3A_193 {offsets = [5, 0], sizes = [1, 128], strides = [1, 1]} : vector<8x128xf32> to vector<1x128xf32>
        %slice3A_462 = vector.extract_strided_slice %reshape3A_194 {offsets = [5, 0], sizes = [1, 128], strides = [1, 1]} : vector<8x128xf32> to vector<1x128xf32>
        %slice3A_463 = vector.extract_strided_slice %reshape3A_195 {offsets = [5, 0], sizes = [1, 128], strides = [1, 1]} : vector<8x128xf32> to vector<1x128xf32>
        %slice3A_464 = vector.extract_strided_slice %reshape3A_196 {offsets = [5, 0], sizes = [1, 128], strides = [1, 1]} : vector<8x128xf32> to vector<1x128xf32>
        %slice3A_465 = vector.extract_strided_slice %reshape3A_197 {offsets = [5, 0], sizes = [1, 128], strides = [1, 1]} : vector<8x128xf32> to vector<1x128xf32>
        %min3A_466 = vector.broadcast %dot_general3A_45 : vector<128x1xf32> to vector<128x128xf32>
        %min3A_467 = vector.broadcast %slice3A_463 : vector<1x128xf32> to vector<128x128xf32>
        %min3A_468 = arith.minimumf %min3A_466, %min3A_467 : vector<128x128xf32>
        %max3A_469 = vector.broadcast %select_n3A_135 : vector<128x1xf32> to vector<128x128xf32>
        %max3A_470 = vector.broadcast %slice3A_461 : vector<1x128xf32> to vector<128x128xf32>
        %max3A_471 = arith.maximumf %max3A_469, %max3A_470 : vector<128x128xf32>
        %sub3A_472 = arith.subf %min3A_468, %max3A_471 : vector<128x128xf32>
        %max3A_473 = arith.constant 0.000000e+00 : f32
        %max3A_474 = vector.broadcast %max3A_473 : f32 to vector<128x128xf32>
        %max3A_475 = arith.maximumf %max3A_474, %sub3A_472 : vector<128x128xf32>
        %min3A_476 = vector.broadcast %dot_general3A_52 : vector<128x1xf32> to vector<128x128xf32>
        %min3A_477 = vector.broadcast %slice3A_464 : vector<1x128xf32> to vector<128x128xf32>
        %min3A_478 = arith.minimumf %min3A_476, %min3A_477 : vector<128x128xf32>
        %max3A_479 = vector.broadcast %dot_general3A_38 : vector<128x1xf32> to vector<128x128xf32>
        %max3A_480 = vector.broadcast %slice3A_462 : vector<1x128xf32> to vector<128x128xf32>
        %max3A_481 = arith.maximumf %max3A_479, %max3A_480 : vector<128x128xf32>
        %sub3A_482 = arith.subf %min3A_478, %max3A_481 : vector<128x128xf32>
        %max3A_483 = arith.constant 0.000000e+00 : f32
        %max3A_484 = vector.broadcast %max3A_483 : f32 to vector<128x128xf32>
        %max3A_485 = arith.maximumf %max3A_484, %sub3A_482 : vector<128x128xf32>
        %mul3A_486 = arith.mulf %max3A_475, %max3A_485 : vector<128x128xf32>
        %add3A_487 = vector.broadcast %dot_general3A_59 : vector<128x1xf32> to vector<128x128xf32>
        %add3A_488 = vector.broadcast %slice3A_465 : vector<1x128xf32> to vector<128x128xf32>
        %add3A_489 = arith.addf %add3A_487, %add3A_488 : vector<128x128xf32>
        %sub3A_490 = arith.subf %add3A_489, %mul3A_486 : vector<128x128xf32>
        %mul3A_491 = arith.constant 0.699999988 : f32
        %mul3A_492 = vector.broadcast %mul3A_491 : f32 to vector<128x128xf32>
        %mul3A_493 = arith.mulf %mul3A_492, %sub3A_490 : vector<128x128xf32>
        %sub3A_494 = arith.subf %mul3A_486, %mul3A_493 : vector<128x128xf32>
        %reduce_max3A_495 = arith.constant dense<0xFF800000> : vector<128xf32>
        %reduce_max3A_496 = vector.multi_reduction <maximumf>, %sub3A_494, %reduce_max3A_495 [0] : vector<128x128xf32> to vector<128xf32>
        %broadcast_in_dim3A_497 = vector.shape_cast %reduce_max3A_496 : vector<128xf32> to vector<1x128xf32>
        %add3A_498 = arith.constant 5 : i32
        %add3A_499 = arith.addi %mul3A_172, %add3A_498 : i32
        %gt3A_500 = arith.cmpi sgt, %add3A_499, %scan3A_27 : i32
        %gt3A_501 = arith.constant 0.000000e+00 : f32
        %gt3A_502 = vector.broadcast %gt3A_501 : f32 to vector<1x128xf32>
        %gt3A_503 = arith.cmpf ogt, %broadcast_in_dim3A_497, %gt3A_502 : vector<1x128xf32>
        %and3A_504 = vector.broadcast %gt3A_500 : i1 to vector<1x128xi1>
        %and3A_505 = arith.andi %gt3A_503, %and3A_504 : vector<1x128xi1>
        %jit3A_506 = arith.constant 0.000000e+00 : f32
        %jit3A_507 = arith.constant 1.000000e+00 : f32
        %broadcast_in_dim3A_508 = vector.broadcast %jit3A_506 : f32 to vector<1x128xf32>
        %broadcast_in_dim3A_509 = vector.broadcast %jit3A_507 : f32 to vector<1x128xf32>
        %select_n3A_510 = arith.select %and3A_505, %broadcast_in_dim3A_508, %broadcast_in_dim3A_509 : vector<1x128xi1>, vector<1x128xf32>
        %slice3A_511 = vector.extract_strided_slice %reshape3A_202 {offsets = [5, 0], sizes = [1, 128], strides = [1, 1]} : vector<8x128xf32> to vector<1x128xf32>
        %mul3A_512 = arith.mulf %slice3A_511, %select_n3A_510 : vector<1x128xf32>
        %slice3A_513 = vector.extract_strided_slice %reshape3A_193 {offsets = [6, 0], sizes = [1, 128], strides = [1, 1]} : vector<8x128xf32> to vector<1x128xf32>
        %slice3A_514 = vector.extract_strided_slice %reshape3A_194 {offsets = [6, 0], sizes = [1, 128], strides = [1, 1]} : vector<8x128xf32> to vector<1x128xf32>
        %slice3A_515 = vector.extract_strided_slice %reshape3A_195 {offsets = [6, 0], sizes = [1, 128], strides = [1, 1]} : vector<8x128xf32> to vector<1x128xf32>
        %slice3A_516 = vector.extract_strided_slice %reshape3A_196 {offsets = [6, 0], sizes = [1, 128], strides = [1, 1]} : vector<8x128xf32> to vector<1x128xf32>
        %slice3A_517 = vector.extract_strided_slice %reshape3A_197 {offsets = [6, 0], sizes = [1, 128], strides = [1, 1]} : vector<8x128xf32> to vector<1x128xf32>
        %min3A_518 = vector.broadcast %dot_general3A_45 : vector<128x1xf32> to vector<128x128xf32>
        %min3A_519 = vector.broadcast %slice3A_515 : vector<1x128xf32> to vector<128x128xf32>
        %min3A_520 = arith.minimumf %min3A_518, %min3A_519 : vector<128x128xf32>
        %max3A_521 = vector.broadcast %select_n3A_135 : vector<128x1xf32> to vector<128x128xf32>
        %max3A_522 = vector.broadcast %slice3A_513 : vector<1x128xf32> to vector<128x128xf32>
        %max3A_523 = arith.maximumf %max3A_521, %max3A_522 : vector<128x128xf32>
        %sub3A_524 = arith.subf %min3A_520, %max3A_523 : vector<128x128xf32>
        %max3A_525 = arith.constant 0.000000e+00 : f32
        %max3A_526 = vector.broadcast %max3A_525 : f32 to vector<128x128xf32>
        %max3A_527 = arith.maximumf %max3A_526, %sub3A_524 : vector<128x128xf32>
        %min3A_528 = vector.broadcast %dot_general3A_52 : vector<128x1xf32> to vector<128x128xf32>
        %min3A_529 = vector.broadcast %slice3A_516 : vector<1x128xf32> to vector<128x128xf32>
        %min3A_530 = arith.minimumf %min3A_528, %min3A_529 : vector<128x128xf32>
        %max3A_531 = vector.broadcast %dot_general3A_38 : vector<128x1xf32> to vector<128x128xf32>
        %max3A_532 = vector.broadcast %slice3A_514 : vector<1x128xf32> to vector<128x128xf32>
        %max3A_533 = arith.maximumf %max3A_531, %max3A_532 : vector<128x128xf32>
        %sub3A_534 = arith.subf %min3A_530, %max3A_533 : vector<128x128xf32>
        %max3A_535 = arith.constant 0.000000e+00 : f32
        %max3A_536 = vector.broadcast %max3A_535 : f32 to vector<128x128xf32>
        %max3A_537 = arith.maximumf %max3A_536, %sub3A_534 : vector<128x128xf32>
        %mul3A_538 = arith.mulf %max3A_527, %max3A_537 : vector<128x128xf32>
        %add3A_539 = vector.broadcast %dot_general3A_59 : vector<128x1xf32> to vector<128x128xf32>
        %add3A_540 = vector.broadcast %slice3A_517 : vector<1x128xf32> to vector<128x128xf32>
        %add3A_541 = arith.addf %add3A_539, %add3A_540 : vector<128x128xf32>
        %sub3A_542 = arith.subf %add3A_541, %mul3A_538 : vector<128x128xf32>
        %mul3A_543 = arith.constant 0.699999988 : f32
        %mul3A_544 = vector.broadcast %mul3A_543 : f32 to vector<128x128xf32>
        %mul3A_545 = arith.mulf %mul3A_544, %sub3A_542 : vector<128x128xf32>
        %sub3A_546 = arith.subf %mul3A_538, %mul3A_545 : vector<128x128xf32>
        %reduce_max3A_547 = arith.constant dense<0xFF800000> : vector<128xf32>
        %reduce_max3A_548 = vector.multi_reduction <maximumf>, %sub3A_546, %reduce_max3A_547 [0] : vector<128x128xf32> to vector<128xf32>
        %broadcast_in_dim3A_549 = vector.shape_cast %reduce_max3A_548 : vector<128xf32> to vector<1x128xf32>
        %add3A_550 = arith.constant 6 : i32
        %add3A_551 = arith.addi %mul3A_172, %add3A_550 : i32
        %gt3A_552 = arith.cmpi sgt, %add3A_551, %scan3A_27 : i32
        %gt3A_553 = arith.constant 0.000000e+00 : f32
        %gt3A_554 = vector.broadcast %gt3A_553 : f32 to vector<1x128xf32>
        %gt3A_555 = arith.cmpf ogt, %broadcast_in_dim3A_549, %gt3A_554 : vector<1x128xf32>
        %and3A_556 = vector.broadcast %gt3A_552 : i1 to vector<1x128xi1>
        %and3A_557 = arith.andi %gt3A_555, %and3A_556 : vector<1x128xi1>
        %jit3A_558 = arith.constant 0.000000e+00 : f32
        %jit3A_559 = arith.constant 1.000000e+00 : f32
        %broadcast_in_dim3A_560 = vector.broadcast %jit3A_558 : f32 to vector<1x128xf32>
        %broadcast_in_dim3A_561 = vector.broadcast %jit3A_559 : f32 to vector<1x128xf32>
        %select_n3A_562 = arith.select %and3A_557, %broadcast_in_dim3A_560, %broadcast_in_dim3A_561 : vector<1x128xi1>, vector<1x128xf32>
        %slice3A_563 = vector.extract_strided_slice %reshape3A_202 {offsets = [6, 0], sizes = [1, 128], strides = [1, 1]} : vector<8x128xf32> to vector<1x128xf32>
        %mul3A_564 = arith.mulf %slice3A_563, %select_n3A_562 : vector<1x128xf32>
        %slice3A_565 = vector.extract_strided_slice %reshape3A_193 {offsets = [7, 0], sizes = [1, 128], strides = [1, 1]} : vector<8x128xf32> to vector<1x128xf32>
        %slice3A_566 = vector.extract_strided_slice %reshape3A_194 {offsets = [7, 0], sizes = [1, 128], strides = [1, 1]} : vector<8x128xf32> to vector<1x128xf32>
        %slice3A_567 = vector.extract_strided_slice %reshape3A_195 {offsets = [7, 0], sizes = [1, 128], strides = [1, 1]} : vector<8x128xf32> to vector<1x128xf32>
        %slice3A_568 = vector.extract_strided_slice %reshape3A_196 {offsets = [7, 0], sizes = [1, 128], strides = [1, 1]} : vector<8x128xf32> to vector<1x128xf32>
        %slice3A_569 = vector.extract_strided_slice %reshape3A_197 {offsets = [7, 0], sizes = [1, 128], strides = [1, 1]} : vector<8x128xf32> to vector<1x128xf32>
        %min3A_570 = vector.broadcast %dot_general3A_45 : vector<128x1xf32> to vector<128x128xf32>
        %min3A_571 = vector.broadcast %slice3A_567 : vector<1x128xf32> to vector<128x128xf32>
        %min3A_572 = arith.minimumf %min3A_570, %min3A_571 : vector<128x128xf32>
        %max3A_573 = vector.broadcast %select_n3A_135 : vector<128x1xf32> to vector<128x128xf32>
        %max3A_574 = vector.broadcast %slice3A_565 : vector<1x128xf32> to vector<128x128xf32>
        %max3A_575 = arith.maximumf %max3A_573, %max3A_574 : vector<128x128xf32>
        %sub3A_576 = arith.subf %min3A_572, %max3A_575 : vector<128x128xf32>
        %max3A_577 = arith.constant 0.000000e+00 : f32
        %max3A_578 = vector.broadcast %max3A_577 : f32 to vector<128x128xf32>
        %max3A_579 = arith.maximumf %max3A_578, %sub3A_576 : vector<128x128xf32>
        %min3A_580 = vector.broadcast %dot_general3A_52 : vector<128x1xf32> to vector<128x128xf32>
        %min3A_581 = vector.broadcast %slice3A_568 : vector<1x128xf32> to vector<128x128xf32>
        %min3A_582 = arith.minimumf %min3A_580, %min3A_581 : vector<128x128xf32>
        %max3A_583 = vector.broadcast %dot_general3A_38 : vector<128x1xf32> to vector<128x128xf32>
        %max3A_584 = vector.broadcast %slice3A_566 : vector<1x128xf32> to vector<128x128xf32>
        %max3A_585 = arith.maximumf %max3A_583, %max3A_584 : vector<128x128xf32>
        %sub3A_586 = arith.subf %min3A_582, %max3A_585 : vector<128x128xf32>
        %max3A_587 = arith.constant 0.000000e+00 : f32
        %max3A_588 = vector.broadcast %max3A_587 : f32 to vector<128x128xf32>
        %max3A_589 = arith.maximumf %max3A_588, %sub3A_586 : vector<128x128xf32>
        %mul3A_590 = arith.mulf %max3A_579, %max3A_589 : vector<128x128xf32>
        %add3A_591 = vector.broadcast %dot_general3A_59 : vector<128x1xf32> to vector<128x128xf32>
        %add3A_592 = vector.broadcast %slice3A_569 : vector<1x128xf32> to vector<128x128xf32>
        %add3A_593 = arith.addf %add3A_591, %add3A_592 : vector<128x128xf32>
        %sub3A_594 = arith.subf %add3A_593, %mul3A_590 : vector<128x128xf32>
        %mul3A_595 = arith.constant 0.699999988 : f32
        %mul3A_596 = vector.broadcast %mul3A_595 : f32 to vector<128x128xf32>
        %mul3A_597 = arith.mulf %mul3A_596, %sub3A_594 : vector<128x128xf32>
        %sub3A_598 = arith.subf %mul3A_590, %mul3A_597 : vector<128x128xf32>
        %reduce_max3A_599 = arith.constant dense<0xFF800000> : vector<128xf32>
        %reduce_max3A_600 = vector.multi_reduction <maximumf>, %sub3A_598, %reduce_max3A_599 [0] : vector<128x128xf32> to vector<128xf32>
        %broadcast_in_dim3A_601 = vector.shape_cast %reduce_max3A_600 : vector<128xf32> to vector<1x128xf32>
        %add3A_602 = arith.constant 7 : i32
        %add3A_603 = arith.addi %mul3A_172, %add3A_602 : i32
        %gt3A_604 = arith.cmpi sgt, %add3A_603, %scan3A_27 : i32
        %gt3A_605 = arith.constant 0.000000e+00 : f32
        %gt3A_606 = vector.broadcast %gt3A_605 : f32 to vector<1x128xf32>
        %gt3A_607 = arith.cmpf ogt, %broadcast_in_dim3A_601, %gt3A_606 : vector<1x128xf32>
        %and3A_608 = vector.broadcast %gt3A_604 : i1 to vector<1x128xi1>
        %and3A_609 = arith.andi %gt3A_607, %and3A_608 : vector<1x128xi1>
        %jit3A_610 = arith.constant 0.000000e+00 : f32
        %jit3A_611 = arith.constant 1.000000e+00 : f32
        %broadcast_in_dim3A_612 = vector.broadcast %jit3A_610 : f32 to vector<1x128xf32>
        %broadcast_in_dim3A_613 = vector.broadcast %jit3A_611 : f32 to vector<1x128xf32>
        %select_n3A_614 = arith.select %and3A_609, %broadcast_in_dim3A_612, %broadcast_in_dim3A_613 : vector<1x128xi1>, vector<1x128xf32>
        %slice3A_615 = vector.extract_strided_slice %reshape3A_202 {offsets = [7, 0], sizes = [1, 128], strides = [1, 1]} : vector<8x128xf32> to vector<1x128xf32>
        %mul3A_616 = arith.mulf %slice3A_615, %select_n3A_614 : vector<1x128xf32>
        %concatenate3A = tpu.concatenate %mul3A_252, %mul3A_304, %mul3A_356, %mul3A_408, %mul3A_460, %mul3A_512, %mul3A_564, %mul3A_616 in 0 : vector<1x128xf32>, vector<1x128xf32>, vector<1x128xf32>, vector<1x128xf32>, vector<1x128xf32>, vector<1x128xf32>, vector<1x128xf32>, vector<1x128xf32> -> vector<8x128xf32>
        %reshape3A_617 = vector.shape_cast %concatenate3A : vector<8x128xf32> to vector<8x1x128xf32>
        %swap3A_618 = arith.index_cast %mul3A_172 : i32 to index
        %swap3A_619 = arith.constant 0 : index
        %swap3A_620 = arith.constant 0 : index
        %swap3A_621 = vector.load %arg5[%swap3A_618, %swap3A_619, %swap3A_620] : memref<96x1x128xf32, #tpu.memory_space<vmem>>, vector<8x1x128xf32>
        tpu.vector_store %arg5[%swap3A_618, %swap3A_619, %swap3A_620], %reshape3A_617 {strides = array<i32>} : memref<96x1x128xf32, #tpu.memory_space<vmem>>, vector<8x1x128xf32>,
        %while3A_622 = arith.constant 0 : i32
        scf.yield %while3A_622 : i32
      }
      %while3A_167 = arith.constant 1 : i32
      %while3A_168 = scf.for %while3A_169 = %while3A_164 to %while3A_160 step %while3A_167 iter_args(%while3A_170 = %while3A_166) -> (i32)  : i32 {
        %mul3A_171 = arith.constant 8 : i32
        %mul3A_172 = arith.muli %while3A_169, %mul3A_171 : i32
        %get3A_173 = arith.index_cast %mul3A_172 : i32 to index
        %get3A_174 = arith.constant 0 : index
        %get3A_175 = arith.constant 0 : index
        %get3A_176 = vector.load %arg0[%get3A_173, %get3A_174, %get3A_175] : memref<96x1x128xf32, #tpu.memory_space<vmem>>, vector<8x1x128xf32>
        %get3A_177 = arith.index_cast %mul3A_172 : i32 to index
        %get3A_178 = arith.constant 0 : index
        %get3A_179 = arith.constant 0 : index
        %get3A_180 = vector.load %arg1[%get3A_177, %get3A_178, %get3A_179] : memref<96x1x128xf32, #tpu.memory_space<vmem>>, vector<8x1x128xf32>
        %get3A_181 = arith.index_cast %mul3A_172 : i32 to index
        %get3A_182 = arith.constant 0 : index
        %get3A_183 = arith.constant 0 : index
        %get3A_184 = vector.load %arg2[%get3A_181, %get3A_182, %get3A_183] : memref<96x1x128xf32, #tpu.memory_space<vmem>>, vector<8x1x128xf32>
        %get3A_185 = arith.index_cast %mul3A_172 : i32 to index
        %get3A_186 = arith.constant 0 : index
        %get3A_187 = arith.constant 0 : index
        %get3A_188 = vector.load %arg3[%get3A_185, %get3A_186, %get3A_187] : memref<96x1x128xf32, #tpu.memory_space<vmem>>, vector<8x1x128xf32>
        %get3A_189 = arith.index_cast %mul3A_172 : i32 to index
        %get3A_190 = arith.constant 0 : index
        %get3A_191 = arith.constant 0 : index
        %get3A_192 = vector.load %arg4[%get3A_189, %get3A_190, %get3A_191] : memref<96x1x128xf32, #tpu.memory_space<vmem>>, vector<8x1x128xf32>
        %reshape3A_193 = vector.shape_cast %get3A_176 : vector<8x1x128xf32> to vector<8x128xf32>
        %reshape3A_194 = vector.shape_cast %get3A_180 : vector<8x1x128xf32> to vector<8x128xf32>
        %reshape3A_195 = vector.shape_cast %get3A_184 : vector<8x1x128xf32> to vector<8x128xf32>
        %reshape3A_196 = vector.shape_cast %get3A_188 : vector<8x1x128xf32> to vector<8x128xf32>
        %reshape3A_197 = vector.shape_cast %get3A_192 : vector<8x1x128xf32> to vector<8x128xf32>
        %get3A_198 = arith.index_cast %mul3A_172 : i32 to index
        %get3A_199 = arith.constant 0 : index
        %get3A_200 = arith.constant 0 : index
        %get3A_201 = vector.load %arg5[%get3A_198, %get3A_199, %get3A_200] : memref<96x1x128xf32, #tpu.memory_space<vmem>>, vector<8x1x128xf32>
        %reshape3A_202 = vector.shape_cast %get3A_201 : vector<8x1x128xf32> to vector<8x128xf32>
        %slice3A = vector.extract_strided_slice %reshape3A_193 {offsets = [0, 0], sizes = [1, 128], strides = [1, 1]} : vector<8x128xf32> to vector<1x128xf32>
        %slice3A_203 = vector.extract_strided_slice %reshape3A_194 {offsets = [0, 0], sizes = [1, 128], strides = [1, 1]} : vector<8x128xf32> to vector<1x128xf32>
        %slice3A_204 = vector.extract_strided_slice %reshape3A_195 {offsets = [0, 0], sizes = [1, 128], strides = [1, 1]} : vector<8x128xf32> to vector<1x128xf32>
        %slice3A_205 = vector.extract_strided_slice %reshape3A_196 {offsets = [0, 0], sizes = [1, 128], strides = [1, 1]} : vector<8x128xf32> to vector<1x128xf32>
        %slice3A_206 = vector.extract_strided_slice %reshape3A_197 {offsets = [0, 0], sizes = [1, 128], strides = [1, 1]} : vector<8x128xf32> to vector<1x128xf32>
        %min3A_207 = vector.broadcast %dot_general3A_45 : vector<128x1xf32> to vector<128x128xf32>
        %min3A_208 = vector.broadcast %slice3A_204 : vector<1x128xf32> to vector<128x128xf32>
        %min3A_209 = arith.minimumf %min3A_207, %min3A_208 : vector<128x128xf32>
        %max3A_210 = vector.broadcast %select_n3A_135 : vector<128x1xf32> to vector<128x128xf32>
        %max3A_211 = vector.broadcast %slice3A : vector<1x128xf32> to vector<128x128xf32>
        %max3A_212 = arith.maximumf %max3A_210, %max3A_211 : vector<128x128xf32>
        %sub3A_213 = arith.subf %min3A_209, %max3A_212 : vector<128x128xf32>
        %max3A_214 = arith.constant 0.000000e+00 : f32
        %max3A_215 = vector.broadcast %max3A_214 : f32 to vector<128x128xf32>
        %max3A_216 = arith.maximumf %max3A_215, %sub3A_213 : vector<128x128xf32>
        %min3A_217 = vector.broadcast %dot_general3A_52 : vector<128x1xf32> to vector<128x128xf32>
        %min3A_218 = vector.broadcast %slice3A_205 : vector<1x128xf32> to vector<128x128xf32>
        %min3A_219 = arith.minimumf %min3A_217, %min3A_218 : vector<128x128xf32>
        %max3A_220 = vector.broadcast %dot_general3A_38 : vector<128x1xf32> to vector<128x128xf32>
        %max3A_221 = vector.broadcast %slice3A_203 : vector<1x128xf32> to vector<128x128xf32>
        %max3A_222 = arith.maximumf %max3A_220, %max3A_221 : vector<128x128xf32>
        %sub3A_223 = arith.subf %min3A_219, %max3A_222 : vector<128x128xf32>
        %max3A_224 = arith.constant 0.000000e+00 : f32
        %max3A_225 = vector.broadcast %max3A_224 : f32 to vector<128x128xf32>
        %max3A_226 = arith.maximumf %max3A_225, %sub3A_223 : vector<128x128xf32>
        %mul3A_227 = arith.mulf %max3A_216, %max3A_226 : vector<128x128xf32>
        %add3A_228 = vector.broadcast %dot_general3A_59 : vector<128x1xf32> to vector<128x128xf32>
        %add3A_229 = vector.broadcast %slice3A_206 : vector<1x128xf32> to vector<128x128xf32>
        %add3A_230 = arith.addf %add3A_228, %add3A_229 : vector<128x128xf32>
        %sub3A_231 = arith.subf %add3A_230, %mul3A_227 : vector<128x128xf32>
        %mul3A_232 = arith.constant 0.699999988 : f32
        %mul3A_233 = vector.broadcast %mul3A_232 : f32 to vector<128x128xf32>
        %mul3A_234 = arith.mulf %mul3A_233, %sub3A_231 : vector<128x128xf32>
        %sub3A_235 = arith.subf %mul3A_227, %mul3A_234 : vector<128x128xf32>
        %reduce_max3A = arith.constant dense<0xFF800000> : vector<128xf32>
        %reduce_max3A_236 = vector.multi_reduction <maximumf>, %sub3A_235, %reduce_max3A [0] : vector<128x128xf32> to vector<128xf32>
        %broadcast_in_dim3A_237 = vector.shape_cast %reduce_max3A_236 : vector<128xf32> to vector<1x128xf32>
        %add3A_238 = arith.constant 0 : i32
        %add3A_239 = arith.addi %mul3A_172, %add3A_238 : i32
        %gt3A_240 = arith.cmpi sgt, %add3A_239, %scan3A_27 : i32
        %gt3A_241 = arith.constant 0.000000e+00 : f32
        %gt3A_242 = vector.broadcast %gt3A_241 : f32 to vector<1x128xf32>
        %gt3A_243 = arith.cmpf ogt, %broadcast_in_dim3A_237, %gt3A_242 : vector<1x128xf32>
        %and3A_244 = vector.broadcast %gt3A_240 : i1 to vector<1x128xi1>
        %and3A_245 = arith.andi %gt3A_243, %and3A_244 : vector<1x128xi1>
        %jit3A_246 = arith.constant 0.000000e+00 : f32
        %jit3A_247 = arith.constant 1.000000e+00 : f32
        %broadcast_in_dim3A_248 = vector.broadcast %jit3A_246 : f32 to vector<1x128xf32>
        %broadcast_in_dim3A_249 = vector.broadcast %jit3A_247 : f32 to vector<1x128xf32>
        %select_n3A_250 = arith.select %and3A_245, %broadcast_in_dim3A_248, %broadcast_in_dim3A_249 : vector<1x128xi1>, vector<1x128xf32>
        %slice3A_251 = vector.extract_strided_slice %reshape3A_202 {offsets = [0, 0], sizes = [1, 128], strides = [1, 1]} : vector<8x128xf32> to vector<1x128xf32>
        %mul3A_252 = arith.mulf %slice3A_251, %select_n3A_250 : vector<1x128xf32>
        %slice3A_253 = vector.extract_strided_slice %reshape3A_193 {offsets = [1, 0], sizes = [1, 128], strides = [1, 1]} : vector<8x128xf32> to vector<1x128xf32>
        %slice3A_254 = vector.extract_strided_slice %reshape3A_194 {offsets = [1, 0], sizes = [1, 128], strides = [1, 1]} : vector<8x128xf32> to vector<1x128xf32>
        %slice3A_255 = vector.extract_strided_slice %reshape3A_195 {offsets = [1, 0], sizes = [1, 128], strides = [1, 1]} : vector<8x128xf32> to vector<1x128xf32>
        %slice3A_256 = vector.extract_strided_slice %reshape3A_196 {offsets = [1, 0], sizes = [1, 128], strides = [1, 1]} : vector<8x128xf32> to vector<1x128xf32>
        %slice3A_257 = vector.extract_strided_slice %reshape3A_197 {offsets = [1, 0], sizes = [1, 128], strides = [1, 1]} : vector<8x128xf32> to vector<1x128xf32>
        %min3A_258 = vector.broadcast %dot_general3A_45 : vector<128x1xf32> to vector<128x128xf32>
        %min3A_259 = vector.broadcast %slice3A_255 : vector<1x128xf32> to vector<128x128xf32>
        %min3A_260 = arith.minimumf %min3A_258, %min3A_259 : vector<128x128xf32>
        %max3A_261 = vector.broadcast %select_n3A_135 : vector<128x1xf32> to vector<128x128xf32>
        %max3A_262 = vector.broadcast %slice3A_253 : vector<1x128xf32> to vector<128x128xf32>
        %max3A_263 = arith.maximumf %max3A_261, %max3A_262 : vector<128x128xf32>
        %sub3A_264 = arith.subf %min3A_260, %max3A_263 : vector<128x128xf32>
        %max3A_265 = arith.constant 0.000000e+00 : f32
        %max3A_266 = vector.broadcast %max3A_265 : f32 to vector<128x128xf32>
        %max3A_267 = arith.maximumf %max3A_266, %sub3A_264 : vector<128x128xf32>
        %min3A_268 = vector.broadcast %dot_general3A_52 : vector<128x1xf32> to vector<128x128xf32>
        %min3A_269 = vector.broadcast %slice3A_256 : vector<1x128xf32> to vector<128x128xf32>
        %min3A_270 = arith.minimumf %min3A_268, %min3A_269 : vector<128x128xf32>
        %max3A_271 = vector.broadcast %dot_general3A_38 : vector<128x1xf32> to vector<128x128xf32>
        %max3A_272 = vector.broadcast %slice3A_254 : vector<1x128xf32> to vector<128x128xf32>
        %max3A_273 = arith.maximumf %max3A_271, %max3A_272 : vector<128x128xf32>
        %sub3A_274 = arith.subf %min3A_270, %max3A_273 : vector<128x128xf32>
        %max3A_275 = arith.constant 0.000000e+00 : f32
        %max3A_276 = vector.broadcast %max3A_275 : f32 to vector<128x128xf32>
        %max3A_277 = arith.maximumf %max3A_276, %sub3A_274 : vector<128x128xf32>
        %mul3A_278 = arith.mulf %max3A_267, %max3A_277 : vector<128x128xf32>
        %add3A_279 = vector.broadcast %dot_general3A_59 : vector<128x1xf32> to vector<128x128xf32>
        %add3A_280 = vector.broadcast %slice3A_257 : vector<1x128xf32> to vector<128x128xf32>
        %add3A_281 = arith.addf %add3A_279, %add3A_280 : vector<128x128xf32>
        %sub3A_282 = arith.subf %add3A_281, %mul3A_278 : vector<128x128xf32>
        %mul3A_283 = arith.constant 0.699999988 : f32
        %mul3A_284 = vector.broadcast %mul3A_283 : f32 to vector<128x128xf32>
        %mul3A_285 = arith.mulf %mul3A_284, %sub3A_282 : vector<128x128xf32>
        %sub3A_286 = arith.subf %mul3A_278, %mul3A_285 : vector<128x128xf32>
        %reduce_max3A_287 = arith.constant dense<0xFF800000> : vector<128xf32>
        %reduce_max3A_288 = vector.multi_reduction <maximumf>, %sub3A_286, %reduce_max3A_287 [0] : vector<128x128xf32> to vector<128xf32>
        %broadcast_in_dim3A_289 = vector.shape_cast %reduce_max3A_288 : vector<128xf32> to vector<1x128xf32>
        %add3A_290 = arith.constant 1 : i32
        %add3A_291 = arith.addi %mul3A_172, %add3A_290 : i32
        %gt3A_292 = arith.cmpi sgt, %add3A_291, %scan3A_27 : i32
        %gt3A_293 = arith.constant 0.000000e+00 : f32
        %gt3A_294 = vector.broadcast %gt3A_293 : f32 to vector<1x128xf32>
        %gt3A_295 = arith.cmpf ogt, %broadcast_in_dim3A_289, %gt3A_294 : vector<1x128xf32>
        %and3A_296 = vector.broadcast %gt3A_292 : i1 to vector<1x128xi1>
        %and3A_297 = arith.andi %gt3A_295, %and3A_296 : vector<1x128xi1>
        %jit3A_298 = arith.constant 0.000000e+00 : f32
        %jit3A_299 = arith.constant 1.000000e+00 : f32
        %broadcast_in_dim3A_300 = vector.broadcast %jit3A_298 : f32 to vector<1x128xf32>
        %broadcast_in_dim3A_301 = vector.broadcast %jit3A_299 : f32 to vector<1x128xf32>
        %select_n3A_302 = arith.select %and3A_297, %broadcast_in_dim3A_300, %broadcast_in_dim3A_301 : vector<1x128xi1>, vector<1x128xf32>
        %slice3A_303 = vector.extract_strided_slice %reshape3A_202 {offsets = [1, 0], sizes = [1, 128], strides = [1, 1]} : vector<8x128xf32> to vector<1x128xf32>
        %mul3A_304 = arith.mulf %slice3A_303, %select_n3A_302 : vector<1x128xf32>
        %slice3A_305 = vector.extract_strided_slice %reshape3A_193 {offsets = [2, 0], sizes = [1, 128], strides = [1, 1]} : vector<8x128xf32> to vector<1x128xf32>
        %slice3A_306 = vector.extract_strided_slice %reshape3A_194 {offsets = [2, 0], sizes = [1, 128], strides = [1, 1]} : vector<8x128xf32> to vector<1x128xf32>
        %slice3A_307 = vector.extract_strided_slice %reshape3A_195 {offsets = [2, 0], sizes = [1, 128], strides = [1, 1]} : vector<8x128xf32> to vector<1x128xf32>
        %slice3A_308 = vector.extract_strided_slice %reshape3A_196 {offsets = [2, 0], sizes = [1, 128], strides = [1, 1]} : vector<8x128xf32> to vector<1x128xf32>
        %slice3A_309 = vector.extract_strided_slice %reshape3A_197 {offsets = [2, 0], sizes = [1, 128], strides = [1, 1]} : vector<8x128xf32> to vector<1x128xf32>
        %min3A_310 = vector.broadcast %dot_general3A_45 : vector<128x1xf32> to vector<128x128xf32>
        %min3A_311 = vector.broadcast %slice3A_307 : vector<1x128xf32> to vector<128x128xf32>
        %min3A_312 = arith.minimumf %min3A_310, %min3A_311 : vector<128x128xf32>
        %max3A_313 = vector.broadcast %select_n3A_135 : vector<128x1xf32> to vector<128x128xf32>
        %max3A_314 = vector.broadcast %slice3A_305 : vector<1x128xf32> to vector<128x128xf32>
        %max3A_315 = arith.maximumf %max3A_313, %max3A_314 : vector<128x128xf32>
        %sub3A_316 = arith.subf %min3A_312, %max3A_315 : vector<128x128xf32>
        %max3A_317 = arith.constant 0.000000e+00 : f32
        %max3A_318 = vector.broadcast %max3A_317 : f32 to vector<128x128xf32>
        %max3A_319 = arith.maximumf %max3A_318, %sub3A_316 : vector<128x128xf32>
        %min3A_320 = vector.broadcast %dot_general3A_52 : vector<128x1xf32> to vector<128x128xf32>
        %min3A_321 = vector.broadcast %slice3A_308 : vector<1x128xf32> to vector<128x128xf32>
        %min3A_322 = arith.minimumf %min3A_320, %min3A_321 : vector<128x128xf32>
        %max3A_323 = vector.broadcast %dot_general3A_38 : vector<128x1xf32> to vector<128x128xf32>
        %max3A_324 = vector.broadcast %slice3A_306 : vector<1x128xf32> to vector<128x128xf32>
        %max3A_325 = arith.maximumf %max3A_323, %max3A_324 : vector<128x128xf32>
        %sub3A_326 = arith.subf %min3A_322, %max3A_325 : vector<128x128xf32>
        %max3A_327 = arith.constant 0.000000e+00 : f32
        %max3A_328 = vector.broadcast %max3A_327 : f32 to vector<128x128xf32>
        %max3A_329 = arith.maximumf %max3A_328, %sub3A_326 : vector<128x128xf32>
        %mul3A_330 = arith.mulf %max3A_319, %max3A_329 : vector<128x128xf32>
        %add3A_331 = vector.broadcast %dot_general3A_59 : vector<128x1xf32> to vector<128x128xf32>
        %add3A_332 = vector.broadcast %slice3A_309 : vector<1x128xf32> to vector<128x128xf32>
        %add3A_333 = arith.addf %add3A_331, %add3A_332 : vector<128x128xf32>
        %sub3A_334 = arith.subf %add3A_333, %mul3A_330 : vector<128x128xf32>
        %mul3A_335 = arith.constant 0.699999988 : f32
        %mul3A_336 = vector.broadcast %mul3A_335 : f32 to vector<128x128xf32>
        %mul3A_337 = arith.mulf %mul3A_336, %sub3A_334 : vector<128x128xf32>
        %sub3A_338 = arith.subf %mul3A_330, %mul3A_337 : vector<128x128xf32>
        %reduce_max3A_339 = arith.constant dense<0xFF800000> : vector<128xf32>
        %reduce_max3A_340 = vector.multi_reduction <maximumf>, %sub3A_338, %reduce_max3A_339 [0] : vector<128x128xf32> to vector<128xf32>
        %broadcast_in_dim3A_341 = vector.shape_cast %reduce_max3A_340 : vector<128xf32> to vector<1x128xf32>
        %add3A_342 = arith.constant 2 : i32
        %add3A_343 = arith.addi %mul3A_172, %add3A_342 : i32
        %gt3A_344 = arith.cmpi sgt, %add3A_343, %scan3A_27 : i32
        %gt3A_345 = arith.constant 0.000000e+00 : f32
        %gt3A_346 = vector.broadcast %gt3A_345 : f32 to vector<1x128xf32>
        %gt3A_347 = arith.cmpf ogt, %broadcast_in_dim3A_341, %gt3A_346 : vector<1x128xf32>
        %and3A_348 = vector.broadcast %gt3A_344 : i1 to vector<1x128xi1>
        %and3A_349 = arith.andi %gt3A_347, %and3A_348 : vector<1x128xi1>
        %jit3A_350 = arith.constant 0.000000e+00 : f32
        %jit3A_351 = arith.constant 1.000000e+00 : f32
        %broadcast_in_dim3A_352 = vector.broadcast %jit3A_350 : f32 to vector<1x128xf32>
        %broadcast_in_dim3A_353 = vector.broadcast %jit3A_351 : f32 to vector<1x128xf32>
        %select_n3A_354 = arith.select %and3A_349, %broadcast_in_dim3A_352, %broadcast_in_dim3A_353 : vector<1x128xi1>, vector<1x128xf32>
        %slice3A_355 = vector.extract_strided_slice %reshape3A_202 {offsets = [2, 0], sizes = [1, 128], strides = [1, 1]} : vector<8x128xf32> to vector<1x128xf32>
        %mul3A_356 = arith.mulf %slice3A_355, %select_n3A_354 : vector<1x128xf32>
        %slice3A_357 = vector.extract_strided_slice %reshape3A_193 {offsets = [3, 0], sizes = [1, 128], strides = [1, 1]} : vector<8x128xf32> to vector<1x128xf32>
        %slice3A_358 = vector.extract_strided_slice %reshape3A_194 {offsets = [3, 0], sizes = [1, 128], strides = [1, 1]} : vector<8x128xf32> to vector<1x128xf32>
        %slice3A_359 = vector.extract_strided_slice %reshape3A_195 {offsets = [3, 0], sizes = [1, 128], strides = [1, 1]} : vector<8x128xf32> to vector<1x128xf32>
        %slice3A_360 = vector.extract_strided_slice %reshape3A_196 {offsets = [3, 0], sizes = [1, 128], strides = [1, 1]} : vector<8x128xf32> to vector<1x128xf32>
        %slice3A_361 = vector.extract_strided_slice %reshape3A_197 {offsets = [3, 0], sizes = [1, 128], strides = [1, 1]} : vector<8x128xf32> to vector<1x128xf32>
        %min3A_362 = vector.broadcast %dot_general3A_45 : vector<128x1xf32> to vector<128x128xf32>
        %min3A_363 = vector.broadcast %slice3A_359 : vector<1x128xf32> to vector<128x128xf32>
        %min3A_364 = arith.minimumf %min3A_362, %min3A_363 : vector<128x128xf32>
        %max3A_365 = vector.broadcast %select_n3A_135 : vector<128x1xf32> to vector<128x128xf32>
        %max3A_366 = vector.broadcast %slice3A_357 : vector<1x128xf32> to vector<128x128xf32>
        %max3A_367 = arith.maximumf %max3A_365, %max3A_366 : vector<128x128xf32>
        %sub3A_368 = arith.subf %min3A_364, %max3A_367 : vector<128x128xf32>
        %max3A_369 = arith.constant 0.000000e+00 : f32
        %max3A_370 = vector.broadcast %max3A_369 : f32 to vector<128x128xf32>
        %max3A_371 = arith.maximumf %max3A_370, %sub3A_368 : vector<128x128xf32>
        %min3A_372 = vector.broadcast %dot_general3A_52 : vector<128x1xf32> to vector<128x128xf32>
        %min3A_373 = vector.broadcast %slice3A_360 : vector<1x128xf32> to vector<128x128xf32>
        %min3A_374 = arith.minimumf %min3A_372, %min3A_373 : vector<128x128xf32>
        %max3A_375 = vector.broadcast %dot_general3A_38 : vector<128x1xf32> to vector<128x128xf32>
        %max3A_376 = vector.broadcast %slice3A_358 : vector<1x128xf32> to vector<128x128xf32>
        %max3A_377 = arith.maximumf %max3A_375, %max3A_376 : vector<128x128xf32>
        %sub3A_378 = arith.subf %min3A_374, %max3A_377 : vector<128x128xf32>
        %max3A_379 = arith.constant 0.000000e+00 : f32
        %max3A_380 = vector.broadcast %max3A_379 : f32 to vector<128x128xf32>
        %max3A_381 = arith.maximumf %max3A_380, %sub3A_378 : vector<128x128xf32>
        %mul3A_382 = arith.mulf %max3A_371, %max3A_381 : vector<128x128xf32>
        %add3A_383 = vector.broadcast %dot_general3A_59 : vector<128x1xf32> to vector<128x128xf32>
        %add3A_384 = vector.broadcast %slice3A_361 : vector<1x128xf32> to vector<128x128xf32>
        %add3A_385 = arith.addf %add3A_383, %add3A_384 : vector<128x128xf32>
        %sub3A_386 = arith.subf %add3A_385, %mul3A_382 : vector<128x128xf32>
        %mul3A_387 = arith.constant 0.699999988 : f32
        %mul3A_388 = vector.broadcast %mul3A_387 : f32 to vector<128x128xf32>
        %mul3A_389 = arith.mulf %mul3A_388, %sub3A_386 : vector<128x128xf32>
        %sub3A_390 = arith.subf %mul3A_382, %mul3A_389 : vector<128x128xf32>
        %reduce_max3A_391 = arith.constant dense<0xFF800000> : vector<128xf32>
        %reduce_max3A_392 = vector.multi_reduction <maximumf>, %sub3A_390, %reduce_max3A_391 [0] : vector<128x128xf32> to vector<128xf32>
        %broadcast_in_dim3A_393 = vector.shape_cast %reduce_max3A_392 : vector<128xf32> to vector<1x128xf32>
        %add3A_394 = arith.constant 3 : i32
        %add3A_395 = arith.addi %mul3A_172, %add3A_394 : i32
        %gt3A_396 = arith.cmpi sgt, %add3A_395, %scan3A_27 : i32
        %gt3A_397 = arith.constant 0.000000e+00 : f32
        %gt3A_398 = vector.broadcast %gt3A_397 : f32 to vector<1x128xf32>
        %gt3A_399 = arith.cmpf ogt, %broadcast_in_dim3A_393, %gt3A_398 : vector<1x128xf32>
        %and3A_400 = vector.broadcast %gt3A_396 : i1 to vector<1x128xi1>
        %and3A_401 = arith.andi %gt3A_399, %and3A_400 : vector<1x128xi1>
        %jit3A_402 = arith.constant 0.000000e+00 : f32
        %jit3A_403 = arith.constant 1.000000e+00 : f32
        %broadcast_in_dim3A_404 = vector.broadcast %jit3A_402 : f32 to vector<1x128xf32>
        %broadcast_in_dim3A_405 = vector.broadcast %jit3A_403 : f32 to vector<1x128xf32>
        %select_n3A_406 = arith.select %and3A_401, %broadcast_in_dim3A_404, %broadcast_in_dim3A_405 : vector<1x128xi1>, vector<1x128xf32>
        %slice3A_407 = vector.extract_strided_slice %reshape3A_202 {offsets = [3, 0], sizes = [1, 128], strides = [1, 1]} : vector<8x128xf32> to vector<1x128xf32>
        %mul3A_408 = arith.mulf %slice3A_407, %select_n3A_406 : vector<1x128xf32>
        %slice3A_409 = vector.extract_strided_slice %reshape3A_193 {offsets = [4, 0], sizes = [1, 128], strides = [1, 1]} : vector<8x128xf32> to vector<1x128xf32>
        %slice3A_410 = vector.extract_strided_slice %reshape3A_194 {offsets = [4, 0], sizes = [1, 128], strides = [1, 1]} : vector<8x128xf32> to vector<1x128xf32>
        %slice3A_411 = vector.extract_strided_slice %reshape3A_195 {offsets = [4, 0], sizes = [1, 128], strides = [1, 1]} : vector<8x128xf32> to vector<1x128xf32>
        %slice3A_412 = vector.extract_strided_slice %reshape3A_196 {offsets = [4, 0], sizes = [1, 128], strides = [1, 1]} : vector<8x128xf32> to vector<1x128xf32>
        %slice3A_413 = vector.extract_strided_slice %reshape3A_197 {offsets = [4, 0], sizes = [1, 128], strides = [1, 1]} : vector<8x128xf32> to vector<1x128xf32>
        %min3A_414 = vector.broadcast %dot_general3A_45 : vector<128x1xf32> to vector<128x128xf32>
        %min3A_415 = vector.broadcast %slice3A_411 : vector<1x128xf32> to vector<128x128xf32>
        %min3A_416 = arith.minimumf %min3A_414, %min3A_415 : vector<128x128xf32>
        %max3A_417 = vector.broadcast %select_n3A_135 : vector<128x1xf32> to vector<128x128xf32>
        %max3A_418 = vector.broadcast %slice3A_409 : vector<1x128xf32> to vector<128x128xf32>
        %max3A_419 = arith.maximumf %max3A_417, %max3A_418 : vector<128x128xf32>
        %sub3A_420 = arith.subf %min3A_416, %max3A_419 : vector<128x128xf32>
        %max3A_421 = arith.constant 0.000000e+00 : f32
        %max3A_422 = vector.broadcast %max3A_421 : f32 to vector<128x128xf32>
        %max3A_423 = arith.maximumf %max3A_422, %sub3A_420 : vector<128x128xf32>
        %min3A_424 = vector.broadcast %dot_general3A_52 : vector<128x1xf32> to vector<128x128xf32>
        %min3A_425 = vector.broadcast %slice3A_412 : vector<1x128xf32> to vector<128x128xf32>
        %min3A_426 = arith.minimumf %min3A_424, %min3A_425 : vector<128x128xf32>
        %max3A_427 = vector.broadcast %dot_general3A_38 : vector<128x1xf32> to vector<128x128xf32>
        %max3A_428 = vector.broadcast %slice3A_410 : vector<1x128xf32> to vector<128x128xf32>
        %max3A_429 = arith.maximumf %max3A_427, %max3A_428 : vector<128x128xf32>
        %sub3A_430 = arith.subf %min3A_426, %max3A_429 : vector<128x128xf32>
        %max3A_431 = arith.constant 0.000000e+00 : f32
        %max3A_432 = vector.broadcast %max3A_431 : f32 to vector<128x128xf32>
        %max3A_433 = arith.maximumf %max3A_432, %sub3A_430 : vector<128x128xf32>
        %mul3A_434 = arith.mulf %max3A_423, %max3A_433 : vector<128x128xf32>
        %add3A_435 = vector.broadcast %dot_general3A_59 : vector<128x1xf32> to vector<128x128xf32>
        %add3A_436 = vector.broadcast %slice3A_413 : vector<1x128xf32> to vector<128x128xf32>
        %add3A_437 = arith.addf %add3A_435, %add3A_436 : vector<128x128xf32>
        %sub3A_438 = arith.subf %add3A_437, %mul3A_434 : vector<128x128xf32>
        %mul3A_439 = arith.constant 0.699999988 : f32
        %mul3A_440 = vector.broadcast %mul3A_439 : f32 to vector<128x128xf32>
        %mul3A_441 = arith.mulf %mul3A_440, %sub3A_438 : vector<128x128xf32>
        %sub3A_442 = arith.subf %mul3A_434, %mul3A_441 : vector<128x128xf32>
        %reduce_max3A_443 = arith.constant dense<0xFF800000> : vector<128xf32>
        %reduce_max3A_444 = vector.multi_reduction <maximumf>, %sub3A_442, %reduce_max3A_443 [0] : vector<128x128xf32> to vector<128xf32>
        %broadcast_in_dim3A_445 = vector.shape_cast %reduce_max3A_444 : vector<128xf32> to vector<1x128xf32>
        %add3A_446 = arith.constant 4 : i32
        %add3A_447 = arith.addi %mul3A_172, %add3A_446 : i32
        %gt3A_448 = arith.cmpi sgt, %add3A_447, %scan3A_27 : i32
        %gt3A_449 = arith.constant 0.000000e+00 : f32
        %gt3A_450 = vector.broadcast %gt3A_449 : f32 to vector<1x128xf32>
        %gt3A_451 = arith.cmpf ogt, %broadcast_in_dim3A_445, %gt3A_450 : vector<1x128xf32>
        %and3A_452 = vector.broadcast %gt3A_448 : i1 to vector<1x128xi1>
        %and3A_453 = arith.andi %gt3A_451, %and3A_452 : vector<1x128xi1>
        %jit3A_454 = arith.constant 0.000000e+00 : f32
        %jit3A_455 = arith.constant 1.000000e+00 : f32
        %broadcast_in_dim3A_456 = vector.broadcast %jit3A_454 : f32 to vector<1x128xf32>
        %broadcast_in_dim3A_457 = vector.broadcast %jit3A_455 : f32 to vector<1x128xf32>
        %select_n3A_458 = arith.select %and3A_453, %broadcast_in_dim3A_456, %broadcast_in_dim3A_457 : vector<1x128xi1>, vector<1x128xf32>
        %slice3A_459 = vector.extract_strided_slice %reshape3A_202 {offsets = [4, 0], sizes = [1, 128], strides = [1, 1]} : vector<8x128xf32> to vector<1x128xf32>
        %mul3A_460 = arith.mulf %slice3A_459, %select_n3A_458 : vector<1x128xf32>
        %slice3A_461 = vector.extract_strided_slice %reshape3A_193 {offsets = [5, 0], sizes = [1, 128], strides = [1, 1]} : vector<8x128xf32> to vector<1x128xf32>
        %slice3A_462 = vector.extract_strided_slice %reshape3A_194 {offsets = [5, 0], sizes = [1, 128], strides = [1, 1]} : vector<8x128xf32> to vector<1x128xf32>
        %slice3A_463 = vector.extract_strided_slice %reshape3A_195 {offsets = [5, 0], sizes = [1, 128], strides = [1, 1]} : vector<8x128xf32> to vector<1x128xf32>
        %slice3A_464 = vector.extract_strided_slice %reshape3A_196 {offsets = [5, 0], sizes = [1, 128], strides = [1, 1]} : vector<8x128xf32> to vector<1x128xf32>
        %slice3A_465 = vector.extract_strided_slice %reshape3A_197 {offsets = [5, 0], sizes = [1, 128], strides = [1, 1]} : vector<8x128xf32> to vector<1x128xf32>
        %min3A_466 = vector.broadcast %dot_general3A_45 : vector<128x1xf32> to vector<128x128xf32>
        %min3A_467 = vector.broadcast %slice3A_463 : vector<1x128xf32> to vector<128x128xf32>
        %min3A_468 = arith.minimumf %min3A_466, %min3A_467 : vector<128x128xf32>
        %max3A_469 = vector.broadcast %select_n3A_135 : vector<128x1xf32> to vector<128x128xf32>
        %max3A_470 = vector.broadcast %slice3A_461 : vector<1x128xf32> to vector<128x128xf32>
        %max3A_471 = arith.maximumf %max3A_469, %max3A_470 : vector<128x128xf32>
        %sub3A_472 = arith.subf %min3A_468, %max3A_471 : vector<128x128xf32>
        %max3A_473 = arith.constant 0.000000e+00 : f32
        %max3A_474 = vector.broadcast %max3A_473 : f32 to vector<128x128xf32>
        %max3A_475 = arith.maximumf %max3A_474, %sub3A_472 : vector<128x128xf32>
        %min3A_476 = vector.broadcast %dot_general3A_52 : vector<128x1xf32> to vector<128x128xf32>
        %min3A_477 = vector.broadcast %slice3A_464 : vector<1x128xf32> to vector<128x128xf32>
        %min3A_478 = arith.minimumf %min3A_476, %min3A_477 : vector<128x128xf32>
        %max3A_479 = vector.broadcast %dot_general3A_38 : vector<128x1xf32> to vector<128x128xf32>
        %max3A_480 = vector.broadcast %slice3A_462 : vector<1x128xf32> to vector<128x128xf32>
        %max3A_481 = arith.maximumf %max3A_479, %max3A_480 : vector<128x128xf32>
        %sub3A_482 = arith.subf %min3A_478, %max3A_481 : vector<128x128xf32>
        %max3A_483 = arith.constant 0.000000e+00 : f32
        %max3A_484 = vector.broadcast %max3A_483 : f32 to vector<128x128xf32>
        %max3A_485 = arith.maximumf %max3A_484, %sub3A_482 : vector<128x128xf32>
        %mul3A_486 = arith.mulf %max3A_475, %max3A_485 : vector<128x128xf32>
        %add3A_487 = vector.broadcast %dot_general3A_59 : vector<128x1xf32> to vector<128x128xf32>
        %add3A_488 = vector.broadcast %slice3A_465 : vector<1x128xf32> to vector<128x128xf32>
        %add3A_489 = arith.addf %add3A_487, %add3A_488 : vector<128x128xf32>
        %sub3A_490 = arith.subf %add3A_489, %mul3A_486 : vector<128x128xf32>
        %mul3A_491 = arith.constant 0.699999988 : f32
        %mul3A_492 = vector.broadcast %mul3A_491 : f32 to vector<128x128xf32>
        %mul3A_493 = arith.mulf %mul3A_492, %sub3A_490 : vector<128x128xf32>
        %sub3A_494 = arith.subf %mul3A_486, %mul3A_493 : vector<128x128xf32>
        %reduce_max3A_495 = arith.constant dense<0xFF800000> : vector<128xf32>
        %reduce_max3A_496 = vector.multi_reduction <maximumf>, %sub3A_494, %reduce_max3A_495 [0] : vector<128x128xf32> to vector<128xf32>
        %broadcast_in_dim3A_497 = vector.shape_cast %reduce_max3A_496 : vector<128xf32> to vector<1x128xf32>
        %add3A_498 = arith.constant 5 : i32
        %add3A_499 = arith.addi %mul3A_172, %add3A_498 : i32
        %gt3A_500 = arith.cmpi sgt, %add3A_499, %scan3A_27 : i32
        %gt3A_501 = arith.constant 0.000000e+00 : f32
        %gt3A_502 = vector.broadcast %gt3A_501 : f32 to vector<1x128xf32>
        %gt3A_503 = arith.cmpf ogt, %broadcast_in_dim3A_497, %gt3A_502 : vector<1x128xf32>
        %and3A_504 = vector.broadcast %gt3A_500 : i1 to vector<1x128xi1>
        %and3A_505 = arith.andi %gt3A_503, %and3A_504 : vector<1x128xi1>
        %jit3A_506 = arith.constant 0.000000e+00 : f32
        %jit3A_507 = arith.constant 1.000000e+00 : f32
        %broadcast_in_dim3A_508 = vector.broadcast %jit3A_506 : f32 to vector<1x128xf32>
        %broadcast_in_dim3A_509 = vector.broadcast %jit3A_507 : f32 to vector<1x128xf32>
        %select_n3A_510 = arith.select %and3A_505, %broadcast_in_dim3A_508, %broadcast_in_dim3A_509 : vector<1x128xi1>, vector<1x128xf32>
        %slice3A_511 = vector.extract_strided_slice %reshape3A_202 {offsets = [5, 0], sizes = [1, 128], strides = [1, 1]} : vector<8x128xf32> to vector<1x128xf32>
        %mul3A_512 = arith.mulf %slice3A_511, %select_n3A_510 : vector<1x128xf32>
        %slice3A_513 = vector.extract_strided_slice %reshape3A_193 {offsets = [6, 0], sizes = [1, 128], strides = [1, 1]} : vector<8x128xf32> to vector<1x128xf32>
        %slice3A_514 = vector.extract_strided_slice %reshape3A_194 {offsets = [6, 0], sizes = [1, 128], strides = [1, 1]} : vector<8x128xf32> to vector<1x128xf32>
        %slice3A_515 = vector.extract_strided_slice %reshape3A_195 {offsets = [6, 0], sizes = [1, 128], strides = [1, 1]} : vector<8x128xf32> to vector<1x128xf32>
        %slice3A_516 = vector.extract_strided_slice %reshape3A_196 {offsets = [6, 0], sizes = [1, 128], strides = [1, 1]} : vector<8x128xf32> to vector<1x128xf32>
        %slice3A_517 = vector.extract_strided_slice %reshape3A_197 {offsets = [6, 0], sizes = [1, 128], strides = [1, 1]} : vector<8x128xf32> to vector<1x128xf32>
        %min3A_518 = vector.broadcast %dot_general3A_45 : vector<128x1xf32> to vector<128x128xf32>
        %min3A_519 = vector.broadcast %slice3A_515 : vector<1x128xf32> to vector<128x128xf32>
        %min3A_520 = arith.minimumf %min3A_518, %min3A_519 : vector<128x128xf32>
        %max3A_521 = vector.broadcast %select_n3A_135 : vector<128x1xf32> to vector<128x128xf32>
        %max3A_522 = vector.broadcast %slice3A_513 : vector<1x128xf32> to vector<128x128xf32>
        %max3A_523 = arith.maximumf %max3A_521, %max3A_522 : vector<128x128xf32>
        %sub3A_524 = arith.subf %min3A_520, %max3A_523 : vector<128x128xf32>
        %max3A_525 = arith.constant 0.000000e+00 : f32
        %max3A_526 = vector.broadcast %max3A_525 : f32 to vector<128x128xf32>
        %max3A_527 = arith.maximumf %max3A_526, %sub3A_524 : vector<128x128xf32>
        %min3A_528 = vector.broadcast %dot_general3A_52 : vector<128x1xf32> to vector<128x128xf32>
        %min3A_529 = vector.broadcast %slice3A_516 : vector<1x128xf32> to vector<128x128xf32>
        %min3A_530 = arith.minimumf %min3A_528, %min3A_529 : vector<128x128xf32>
        %max3A_531 = vector.broadcast %dot_general3A_38 : vector<128x1xf32> to vector<128x128xf32>
        %max3A_532 = vector.broadcast %slice3A_514 : vector<1x128xf32> to vector<128x128xf32>
        %max3A_533 = arith.maximumf %max3A_531, %max3A_532 : vector<128x128xf32>
        %sub3A_534 = arith.subf %min3A_530, %max3A_533 : vector<128x128xf32>
        %max3A_535 = arith.constant 0.000000e+00 : f32
        %max3A_536 = vector.broadcast %max3A_535 : f32 to vector<128x128xf32>
        %max3A_537 = arith.maximumf %max3A_536, %sub3A_534 : vector<128x128xf32>
        %mul3A_538 = arith.mulf %max3A_527, %max3A_537 : vector<128x128xf32>
        %add3A_539 = vector.broadcast %dot_general3A_59 : vector<128x1xf32> to vector<128x128xf32>
        %add3A_540 = vector.broadcast %slice3A_517 : vector<1x128xf32> to vector<128x128xf32>
        %add3A_541 = arith.addf %add3A_539, %add3A_540 : vector<128x128xf32>
        %sub3A_542 = arith.subf %add3A_541, %mul3A_538 : vector<128x128xf32>
        %mul3A_543 = arith.constant 0.699999988 : f32
        %mul3A_544 = vector.broadcast %mul3A_543 : f32 to vector<128x128xf32>
        %mul3A_545 = arith.mulf %mul3A_544, %sub3A_542 : vector<128x128xf32>
        %sub3A_546 = arith.subf %mul3A_538, %mul3A_545 : vector<128x128xf32>
        %reduce_max3A_547 = arith.constant dense<0xFF800000> : vector<128xf32>
        %reduce_max3A_548 = vector.multi_reduction <maximumf>, %sub3A_546, %reduce_max3A_547 [0] : vector<128x128xf32> to vector<128xf32>
        %broadcast_in_dim3A_549 = vector.shape_cast %reduce_max3A_548 : vector<128xf32> to vector<1x128xf32>
        %add3A_550 = arith.constant 6 : i32
        %add3A_551 = arith.addi %mul3A_172, %add3A_550 : i32
        %gt3A_552 = arith.cmpi sgt, %add3A_551, %scan3A_27 : i32
        %gt3A_553 = arith.constant 0.000000e+00 : f32
        %gt3A_554 = vector.broadcast %gt3A_553 : f32 to vector<1x128xf32>
        %gt3A_555 = arith.cmpf ogt, %broadcast_in_dim3A_549, %gt3A_554 : vector<1x128xf32>
        %and3A_556 = vector.broadcast %gt3A_552 : i1 to vector<1x128xi1>
        %and3A_557 = arith.andi %gt3A_555, %and3A_556 : vector<1x128xi1>
        %jit3A_558 = arith.constant 0.000000e+00 : f32
        %jit3A_559 = arith.constant 1.000000e+00 : f32
        %broadcast_in_dim3A_560 = vector.broadcast %jit3A_558 : f32 to vector<1x128xf32>
        %broadcast_in_dim3A_561 = vector.broadcast %jit3A_559 : f32 to vector<1x128xf32>
        %select_n3A_562 = arith.select %and3A_557, %broadcast_in_dim3A_560, %broadcast_in_dim3A_561 : vector<1x128xi1>, vector<1x128xf32>
        %slice3A_563 = vector.extract_strided_slice %reshape3A_202 {offsets = [6, 0], sizes = [1, 128], strides = [1, 1]} : vector<8x128xf32> to vector<1x128xf32>
        %mul3A_564 = arith.mulf %slice3A_563, %select_n3A_562 : vector<1x128xf32>
        %slice3A_565 = vector.extract_strided_slice %reshape3A_193 {offsets = [7, 0], sizes = [1, 128], strides = [1, 1]} : vector<8x128xf32> to vector<1x128xf32>
        %slice3A_566 = vector.extract_strided_slice %reshape3A_194 {offsets = [7, 0], sizes = [1, 128], strides = [1, 1]} : vector<8x128xf32> to vector<1x128xf32>
        %slice3A_567 = vector.extract_strided_slice %reshape3A_195 {offsets = [7, 0], sizes = [1, 128], strides = [1, 1]} : vector<8x128xf32> to vector<1x128xf32>
        %slice3A_568 = vector.extract_strided_slice %reshape3A_196 {offsets = [7, 0], sizes = [1, 128], strides = [1, 1]} : vector<8x128xf32> to vector<1x128xf32>
        %slice3A_569 = vector.extract_strided_slice %reshape3A_197 {offsets = [7, 0], sizes = [1, 128], strides = [1, 1]} : vector<8x128xf32> to vector<1x128xf32>
        %min3A_570 = vector.broadcast %dot_general3A_45 : vector<128x1xf32> to vector<128x128xf32>
        %min3A_571 = vector.broadcast %slice3A_567 : vector<1x128xf32> to vector<128x128xf32>
        %min3A_572 = arith.minimumf %min3A_570, %min3A_571 : vector<128x128xf32>
        %max3A_573 = vector.broadcast %select_n3A_135 : vector<128x1xf32> to vector<128x128xf32>
        %max3A_574 = vector.broadcast %slice3A_565 : vector<1x128xf32> to vector<128x128xf32>
        %max3A_575 = arith.maximumf %max3A_573, %max3A_574 : vector<128x128xf32>
        %sub3A_576 = arith.subf %min3A_572, %max3A_575 : vector<128x128xf32>
        %max3A_577 = arith.constant 0.000000e+00 : f32
        %max3A_578 = vector.broadcast %max3A_577 : f32 to vector<128x128xf32>
        %max3A_579 = arith.maximumf %max3A_578, %sub3A_576 : vector<128x128xf32>
        %min3A_580 = vector.broadcast %dot_general3A_52 : vector<128x1xf32> to vector<128x128xf32>
        %min3A_581 = vector.broadcast %slice3A_568 : vector<1x128xf32> to vector<128x128xf32>
        %min3A_582 = arith.minimumf %min3A_580, %min3A_581 : vector<128x128xf32>
        %max3A_583 = vector.broadcast %dot_general3A_38 : vector<128x1xf32> to vector<128x128xf32>
        %max3A_584 = vector.broadcast %slice3A_566 : vector<1x128xf32> to vector<128x128xf32>
        %max3A_585 = arith.maximumf %max3A_583, %max3A_584 : vector<128x128xf32>
        %sub3A_586 = arith.subf %min3A_582, %max3A_585 : vector<128x128xf32>
        %max3A_587 = arith.constant 0.000000e+00 : f32
        %max3A_588 = vector.broadcast %max3A_587 : f32 to vector<128x128xf32>
        %max3A_589 = arith.maximumf %max3A_588, %sub3A_586 : vector<128x128xf32>
        %mul3A_590 = arith.mulf %max3A_579, %max3A_589 : vector<128x128xf32>
        %add3A_591 = vector.broadcast %dot_general3A_59 : vector<128x1xf32> to vector<128x128xf32>
        %add3A_592 = vector.broadcast %slice3A_569 : vector<1x128xf32> to vector<128x128xf32>
        %add3A_593 = arith.addf %add3A_591, %add3A_592 : vector<128x128xf32>
        %sub3A_594 = arith.subf %add3A_593, %mul3A_590 : vector<128x128xf32>
        %mul3A_595 = arith.constant 0.699999988 : f32
        %mul3A_596 = vector.broadcast %mul3A_595 : f32 to vector<128x128xf32>
        %mul3A_597 = arith.mulf %mul3A_596, %sub3A_594 : vector<128x128xf32>
        %sub3A_598 = arith.subf %mul3A_590, %mul3A_597 : vector<128x128xf32>
        %reduce_max3A_599 = arith.constant dense<0xFF800000> : vector<128xf32>
        %reduce_max3A_600 = vector.multi_reduction <maximumf>, %sub3A_598, %reduce_max3A_599 [0] : vector<128x128xf32> to vector<128xf32>
        %broadcast_in_dim3A_601 = vector.shape_cast %reduce_max3A_600 : vector<128xf32> to vector<1x128xf32>
        %add3A_602 = arith.constant 7 : i32
        %add3A_603 = arith.addi %mul3A_172, %add3A_602 : i32
        %gt3A_604 = arith.cmpi sgt, %add3A_603, %scan3A_27 : i32
        %gt3A_605 = arith.constant 0.000000e+00 : f32
        %gt3A_606 = vector.broadcast %gt3A_605 : f32 to vector<1x128xf32>
        %gt3A_607 = arith.cmpf ogt, %broadcast_in_dim3A_601, %gt3A_606 : vector<1x128xf32>
        %and3A_608 = vector.broadcast %gt3A_604 : i1 to vector<1x128xi1>
        %and3A_609 = arith.andi %gt3A_607, %and3A_608 : vector<1x128xi1>
        %jit3A_610 = arith.constant 0.000000e+00 : f32
        %jit3A_611 = arith.constant 1.000000e+00 : f32
        %broadcast_in_dim3A_612 = vector.broadcast %jit3A_610 : f32 to vector<1x128xf32>
        %broadcast_in_dim3A_613 = vector.broadcast %jit3A_611 : f32 to vector<1x128xf32>
        %select_n3A_614 = arith.select %and3A_609, %broadcast_in_dim3A_612, %broadcast_in_dim3A_613 : vector<1x128xi1>, vector<1x128xf32>
        %slice3A_615 = vector.extract_strided_slice %reshape3A_202 {offsets = [7, 0], sizes = [1, 128], strides = [1, 1]} : vector<8x128xf32> to vector<1x128xf32>
        %mul3A_616 = arith.mulf %slice3A_615, %select_n3A_614 : vector<1x128xf32>
        %concatenate3A = tpu.concatenate %mul3A_252, %mul3A_304, %mul3A_356, %mul3A_408, %mul3A_460, %mul3A_512, %mul3A_564, %mul3A_616 in 0 : vector<1x128xf32>, vector<1x128xf32>, vector<1x128xf32>, vector<1x128xf32>, vector<1x128xf32>, vector<1x128xf32>, vector<1x128xf32>, vector<1x128xf32> -> vector<8x128xf32>
        %reshape3A_617 = vector.shape_cast %concatenate3A : vector<8x128xf32> to vector<8x1x128xf32>
        %swap3A_618 = arith.index_cast %mul3A_172 : i32 to index
        %swap3A_619 = arith.constant 0 : index
        %swap3A_620 = arith.constant 0 : index
        %swap3A_621 = vector.load %arg5[%swap3A_618, %swap3A_619, %swap3A_620] : memref<96x1x128xf32, #tpu.memory_space<vmem>>, vector<8x1x128xf32>
        tpu.vector_store %arg5[%swap3A_618, %swap3A_619, %swap3A_620], %reshape3A_617 {strides = array<i32>} : memref<96x1x128xf32, #tpu.memory_space<vmem>>, vector<8x1x128xf32>,
        %while3A_622 = arith.constant 0 : i32
        scf.yield %while3A_622 : i32
      }
    }
    %scan3A_26 = arith.constant 96 : i32
    return
  }
}

</mosaic_0001>

<sc_bundles>
// kernel: gather_offload_async_start
scs
__scs_entry_jumppad:
0x0: {  	(pc) =	sbr.rel $0x88, $3  }
0x1: {  	(tag) =	ssettag $0x0;
	lr =	simm.s32 $0x1  }
0x2: {  	[smem:$0x3F9F] =	sst lr;
	_ =	strace $0xD0000000  }
0x3: {  	_ = 	snop  }
0x4: {  	_ = 	snop  }
0x5: {  	_ = 	snop  }
0x6: {  	_ = 	snop  }
0x7: {  	_ = 	snop  }
__scs_overlays_trampoline_lowered:
0x8: {  	[smem:$0x3FAE] =	sst s0  }
0x9: {  	[smem:$0x3FAF] =	sst s1  }
0xa: {  	[smem:$0x3FB0] =	sst s2  }
0xb: {  	[smem:$0x3FB1] =	sst s3  }
0xc: {  	[smem:$0x3FB2] =	sst s4  }
0xd: {  	[smem:$0x3FB3] =	sst s5  }
0xe: {  	[smem:$0x3FB4] =	sst s6  }
0xf: {  	[smem:$0x3FB5] =	sst s7  }
0x10: {  	[smem:$0x3FB6] =	sst s8  }
0x11: {  	[smem:$0x3FB7] =	sst s9;
	s0 =	simm.s32 @!p0 $0x0  }
0x12: {  	s1 =	sld [smem:$0x3F9D];
	s0 =	simm.s32 @p0 $0x1  }
0x13: {  	[smem:$0x3FB8] =	sst s0;
	s0 =	simm.s32 @!p1 $0x0  }
0x14: {  	s2 =	sld [smem:$0x3F9C];
	s0 =	simm.s32 @p1 $0x1  }
0x15: {  	[smem:$0x3FB9] =	sst s0;
	s0 =	simm.s32 @!p2 $0x0  }
0x16: {  	s3 =	sld [smem:$0x3FDB];
	s0 =	simm.s32 @p2 $0x1  }
0x17: {  	s4 =	simm.s32 $0x1BF5;
	[smem:$0x3FBB] =	sst s0  }
0x18: {  	s0 =	sld [smem:$0x3F9E];
	_ =	swait.ge [sflag:s4], $0x0  }
0x19: {  	s7 =	sld [smem:$0x3F9F]  }
0x1a: {  	s8 =	sadd.s32 $0xFFFFE003, lr  }
0x1b: {  	s9 =	sadd.s32 $0xFFFFFEF7, lr;
	s5 =	simm.s32 $0xFFFFFFFF;
	p2 =	slt.u32 s8, $0xFFFFF086  }
0x1c: {  	p1 =	slt.u32 s9, $0xF7A;
	s5 =	simm.s32 @!p2 $0x0  }
0x1d: {  	s5 =	simm.s32 @p1 $0x1;
	p0 =	seq.s32 s7, s2  }
0x1e: {  	s7 =	smul.u32 @!p0 $0xF7A, s2;
	p2 =	seq.s32 @!p0 s5, $0x0  }
0x1f: {  	s9 =	smul.u32 $0xF7A, s1;
	s8 =	simm.s32 @!p0 $0x1BF5;
	p2 =	por !p2, p0  }
0x20: {  	[sflag:s8] =	ssyncset.s32 @!p0 $0xFFFFF086;
	s6 =	sadd.s32 @!p0 s3, s7;
	s7 =	simm.s32 @!p0 $0x108  }
0x21: {  	s3 =	sadd.s32 s3, s9;
	s6 =	sadd.s32 @!p0 $0x88, s6;
	s7 =	simm.s32 @p2 $0x1082  }
0x22: {  	[simem:s7], [sflag:s8] =	dma.local @!p0 [hbm:s6], $0xF7A  }
0x23: {  	s9 =	sor.u32 $0xD0000000, s2;
	s6 =	simm.s32 $0x108;
	_ =	swait.ge @!p0 [sflag:s8], $0x0  }
0x24: {  	s3 =	sadd.s32 $0x88, s3;
	s6 =	simm.s32 @!p1 $0x1082;
	[sflag:s4] =	ssyncset.s32 $0xFFFFF086  }
0x25: {  	[simem:s6], [sflag:s4] =	dma.local [hbm:s3], $0xF7A  }
0x26: {  	[smem:$0x3F9F] =	sst s1;
	(tag) =	ssettag s2;
	_ =	strace s9  }
0x27: {  	s1 =	sld [smem:$0x3FAF]  }
0x28: {  	s2 =	sld [smem:$0x3FB0]  }
0x29: {  	s4 =	sld [smem:$0x3FB2]  }
0x2a: {  	p0 =	seq.s32 s5, $0x0;
	s5 =	sld [smem:$0x3FB3]  }
0x2b: {  	s6 =	sld [smem:$0x3FB4]  }
0x2c: {  	s7 =	sld [smem:$0x3FB5]  }
0x2d: {  	s3 =	simm.s32 $0x108;
	s8 =	sld [smem:$0x3FB6]  }
0x2e: {  	s3 =	simm.s32 @!p0 $0x1082;
	s9 =	sld [smem:$0x3FB7]  }
0x2f: {  	lr =	sadd.s32 s0, s3;
	s0 =	sld [smem:$0x3FAE]  }
0x30: {  	s3 =	sld [smem:$0x3FB1]  }
0x31: {  	[smem:$0x3FBA] =	sst s10  }
0x32: {  	s10 =	sld [smem:$0x3FB8];
	_ =	sdelay $0x3  }
0x33: {  	p0 =	seq.s32 s10, $0x1;
	s10 =	sld [smem:$0x3FBA];
	_ =	sdelay $0x3  }
0x34: {  	[smem:$0x3FBA] =	sst s10  }
0x35: {  	s10 =	sld [smem:$0x3FB9];
	_ =	sdelay $0x3  }
0x36: {  	p1 =	seq.s32 s10, $0x1;
	s10 =	sld [smem:$0x3FBA];
	_ =	sdelay $0x3  }
0x37: {  	[smem:$0x3FBA] =	sst s10  }
0x38: {  	s10 =	sld [smem:$0x3FBB]  }
0x39: {  	_ = 	snop;
	(pc) =	sbr.ind lr, $3  }
0x3a: {  	_ = 	snop  }
0x3b: {  	_ = 	snop  }
0x3c: {  	p2 =	seq.s32 s10, $0x1;
	s10 =	sld [smem:$0x3FBA]  }
0x3d: {  	_ =	shalt  }
0x3e: {  	_ =	shalt  }
0x3f: {  	_ =	shalt  }
0x40: {  	_ =	shalt  }
0x41: {  	_ =	shalt  }
0x42: {  	_ =	shalt  }
0x43: {  	_ =	shalt  }
0x44: {  	_ =	shalt  }
0x45: {  	_ =	shalt  }
0x46: {  	_ =	shalt  }
0x47: {  	_ =	shalt  }
0x48: {  	_ =	shalt  }
0x49: {  	_ =	shalt  }
0x4a: {  	_ =	shalt  }
0x4b: {  	_ =	shalt  }
0x4c: {  	_ =	shalt  }
0x4d: {  	_ =	shalt  }
0x4e: {  	_ =	shalt  }
0x4f: {  	_ =	shalt  }
0x50: {  	_ =	shalt  }
0x51: {  	_ =	shalt  }
0x52: {  	_ =	shalt  }
0x53: {  	_ =	shalt  }
0x54: {  	_ =	shalt  }
0x55: {  	_ =	shalt  }
0x56: {  	_ =	shalt  }
0x57: {  	_ =	shalt  }
0x58: {  	_ =	shalt  }
0x59: {  	_ =	shalt  }
0x5a: {  	_ =	shalt  }
0x5b: {  	_ =	shalt  }
0x5c: {  	_ =	shalt  }
0x5d: {  	_ =	shalt  }
0x5e: {  	_ =	shalt  }
0x5f: {  	_ =	shalt  }
0x60: {  	_ =	shalt  }
0x61: {  	_ =	shalt  }
0x62: {  	_ =	shalt  }
0x63: {  	_ =	shalt  }
0x64: {  	_ =	shalt  }
0x65: {  	_ =	shalt  }
0x66: {  	_ =	shalt  }
0x67: {  	_ =	shalt  }
0x68: {  	_ =	shalt  }
0x69: {  	_ =	shalt  }
0x6a: {  	_ =	shalt  }
0x6b: {  	_ =	shalt  }
0x6c: {  	_ =	shalt  }
0x6d: {  	_ =	shalt  }
0x6e: {  	_ =	shalt  }
0x6f: {  	_ =	shalt  }
0x70: {  	_ =	shalt  }
0x71: {  	_ =	shalt  }
0x72: {  	_ =	shalt  }
0x73: {  	_ =	shalt  }
0x74: {  	_ =	shalt  }
0x75: {  	_ =	shalt  }
0x76: {  	_ =	shalt  }
0x77: {  	_ =	shalt  }
0x78: {  	_ =	shalt  }
0x79: {  	_ =	shalt  }
0x7a: {  	_ =	shalt  }
0x7b: {  	_ =	shalt  }
0x7c: {  	_ =	shalt  }
0x7d: {  	_ =	shalt  }
0x7e: {  	_ =	shalt  }
0x7f: {  	_ =	shalt  }
0x80: {  	_ =	shalt  }
0x81: {  	_ =	shalt  }
0x82: {  	_ =	shalt  }
0x83: {  	_ =	shalt  }
0x84: {  	_ =	shalt  }
0x85: {  	_ =	shalt  }
0x86: {  	_ =	shalt  }
0x87: {  	_ =	shalt  }
.Lfunc_end0:
.L_simem_size_0:
called_computation_lowered:
.L_overlay_start_0:
0x88: {  	s2 =	sld [smem:$0x3FD9]  }
0x89: {  	s3 =	sld [smem:$0x3FFE];
	_ =	sdelay $0x1  }
0x8a: {  	s1 =	srdreg.scid  }
0x8b: {  	s0 =	sand.u32 $0x1, s1  }
0x8c: {  	s16 =	sshll.u32 s0, $0xA;
	s2 =	sadd.s32 s3, s2  }
0x8d: {  	s2 =	sadd.s32 s2, s16  }
0x8e: {  	[smem:$0x3FC6] =	sst s2  }
0x8f: {  	_ = 	snop  }
0x90: {  	(tm) =	ssettm $0x1  }
0x91: {  	s17 =	sld [smem:$0x3FFB];
	_ =	sdelay $0x3  }
0x92: {  	_ =	strace s17  }
0x93: {  	s2 =	sld [smem:$0x3FFC];
	_ =	sdelay $0x3  }
0x94: {  	_ =	strace s2  }
0x95: {  	s2 =	sld [smem:$0x3FFD];
	_ =	sdelay $0x3  }
0x96: {  	_ =	strace s2  }
0x97: {  	_ =	strace $0x8FFFFFFF  }
0x98: {  	s18 =	sld [smem:$0x3FDB];
	_ =	sdelay $0x1  }
0x99: {  	s19 =	simm.s32 $_scs_section_size  }
0x9a: {  	s4 =	simm.s32 $_size__tile_overlayer_lowered;
	s5 =	simm.s32 $_tile_overlayer_lowered  }
0x9b: {  	s22 =	simm.s32 $0x1BFF;
	s21 =	sshll.u32 s5, $0x1;
	s2 =	sadd.s32 s19, s18  }
0x9c: {  	s6 =	simm.s32 $0x0;
	s20 =	sshll.u32 s4, $0x1;
	s4 =	sadd.s32 s21, s2  }
0x9d: {  	[timem:s6], [sflag:s22] =	dma.local [hbm:s4], s20  }
0x9e: {  	_ =	swait.ge [sflag:s22], s20  }
0x9f: {  	s3 =	ssub.s32 $0x0, s20;
	[sflag:s22] =	ssyncset.done $0x0  }
0xa0: {  	[sflag:s22] =	ssyncadd.s32 s3;
	_ =	sdelay $0x1  }
0xa1: {  	s23 =	simm.s32 $0x1B8B  }
0xa2: {  	_ =	swait.ge [sflag:s23], $0x1  }
0xa3: {  	[sflag:s23] =	ssyncset.done $0x0  }
0xa4: {  	s25 =	simm.s32 $0x1B8E;
	s24 =	sld [smem:$0x3FFE];
	[sflag:s23] =	ssyncadd.s32 $0xFFFFFFFF  }
0xa5: {  	s26 =	simm.s32 $execute0_lowered;
	[smem:$0x3FD2] =	sst s25  }
0xa6: {  	s4 =	sshll.u32 s26, $0x1;
	_ =	strace $0x80000046;
	[dreg:$0x1] =	wrdreg $0xFFFFFFFF  }
0xa7: {  	s28 =	simm.s32 $_size_execute0_lowered;
	s2 =	sadd.s32 s2, s4;
	[dreg:$0x0] =	wrdreg $0x0  }
0xa8: {  	s4 =	sshll.u32 s28, $0x1;
	[dreg:$0x2] =	wrdreg s2  }
0xa9: {  	[dreg:$0x3] =	wrdreg s4  }
0xaa: {  	[dreg:$0x4] =	wrdreg $0xC0  }
0xab: {  	_ =	task [dreg:s6], $0x5FFFF  }
0xac: {  	[dreg:$0x1] =	wrdreg $0xFFFFFFFF  }
0xad: {  	[dreg:$0x0] =	wrdreg $0x60  }
0xae: {  	[dreg:$0x2] =	wrdreg s24  }
0xaf: {  	[dreg:$0x3] =	wrdreg $0x9  }
0xb0: {  	_ =	task.clear_ibuf [dreg:s6], $0x4FFFF;
	_ =	strace $0x90000046  }
0xb1: {  	s29 =	simm.s32 $0x9;
	_ =	strace $0x80000048  }
0xb2: {  	_ =	swait.ge [sflag:s29], $0x1  }
0xb3: {  	[sflag:s29] =	ssyncadd.s32 $0xFFFFFFFF  }
0xb4: {  	_ =	strace $0x90000048  }
0xb5: {  	_ =	sfence  }
0xb6: {  	s30 =	sld [smem:$0x0];
	_ =	sdelay $0x2  }
0xb7: {  	s31 =	sshll.u32 s1, $0xD;
	s1 =	sshrl.u32 s1, $0x2  }
0xb8: {  	s3 =	sand.u32 $0x4000, s31;
	s1 =	sadd.s32 s1, s30  }
0xb9: {  	s0 =	sor.u32 s3, s0;
	s1 =	sshll.u32 s1, $0x11  }
0xba: {  	s0 =	sor.u32 s1, s0  }
0xbb: {  	s0 =	sadd.s32 $0x8F2B, s0  }
0xbc: {  	[sflag:s0] =	ssyncadd.remote.s32 $0x1  }
0xbd: {  	_ =	sfence.sel $0xFFFF  }
0xbe: {  	[dreg:$0x0] =	wrdreg $0xFFFFFFFF;
	(pc) =	sbr.abs _section_cstart, $3  }
0xbf: {  	[dreg:$0x1] =	wrdreg $0xFFFFFFFF  }
0xc0: {  	_ =	task.clear_ibuf [dreg:s6], $0x2FFFF;
	_ =	strace $0x9FFFFFFF  }
0xc1: {  	(tm) =	ssettm $0x7FFFFFFF  }
tec
execute0_lowered:
.L_overlay_start_1:
0x0: {  	(tag) =	ssettag $0x1  }
0x1: {  	s0 =	srdreg.scid  }
0x2: {  	s1 =	sshll.u32 s0, $0x4  }
0x3: {  	s0 =	stileid.u32;
	s1 =	sand.u32 $0x10, s1  }
0x4: {  	s2 =	sor.u32 s0, s1  }
0x5: {  	s1 =	smin.u32 s2, $0x1C  }
0x6: {  	s1 =	sadd.s32 s2, s1  }
0x7: {  	p0 =	slt.u32 s2, $0x1C;
	s2 =	simm.s32 $0x190;
	s1 =	smul.u32 $0xC8, s1  }
0x8: {  	s2 =	simm.s32 @!p0 $0xC8  }
0x9: {  	s2 =	sadd.s32 s2, s1  }
0xa: {  	s3 =	smin.u32 s2, $0x2EE0  }
0xb: {  	s7 =	ssub.s32 s3, s1  }
0xc: {  	p0 =	sgt.s32 s7, $0x0  }
0xd: {  	s7 =	simm.s32 @!p0 $0x0  }
0xe: {  	s31 =	sand.u32 $0xFFF8, s7  }
0xf: {  	s2 =	sshrl.u32 s31, $0x3  }
0x10: {  	s2 =	smul.u32 $0x147B, s2  }
0x11: {  	s4 =	rddreg [dreg:$0x0];
	s6 =	simm.s32 $0x1  }
0x12: {  	s10 =	simm.s32 $0x3;
	s13 =	simm.s32 $0x0;
	s8 =	sshrl.u32 s2, $0x11  }
0x13: {  	s12 =	simm.s32 $0x0;
	s5 =	sadd.s32 $0x4E200, s4;
	s9 =	smul.u32 $0xC8, s8  }
.Ltmp0:
0x14: {  	s11 =	smov.u32 s1;
	s2 =	rddreg [dreg:$0x1];
	(pc) =	sbr.rel .LBB2_1-.Ltmp0, $4  }
0x15: {  	_ =	strace $0x80000047;
	p0 =	sne.s32 s7, s9;
	s9 =	simm.s32 $0x1  }
0x16: {  	[sflag:s6] =	ssyncpa.u1 $0x0;
	s7 =	simm.s32 $0x2;
	s9 =	simm.s32 @!p0 $0x0  }
0x17: {  	[sflag:s7] =	ssyncpa.u1 $0x0;
	p0 =	por $0x0, $0x0;
	s8 =	sadd.s32 s8, s9  }
0x18: {  	vm0 =	vmmov $0xff;
	vm1 =	vcmask $0x3F20;
	s9 =	sadd.s32 $0x4E800, s4;
	[sflag:s10] =	ssyncpa.u1 $0x0;
	s10 =	sadd.s32 $0x1, s8  }
.LBB2_6:
0x19: {  	[hbm:s17] =	stream.linear.scatter [tilespmem:s14], [sflag:$0x3], $0x400, $0x38;
	[tilespmem:$0xC990] =	vst v63  }
.LBB2_7:
0x1a: {  	s13 =	sadd.s32 $0xC8, s11  }
0x1b: {  	s15 =	smov.u32 s1;
	p2 =	slt.s32 s13, s3  }
0x1c: {  	s15 =	smov.u32 @p2 s13;
	p2 =	sne.s32 s12, s10  }
.Ltmp1:
0x1d: {  	p1 =	slt.u32 s12, $0x2;
	(pc) =	sbr.rel @!p2 .LBB2_8-.Ltmp1, $4  }
0x1e: {  	s14 =	simm.s32 @!p1 $0x3  }
0x1f: {  	s16 =	sadd.s32 $0x1, s12;
	_ =	swait.ge @!p1 [sflag:s14], $0x6400  }
0x20: {  	p0 =	por !p0, !p0;
	s13 =	smov.u32 s11;
	[sflag:s14] =	ssyncset.done @!p1 $0x0  }
0x21: {  	s12 =	smov.u32 s16;
	s11 =	smov.u32 s15;
	[sflag:s14] =	ssyncadd.s32 @!p1 $0xFFFF9C00  }
.LBB2_1:
0x22: {  	p1 =	sge.u32 s12, s8  }
0x23: {  	s14 =	sxor.u32 @!p1 $0xFFFFFFFF, s12  }
0x24: {  	s14 =	sand.u32 @!p1 $0x1, s14  }
0x25: {  	s14 =	smul.u32 @!p1 $0x320, s14  }
0x26: {  	s31 =	sadd.s32 $0xFFFFFFFF, s12;
	s15 =	sshrl.u32 @!p1 s11, $0x3  }
0x27: {  	s16 =	sand.u32 @!p1 $0x7, s11;
	s15 =	sadd.s32 @!p1 s5, s15;
	s14 =	sshrl.u32 @!p1 s14, $0x2  }
0x28: {  	[tilespmem:s14], [sflag:$0x2] =	stream.linear.gather @!p1 [hbm4b:s15+s16], $0xC8, $0x38;
	[tilespmem:$0xC990] =	vst v63  }
0x29: {  	p1 =	sge.u32 s31, s8  }
.Ltmp2:
0x2a: {  	_ = 	snop;
	(pc) =	sbr.rel @p1 .LBB2_7-.Ltmp2, $1  }
0x2b: {  	_ =	sdelay $0x3  }
0x2c: {  	s14 =	simm.s32 $0x1  }
0x2d: {  	s14 =	simm.s32 @!p0 $0x0  }
0x2e: {  	s15 =	smul.u32 $0x320, s14  }
0x2f: {  	_ =	swait.ge [sflag:s7], $0xC8  }
0x30: {  	[sflag:s7] =	ssyncset.done $0x0;
	s16 =	sshrl.u32 s15, $0x2  }
0x31: {  	[sflag:s7] =	ssyncadd.s32 $0xFFFFFF38;
	s15 =	sadd.s32 $0x0, s16  }
0x32: {  	v0 =	vld.msk [tilespmem:s15+$0x0 ss:$0x1], $0xffff;
	_ =	sdelay $0x4  }
0x33: {  	vm2 =	vgt.s32 v0, $0x0  }
0x34: {  	v0 =	vnsel vm2, $0x0, v0  }
0x35: {  	v0 =	vmin.u32 v0, $0x4E1F  }
0x36: {  	v0 =	vshll.u32 v0, $0x4  }
0x37: {  	s14 =	smul.u32 $0x19000, s14  }
0x38: {  	s31 =	sand.u32 $0x1, s12  }
0x39: {  	s17 =	smul.u32 $0x320, s31;
	s14 =	sshrl.u32 s14, $0x2  }
0x3a: {  	s19 =	smul.u32 $0x19000, s31;
	s14 =	sor.u32 $0x190, s14  }
0x3b: {  	[tilespmem:s14], [sflag:$0x1] =	stream.indirect_vreg.gather [hbm:s4], $0x80, v0, vm0, $0x38;
	[tilespmem:$0xC990] =	vst v63  }
0x3c: {  	s18 =	sshrl.u32 s17, $0x2;
	s20 =	sadd.s32 $0x10, s16;
	s15 =	sadd.s32 $0x400, s14  }
0x3d: {  	[tilespmem:s15], [sflag:$0x1] =	stream.indirect_vreg.gather [hbm:s4], $0x80, v0, vm1, $0x38;
	[tilespmem:$0xC990] =	vst v63  }
0x3e: {  	s17 =	sshrl.u32 s19, $0x2;
	s19 =	smov.u32 s14;
	v0 =	vld.msk [tilespmem:s20+$0x0 ss:$0x1], $0xffff;
	s20 =	simm.s32 $0x80  }
.LBB2_3:
0x3f: {  	p1 =	sne.s32 s20, $0x2C0;
	_ =	sdelay $0x4  }
0x40: {  	vm2 =	vgt.s32 v0, $0x0  }
0x41: {  	v0 =	vnsel vm2, $0x0, v0  }
0x42: {  	v0 =	vmin.u32 v0, $0x4E1F  }
0x43: {  	v0 =	vshll.u32 v0, $0x4;
	_ =	sdelay $0x3  }
.Ltmp3:
0x44: {  	s21 =	sshra.s32 s20, $0x2;
	s19 =	sadd.s32 $0x800, s19;
	(pc) =	sbr.rel @p1 .LBB2_3-.Ltmp3, $4  }
0x45: {  	[tilespmem:s19], [sflag:$0x1] =	stream.indirect_vreg.gather [hbm:s4], $0x80, v0, vm0, $0x38;
	[tilespmem:$0xC990] =	vst v63  }
0x46: {  	s21 =	sadd.s32 s21, s16;
	s22 =	sadd.s32 $0x400, s19  }
0x47: {  	[tilespmem:s22], [sflag:$0x1] =	stream.indirect_vreg.gather [hbm:s4], $0x80, v0, vm1, $0x38;
	[tilespmem:$0xC990] =	vst v63  }
0x48: {  	s20 =	sadd.s32 $0x40, s20;
	v0 =	vld.msk [tilespmem:s21+$0x0 ss:$0x1], $0xffff  }
0x49: {  	_ =	sdelay $0x3  }
0x4a: {  	vm2 =	vgt.s32 v0, $0x0  }
0x4b: {  	v0 =	vnsel vm2, $0x0, v0  }
0x4c: {  	v0 =	vmin.u32 v0, $0x4E1F  }
0x4d: {  	v0 =	vshll.u32 v0, $0x4;
	_ =	sdelay $0x3  }
0x4e: {  	s16 =	sadd.s32 $0x800, s19  }
0x4f: {  	[tilespmem:s16], [sflag:$0x1] =	stream.indirect_vreg.gather [hbm:s4], $0x80, v0, vm0, $0x38;
	[tilespmem:$0xC990] =	vst v63  }
0x50: {  	s16 =	sadd.s32 $0x400, s16  }
0x51: {  	[tilespmem:s16], [sflag:$0x1] =	stream.indirect_vreg.gather [hbm:s4], $0x80, v0, vm1, $0x38;
	[tilespmem:$0xC990] =	vst v63  }
0x52: {  	v0 =	vld.msk [tilespmem:s18+$0xC0 ss:$0x1], $0xff;
	_ =	sdelay $0x4  }
0x53: {  	vm2 =	vgt.s32 v0, $0x0  }
0x54: {  	v0 =	vnsel vm2, $0x0, v0  }
0x55: {  	v0 =	vmin.u32 v0, $0x4E1F  }
0x56: {  	v0 =	vshll.u32 v0, $0x4;
	_ =	sdelay $0x3  }
0x57: {  	s31 =	sadd.s32 $0x6190, s17  }
0x58: {  	[tilespmem:s31], [sflag:$0x1] =	stream.indirect_vreg.gather [hbm:s4], $0x80, v0, vm0, $0x38;
	[tilespmem:$0xC990] =	vst v63  }
0x59: {  	s13 =	sshll.u32 s13, $0x4;
	_ =	swait.ge [sflag:s6], $0x6400  }
0x5a: {  	s13 =	sadd.s32 s13, s9;
	[sflag:s6] =	ssyncset.done $0x0  }
0x5b: {  	s17 =	sadd.s32 $0x0, s13;
	s16 =	simm.s32 $0x80;
	[sflag:s6] =	ssyncadd.s32 $0xFFFF9C00  }
.LBB2_5:
0x5c: {  	[hbm:s17] =	stream.linear.scatter [tilespmem:s14], [sflag:$0x3], $0x400, $0x38;
	[tilespmem:$0xC990] =	vst v63  }
0x5d: {  	s17 =	smov.u32 s16;
	s14 =	smov.u32 s15;
	p1 =	sne.s32 s16, $0xC00  }
.Ltmp4:
0x5e: {  	s16 =	sadd.s32 $0x80, s16;
	(pc) =	sbr.rel @p1 .LBB2_5-.Ltmp4, $2  }
0x5f: {  	_ =	sdelay $0x2  }
0x60: {  	s15 =	sadd.s32 $0x400, s15;
	s17 =	sadd.s32 s17, s13  }
.Ltmp5:
0x61: {  	_ = 	snop;
	(pc) =	sbr.rel .LBB2_6-.Ltmp5, $1  }
0x62: {  	_ =	sdelay $0x3  }
.LBB2_8:
0x63: {  	_ =	sfence.sel $0x180000  }
0x64: {  	s1 =	simm.s32 $0x2;
	[bflag:$0x0] =	sbarrier.arrive $0xFFFF  }
0x65: {  	s30 =	simm.s32 $0x3;
	[sflag:s1] =	ssyncpa.u1 $0x1  }
0x66: {  	s31 =	simm.s32 $0x1;
	[sflag:s30] =	ssyncpa.u1 $0x1  }
0x67: {  	[sflag:s31] =	ssyncpa.u1 $0x1  }
0x68: {  	p0 =	sne.s32 s0, $0x0;
	_ =	strace $0x90000047  }
0x69: {  	s0 =	sadd.s32 @!p0 $0x100000, s2;
	[bflag:$0x2] =	sbarrier.arrive $0xFFFF  }
0x6a: {  	[sflag:s0] =	ssyncadd.tile.s32 @!p0 $0x1;
	_ =	shalt  }
.Lfunc_end2:
_tile_overlayer_lowered:
.L_overlay_start_2:
0x6b: {  	(tag) =	ssettag $0x2  }
0x6c: {  	s0 =	rddreg [dreg:$0x0];
	s2 =	stileid.u32  }
0x6d: {  	s1 =	rddreg [dreg:$0x1];
	p0 =	sne.s32 s2, $0x0  }
0x6e: {  	s3 =	rddreg [dreg:$0x2];
	[bflag:$0x3] =	sbarrier.arrive $0xFFFF;
	s2 =	simm.s32 @!p0 $0x1C01  }
0x6f: {  	[timem:s3], [sflag:s2] =	dma.local @!p0 [hbm:s0], s1  }
0x70: {  	s0 =	simm.s32 @!p0 $0x1  }
0x71: {  	_ =	swait.ge @!p0 [sflag:s0], s1  }
0x72: {  	s1 =	ssub.s32 @!p0 $0x0, s1;
	[sflag:s0] =	ssyncset.done @!p0 $0x0  }
0x73: {  	[sflag:s0] =	ssyncadd.s32 @!p0 s1  }
0x74: {  	[bflag:$0x3] =	sbarrier.arrive $0xFFFF  }
0x75: {  	_ =	shalt  }

// kernel: kernel.4.cloned.1.call-start
scs
__scs_entry_jumppad:
0x0: {  	(pc) =	sbr.rel $0x88, $3  }
0x1: {  	(tag) =	ssettag $0x0;
	lr =	simm.s32 $0x1  }
0x2: {  	[smem:$0x3F9F] =	sst lr;
	_ =	strace $0xD0000000  }
0x3: {  	_ = 	snop  }
0x4: {  	_ = 	snop  }
0x5: {  	_ = 	snop  }
0x6: {  	_ = 	snop  }
0x7: {  	_ = 	snop  }
__scs_overlays_trampoline_lowered:
0x8: {  	[smem:$0x3FAE] =	sst s0  }
0x9: {  	[smem:$0x3FAF] =	sst s1  }
0xa: {  	[smem:$0x3FB0] =	sst s2  }
0xb: {  	[smem:$0x3FB1] =	sst s3  }
0xc: {  	[smem:$0x3FB2] =	sst s4  }
0xd: {  	[smem:$0x3FB3] =	sst s5  }
0xe: {  	[smem:$0x3FB4] =	sst s6  }
0xf: {  	[smem:$0x3FB5] =	sst s7  }
0x10: {  	[smem:$0x3FB6] =	sst s8  }
0x11: {  	[smem:$0x3FB7] =	sst s9;
	s0 =	simm.s32 @!p0 $0x0  }
0x12: {  	s1 =	sld [smem:$0x3F9D];
	s0 =	simm.s32 @p0 $0x1  }
0x13: {  	[smem:$0x3FB8] =	sst s0;
	s0 =	simm.s32 @!p1 $0x0  }
0x14: {  	s2 =	sld [smem:$0x3F9C];
	s0 =	simm.s32 @p1 $0x1  }
0x15: {  	[smem:$0x3FB9] =	sst s0;
	s0 =	simm.s32 @!p2 $0x0  }
0x16: {  	s3 =	sld [smem:$0x3FDB];
	s0 =	simm.s32 @p2 $0x1  }
0x17: {  	s4 =	simm.s32 $0x1BF5;
	[smem:$0x3FBB] =	sst s0  }
0x18: {  	s0 =	sld [smem:$0x3F9E];
	_ =	swait.ge [sflag:s4], $0x0  }
0x19: {  	s7 =	sld [smem:$0x3F9F]  }
0x1a: {  	s8 =	sadd.s32 $0xFFFFE003, lr  }
0x1b: {  	s9 =	sadd.s32 $0xFFFFFEF7, lr;
	s5 =	simm.s32 $0xFFFFFFFF;
	p2 =	slt.u32 s8, $0xFFFFF086  }
0x1c: {  	p1 =	slt.u32 s9, $0xF7A;
	s5 =	simm.s32 @!p2 $0x0  }
0x1d: {  	s5 =	simm.s32 @p1 $0x1;
	p0 =	seq.s32 s7, s2  }
0x1e: {  	s7 =	smul.u32 @!p0 $0xF7A, s2;
	p2 =	seq.s32 @!p0 s5, $0x0  }
0x1f: {  	s9 =	smul.u32 $0xF7A, s1;
	s8 =	simm.s32 @!p0 $0x1BF5;
	p2 =	por !p2, p0  }
0x20: {  	[sflag:s8] =	ssyncset.s32 @!p0 $0xFFFFF086;
	s6 =	sadd.s32 @!p0 s3, s7;
	s7 =	simm.s32 @!p0 $0x108  }
0x21: {  	s3 =	sadd.s32 s3, s9;
	s6 =	sadd.s32 @!p0 $0x88, s6;
	s7 =	simm.s32 @p2 $0x1082  }
0x22: {  	[simem:s7], [sflag:s8] =	dma.local @!p0 [hbm:s6], $0xF7A  }
0x23: {  	s9 =	sor.u32 $0xD0000000, s2;
	s6 =	simm.s32 $0x108;
	_ =	swait.ge @!p0 [sflag:s8], $0x0  }
0x24: {  	s3 =	sadd.s32 $0x88, s3;
	s6 =	simm.s32 @!p1 $0x1082;
	[sflag:s4] =	ssyncset.s32 $0xFFFFF086  }
0x25: {  	[simem:s6], [sflag:s4] =	dma.local [hbm:s3], $0xF7A  }
0x26: {  	[smem:$0x3F9F] =	sst s1;
	(tag) =	ssettag s2;
	_ =	strace s9  }
0x27: {  	s1 =	sld [smem:$0x3FAF]  }
0x28: {  	s2 =	sld [smem:$0x3FB0]  }
0x29: {  	s4 =	sld [smem:$0x3FB2]  }
0x2a: {  	p0 =	seq.s32 s5, $0x0;
	s5 =	sld [smem:$0x3FB3]  }
0x2b: {  	s6 =	sld [smem:$0x3FB4]  }
0x2c: {  	s7 =	sld [smem:$0x3FB5]  }
0x2d: {  	s3 =	simm.s32 $0x108;
	s8 =	sld [smem:$0x3FB6]  }
0x2e: {  	s3 =	simm.s32 @!p0 $0x1082;
	s9 =	sld [smem:$0x3FB7]  }
0x2f: {  	lr =	sadd.s32 s0, s3;
	s0 =	sld [smem:$0x3FAE]  }
0x30: {  	s3 =	sld [smem:$0x3FB1]  }
0x31: {  	[smem:$0x3FBA] =	sst s10  }
0x32: {  	s10 =	sld [smem:$0x3FB8];
	_ =	sdelay $0x3  }
0x33: {  	p0 =	seq.s32 s10, $0x1;
	s10 =	sld [smem:$0x3FBA];
	_ =	sdelay $0x3  }
0x34: {  	[smem:$0x3FBA] =	sst s10  }
0x35: {  	s10 =	sld [smem:$0x3FB9];
	_ =	sdelay $0x3  }
0x36: {  	p1 =	seq.s32 s10, $0x1;
	s10 =	sld [smem:$0x3FBA];
	_ =	sdelay $0x3  }
0x37: {  	[smem:$0x3FBA] =	sst s10  }
0x38: {  	s10 =	sld [smem:$0x3FBB]  }
0x39: {  	_ = 	snop;
	(pc) =	sbr.ind lr, $3  }
0x3a: {  	_ = 	snop  }
0x3b: {  	_ = 	snop  }
0x3c: {  	p2 =	seq.s32 s10, $0x1;
	s10 =	sld [smem:$0x3FBA]  }
0x3d: {  	_ =	shalt  }
0x3e: {  	_ =	shalt  }
0x3f: {  	_ =	shalt  }
0x40: {  	_ =	shalt  }
0x41: {  	_ =	shalt  }
0x42: {  	_ =	shalt  }
0x43: {  	_ =	shalt  }
0x44: {  	_ =	shalt  }
0x45: {  	_ =	shalt  }
0x46: {  	_ =	shalt  }
0x47: {  	_ =	shalt  }
0x48: {  	_ =	shalt  }
0x49: {  	_ =	shalt  }
0x4a: {  	_ =	shalt  }
0x4b: {  	_ =	shalt  }
0x4c: {  	_ =	shalt  }
0x4d: {  	_ =	shalt  }
0x4e: {  	_ =	shalt  }
0x4f: {  	_ =	shalt  }
0x50: {  	_ =	shalt  }
0x51: {  	_ =	shalt  }
0x52: {  	_ =	shalt  }
0x53: {  	_ =	shalt  }
0x54: {  	_ =	shalt  }
0x55: {  	_ =	shalt  }
0x56: {  	_ =	shalt  }
0x57: {  	_ =	shalt  }
0x58: {  	_ =	shalt  }
0x59: {  	_ =	shalt  }
0x5a: {  	_ =	shalt  }
0x5b: {  	_ =	shalt  }
0x5c: {  	_ =	shalt  }
0x5d: {  	_ =	shalt  }
0x5e: {  	_ =	shalt  }
0x5f: {  	_ =	shalt  }
0x60: {  	_ =	shalt  }
0x61: {  	_ =	shalt  }
0x62: {  	_ =	shalt  }
0x63: {  	_ =	shalt  }
0x64: {  	_ =	shalt  }
0x65: {  	_ =	shalt  }
0x66: {  	_ =	shalt  }
0x67: {  	_ =	shalt  }
0x68: {  	_ =	shalt  }
0x69: {  	_ =	shalt  }
0x6a: {  	_ =	shalt  }
0x6b: {  	_ =	shalt  }
0x6c: {  	_ =	shalt  }
0x6d: {  	_ =	shalt  }
0x6e: {  	_ =	shalt  }
0x6f: {  	_ =	shalt  }
0x70: {  	_ =	shalt  }
0x71: {  	_ =	shalt  }
0x72: {  	_ =	shalt  }
0x73: {  	_ =	shalt  }
0x74: {  	_ =	shalt  }
0x75: {  	_ =	shalt  }
0x76: {  	_ =	shalt  }
0x77: {  	_ =	shalt  }
0x78: {  	_ =	shalt  }
0x79: {  	_ =	shalt  }
0x7a: {  	_ =	shalt  }
0x7b: {  	_ =	shalt  }
0x7c: {  	_ =	shalt  }
0x7d: {  	_ =	shalt  }
0x7e: {  	_ =	shalt  }
0x7f: {  	_ =	shalt  }
0x80: {  	_ =	shalt  }
0x81: {  	_ =	shalt  }
0x82: {  	_ =	shalt  }
0x83: {  	_ =	shalt  }
0x84: {  	_ =	shalt  }
0x85: {  	_ =	shalt  }
0x86: {  	_ =	shalt  }
0x87: {  	_ =	shalt  }
.Lfunc_end0:
.L_simem_size_0:
called_computation.1_lowered:
.L_overlay_start_0:
0x88: {  	s2 =	sld [smem:$0x3FD9]  }
0x89: {  	s3 =	sld [smem:$0x3FFE];
	_ =	sdelay $0x1  }
0x8a: {  	s1 =	srdreg.scid  }
0x8b: {  	s0 =	sand.u32 $0x1, s1  }
0x8c: {  	s14 =	sshll.u32 s0, $0xA;
	s2 =	sadd.s32 s3, s2  }
0x8d: {  	s2 =	sadd.s32 s2, s14  }
0x8e: {  	[smem:$0x3FC6] =	sst s2  }
0x8f: {  	_ = 	snop  }
0x90: {  	s2 =	sld [smem:$0x3FD0];
	_ =	sdelay $0x2  }
0x91: {  	s4 =	simm.s32 $0xA;
	s5 =	simm.s32 $0x10;
	s15 =	sld [smem:$0x3FC9]  }
0x92: {  	[smem:s5], [sflag:s4] =	dma.local [hbm:s2], $0x1  }
0x93: {  	_ =	swait.eq [sflag:s4], $0x1  }
0x94: {  	[sflag:s4] =	ssyncset.done $0x0  }
0x95: {  	s16 =	sld [smem:$0x12];
	[sflag:s4] =	ssyncadd.s32 $0xFFFFFFFF  }
0x96: {  	s17 =	sld [smem:$0x13];
	(tm) =	ssettm $0x1  }
0x97: {  	s18 =	sld [smem:$0x3FFB];
	_ =	sdelay $0x3  }
0x98: {  	_ =	strace s18  }
0x99: {  	s5 =	sld [smem:$0x3FFC];
	_ =	sdelay $0x3  }
0x9a: {  	_ =	strace s5  }
0x9b: {  	s5 =	sld [smem:$0x3FFD];
	_ =	sdelay $0x3  }
0x9c: {  	_ =	strace s5  }
0x9d: {  	_ =	strace $0x8FFFFFFF  }
0x9e: {  	s19 =	sld [smem:$0x3FDB];
	_ =	sdelay $0x1  }
0x9f: {  	s6 =	simm.s32 $_scs_section_size  }
0xa0: {  	s7 =	simm.s32 $_size__tile_overlayer_lowered;
	s8 =	simm.s32 $_tile_overlayer_lowered  }
0xa1: {  	s22 =	simm.s32 $0x1BFF;
	s21 =	sshll.u32 s8, $0x1;
	s5 =	sadd.s32 s6, s19  }
0xa2: {  	s9 =	simm.s32 $0x0;
	s20 =	sshll.u32 s7, $0x1;
	s7 =	sadd.s32 s21, s5  }
0xa3: {  	[timem:s9], [sflag:s22] =	dma.local [hbm:s7], s20  }
0xa4: {  	_ =	swait.ge [sflag:s22], s20  }
0xa5: {  	s6 =	ssub.s32 $0x0, s20;
	[sflag:s22] =	ssyncset.done $0x0  }
0xa6: {  	[sflag:s22] =	ssyncadd.s32 s6;
	_ =	sdelay $0x1  }
0xa7: {  	s23 =	simm.s32 $0x1B8B  }
0xa8: {  	_ =	swait.ge [sflag:s23], $0x1  }
0xa9: {  	[sflag:s23] =	ssyncset.done $0x0  }
0xaa: {  	s25 =	simm.s32 $0x1B8E;
	s24 =	sld [smem:$0x3FFE];
	[sflag:s23] =	ssyncadd.s32 $0xFFFFFFFF  }
0xab: {  	s26 =	simm.s32 $execute0_lowered;
	[smem:$0x3FD2] =	sst s25  }
0xac: {  	s7 =	sshll.u32 s26, $0x1;
	_ =	strace $0x80000049;
	[dreg:$0x1] =	wrdreg $0xFFFFFFFF  }
0xad: {  	s28 =	simm.s32 $_size_execute0_lowered;
	s5 =	sadd.s32 s5, s7;
	[dreg:$0x0] =	wrdreg $0x0  }
0xae: {  	s7 =	sshll.u32 s28, $0x1;
	[dreg:$0x2] =	wrdreg s5  }
0xaf: {  	[dreg:$0x3] =	wrdreg s7  }
0xb0: {  	[dreg:$0x4] =	wrdreg $0xC0  }
0xb1: {  	_ =	task [dreg:s9], $0x5FFFF  }
0xb2: {  	[dreg:$0x1] =	wrdreg $0xFFFFFFFF  }
0xb3: {  	[dreg:$0x0] =	wrdreg $0x60  }
0xb4: {  	[dreg:$0x2] =	wrdreg s24  }
0xb5: {  	[dreg:$0x3] =	wrdreg s15  }
0xb6: {  	[dreg:$0x4] =	wrdreg s16  }
0xb7: {  	[dreg:$0x5] =	wrdreg s17  }
0xb8: {  	[dreg:$0x6] =	wrdreg $0x9  }
0xb9: {  	_ =	task.clear_ibuf [dreg:s9], $0x7FFFF;
	_ =	strace $0x90000049  }
0xba: {  	s29 =	simm.s32 $0x9;
	_ =	strace $0x8000004B  }
0xbb: {  	_ =	swait.ge [sflag:s29], $0x1  }
0xbc: {  	[sflag:s29] =	ssyncadd.s32 $0xFFFFFFFF  }
0xbd: {  	_ =	strace $0x9000004B  }
0xbe: {  	_ =	sfence  }
0xbf: {  	s30 =	sld [smem:$0x0];
	_ =	sdelay $0x2  }
0xc0: {  	s31 =	sshll.u32 s1, $0xD;
	s1 =	sshrl.u32 s1, $0x2  }
0xc1: {  	s3 =	sand.u32 $0x4000, s31;
	s1 =	sadd.s32 s1, s30  }
0xc2: {  	s0 =	sor.u32 s3, s0;
	s1 =	sshll.u32 s1, $0x11  }
0xc3: {  	s0 =	sor.u32 s1, s0  }
0xc4: {  	s0 =	sadd.s32 $0x8F2B, s0  }
0xc5: {  	[sflag:s0] =	ssyncadd.remote.s32 $0x1  }
0xc6: {  	_ =	sfence.sel $0xFFFF  }
0xc7: {  	[dreg:$0x0] =	wrdreg $0xFFFFFFFF;
	(pc) =	sbr.abs _section_cstart, $3  }
0xc8: {  	[dreg:$0x1] =	wrdreg $0xFFFFFFFF  }
0xc9: {  	_ =	task.clear_ibuf [dreg:s9], $0x2FFFF;
	_ =	strace $0x9FFFFFFF  }
0xca: {  	(tm) =	ssettm $0x7FFFFFFF  }
0xcb: {  	_ =	shalt  }
tec
execute0_lowered:
.L_overlay_start_1:
0x0: {  	(tag) =	ssettag $0x1  }
0x1: {  	s6 =	rddreg [dreg:$0x0]  }
0x2: {  	s1 =	rddreg [dreg:$0x1]  }
0x3: {  	s5 =	rddreg [dreg:$0x2]  }
0x4: {  	s7 =	rddreg [dreg:$0x3]  }
0x5: {  	s0 =	rddreg [dreg:$0x4];
	s3 =	simm.s32 $0x0;
	s4 =	srdreg.scid  }
0x6: {  	s2 =	stileid.u32;
	s12 =	simm.s32 $0x2;
	s13 =	simm.s32 $0x40  }
0x7: {  	s14 =	simm.s32 $0x80;
	s15 =	simm.s32 $0x100;
	s16 =	simm.s32 $0x1  }
0x8: {  	s17 =	simm.s32 $0x180;
	s18 =	simm.s32 $0x200;
	s19 =	simm.s32 $0x300  }
0x9: {  	s20 =	simm.s32 $0x400;
	s21 =	simm.s32 $0x440;
	s22 =	simm.s32 $0x480  }
0xa: {  	s23 =	simm.s32 $0x4C0;
	[smem:$0x7FF] =	sst s3;
	s4 =	sand.u32 $0x1, s4  }
0xb: {  	s9 =	sshll.u32 s2, $0x4;
	s8 =	ssub.s32 $0x2, s4;
	s4 =	sshll.u32 s4, $0x3  }
0xc: {  	_ =	strace $0x8000004A;
	s10 =	sshrl.u32 s8, $0x1;
	s9 =	sor.u32 s4, s9  }
0xd: {  	s4 =	sadd.s32 $0x7D600, s6;
	s11 =	ssub.s32 s8, s10;
	s5 =	sadd.s32 s5, s9  }
0xe: {  	s6 =	sadd.s32 s6, s9;
	s7 =	sadd.s32 s7, s9;
	s8 =	sadd.s32 $0x100, s5  }
0xf: {  	s9 =	sadd.s32 $0x200, s5;
	s10 =	sadd.s32 $0x300, s5;
	s11 =	smax.u32 s11, $0x1  }
.LBB2_1:
0x10: {  	[tilespmem:s3], [sflag:$0x2] =	stream.linear.gather [hbm4b:s6+s3], $0x40, $0x38;
	[tilespmem:$0x500] =	vst v63  }
0x11: {  	_ =	swait.ge [sflag:s12], $0x40  }
0x12: {  	[sflag:s12] =	ssyncset.done $0x0  }
0x13: {  	[sflag:s12] =	ssyncadd.s32 $0xFFFFFFC0  }
0x14: {  	v0 =	vld [tilespmem:$0x0]  }
0x15: {  	v1 =	vld [tilespmem:$0x10]  }
0x16: {  	v2 =	vld [tilespmem:$0x20]  }
0x17: {  	v3 =	vld [tilespmem:$0x30];
	_ =	sdelay $0x1  }
0x18: {  	vm0 =	vgt.s32 v0, $0x0  }
0x19: {  	vm13 =	vgt.s32 v1, $0x0;
	v0 =	vnsel vm0, $0x0, v0  }
0x1a: {  	vm14 =	vgt.s32 v2, $0x0;
	v28 =	vnsel vm13, $0x0, v1;
	[tilespmem:$0x80] =	vst v0  }
0x1b: {  	vm15 =	vgt.s32 v3, $0x0;
	v29 =	vnsel vm14, $0x0, v2;
	[tilespmem:$0x90] =	vst v28  }
0x1c: {  	v30 =	vnsel vm15, $0x0, v3;
	[tilespmem:$0xA0] =	vst v29  }
0x1d: {  	[tilespmem:$0xB0] =	vst v30  }
0x1e: {  	[tilespmem:s15], [sflag:$0x1] =	stream.indirect.gather [hbm4b:s1+s13], $0x1, s14, s13, $0xb8;
	[tilespmem:$0x500] =	vst v63  }
0x1f: {  	_ =	swait.ge [sflag:s16], $0x40  }
0x20: {  	[sflag:s16] =	ssyncset.done $0x0  }
0x21: {  	[sflag:s16] =	ssyncadd.s32 $0xFFFFFFC0  }
0x22: {  	v31 =	vld [tilespmem:$0x0]  }
0x23: {  	v32 =	vld [tilespmem:$0x100]  }
0x24: {  	v33 =	vld [tilespmem:$0x10]  }
0x25: {  	v34 =	vld [tilespmem:$0x110]  }
0x26: {  	v4 =	vld [tilespmem:$0x20]  }
0x27: {  	v5 =	vld [tilespmem:$0x120]  }
0x28: {  	v6 =	vld [tilespmem:$0x30]  }
0x29: {  	v7 =	vld [tilespmem:$0x130]  }
0x2a: {  	vm4 =	vgt.s32 v31, $0xFFFFFFFF  }
0x2b: {  	vm5 =	vgt.s32 v33, $0xFFFFFFFF;
	v0 =	vnsel vm4, $0x0, v32  }
0x2c: {  	vm6 =	vgt.s32 v4, $0xFFFFFFFF;
	v35 =	vnsel vm5, $0x0, v34;
	[tilespmem:$0x180] =	vst v0  }
0x2d: {  	vm7 =	vgt.s32 v6, $0xFFFFFFFF;
	v36 =	vnsel vm6, $0x0, v5;
	[tilespmem:$0x190] =	vst v35  }
0x2e: {  	v37 =	vnsel vm7, $0x0, v7;
	[tilespmem:$0x1A0] =	vst v36  }
0x2f: {  	[tilespmem:$0x1B0] =	vst v37  }
0x30: {  	[hbm4b:s7+s3] =	stream.linear.scatter [tilespmem:s17], [sflag:$0x2], $0x40, $0x38;
	[tilespmem:$0x500] =	vst v63  }
0x31: {  	_ =	swait.ge [sflag:s12], $0x40  }
0x32: {  	[sflag:s12] =	ssyncset.done $0x0  }
0x33: {  	[sflag:s12] =	ssyncadd.s32 $0xFFFFFFC0  }
0x34: {  	v38 =	vld [tilespmem:$0x0]  }
0x35: {  	v39 =	vld [tilespmem:$0x10]  }
0x36: {  	v40 =	vld [tilespmem:$0x20]  }
0x37: {  	v41 =	vld [tilespmem:$0x30]  }
0x38: {  	v42 =	vld [tilespmem:$0x0]  }
0x39: {  	v43 =	vld [tilespmem:$0x10]  }
0x3a: {  	v44 =	vld [tilespmem:$0x20]  }
0x3b: {  	v45 =	vld [tilespmem:$0x30]  }
0x3c: {  	v8 =	vld [tilespmem:$0x0]  }
0x3d: {  	v9 =	vld [tilespmem:$0x10]  }
0x3e: {  	v49 =	vld [tilespmem:$0x20]  }
0x3f: {  	v52 =	vld [tilespmem:$0x30];
	_ =	sdelay $0x1  }
0x40: {  	vm8 =	vgt.s32 v38, $0x0;
	vm9 =	vgt.s32 v39, $0x0;
	vm10 =	vgt.s32 v40, $0x0  }
0x41: {  	vm11 =	vgt.s32 v41, $0x0;
	vm12 =	vgt.s32 v42, $0x0;
	vm13 =	vgt.s32 v43, $0x0  }
0x42: {  	vm14 =	vgt.s32 v44, $0x0;
	vm15 =	vgt.s32 v45, $0x0;
	vm4 =	vgt.s32 v8, $0x0  }
0x43: {  	vm5 =	vgt.s32 v9, $0x0;
	vm6 =	vgt.s32 v49, $0x0;
	vm7 =	vgt.s32 v52, $0x0  }
0x44: {  	v0 =	vnsel vm8, $0x0, v38;
	v1 =	vnsel vm9, $0x0, v39;
	v2 =	vnsel vm10, $0x0, v40  }
0x45: {  	v3 =	vnsel vm11, $0x0, v41;
	v4 =	vnsel vm12, $0x0, v42;
	v0 =	vshll.u32 v0, $0x2  }
0x46: {  	v55 =	vld [tilespmem:$0x0];
	v5 =	vnsel vm13, $0x0, v43;
	v48 =	vnsel vm14, $0x0, v44;
	v1 =	vshll.u32 v1, $0x2;
	[tilespmem:$0x200] =	vst v0  }
0x47: {  	v61 =	vld [tilespmem:$0x10];
	v54 =	vnsel vm15, $0x0, v45;
	v57 =	vnsel vm4, $0x0, v8;
	v2 =	vshll.u32 v2, $0x2;
	[tilespmem:$0x210] =	vst v1  }
0x48: {  	v12 =	vld [tilespmem:$0x30];
	v60 =	vnsel vm5, $0x0, v9;
	v3 =	vshll.u32 v3, $0x2;
	v4 =	vshll.u32 v4, $0x2;
	[tilespmem:$0x220] =	vst v2  }
0x49: {  	v11 =	vnsel vm6, $0x0, v49;
	v47 =	vshll.u32 v5, $0x2;
	v46 =	vor.u32 $0x1, v4;
	[tilespmem:$0x230] =	vst v3  }
0x4a: {  	v14 =	vnsel vm7, $0x0, v52;
	v51 =	vshll.u32 v48, $0x2;
	v50 =	vor.u32 $0x1, v47;
	[tilespmem:$0x240] =	vst v46  }
0x4b: {  	vm8 =	vgt.s32 v55, $0x0;
	v56 =	vshll.u32 v54, $0x2;
	v53 =	vor.u32 $0x1, v51;
	[tilespmem:$0x250] =	vst v50  }
0x4c: {  	v9 =	vld [tilespmem:$0x20];
	vm9 =	vgt.s32 v61, $0x0;
	v59 =	vshll.u32 v57, $0x2;
	v58 =	vor.u32 $0x1, v56;
	[tilespmem:$0x260] =	vst v53  }
0x4d: {  	vm11 =	vgt.s32 v12, $0x0;
	v63 =	vshll.u32 v60, $0x2;
	v62 =	vor.u32 $0x2, v59;
	[tilespmem:$0x270] =	vst v58  }
0x4e: {  	v13 =	vshll.u32 v11, $0x2;
	v15 =	vshll.u32 v14, $0x2;
	v10 =	vor.u32 $0x2, v63;
	[tilespmem:$0x280] =	vst v62  }
0x4f: {  	v16 =	vnsel vm8, $0x0, v55;
	v19 =	vnsel vm9, $0x0, v61;
	v0 =	vor.u32 $0x2, v13;
	[tilespmem:$0x290] =	vst v10  }
0x50: {  	v24 =	vnsel vm11, $0x0, v12;
	v1 =	vor.u32 $0x2, v15;
	v17 =	vshll.u32 v16, $0x2;
	[tilespmem:$0x2A0] =	vst v0  }
0x51: {  	v20 =	vshll.u32 v19, $0x2;
	v18 =	vor.u32 $0x3, v17;
	[tilespmem:$0x2B0] =	vst v1;
	vm10 =	vgt.s32 v9, $0x0  }
0x52: {  	v26 =	vshll.u32 v24, $0x2;
	v22 =	vor.u32 $0x3, v20;
	[tilespmem:$0x2C0] =	vst v18;
	v21 =	vnsel vm10, $0x0, v9  }
0x53: {  	v27 =	vor.u32 $0x3, v26;
	[tilespmem:$0x2D0] =	vst v22;
	v23 =	vshll.u32 v21, $0x2  }
0x54: {  	[tilespmem:$0x2F0] =	vst v27;
	v25 =	vor.u32 $0x3, v23  }
0x55: {  	[tilespmem:$0x2E0] =	vst v25  }
0x56: {  	[tilespmem:s19], [sflag:$0x1] =	stream.indirect.gather [hbm4b:s4+s15], $0x1, s18, s15, $0xb8;
	[tilespmem:$0x500] =	vst v63  }
0x57: {  	_ =	swait.ge [sflag:s16], $0x100  }
0x58: {  	[sflag:s16] =	ssyncset.done $0x0  }
0x59: {  	[sflag:s16] =	ssyncadd.s32 $0xFFFFFF00  }
0x5a: {  	v28 =	vld [tilespmem:$0x0]  }
0x5b: {  	v29 =	vld [tilespmem:$0x300]  }
0x5c: {  	v30 =	vld [tilespmem:$0x10]  }
0x5d: {  	v31 =	vld [tilespmem:$0x310]  }
0x5e: {  	v32 =	vld [tilespmem:$0x20]  }
0x5f: {  	v33 =	vld [tilespmem:$0x320]  }
0x60: {  	v34 =	vld [tilespmem:$0x30]  }
0x61: {  	v35 =	vld [tilespmem:$0x330]  }
0x62: {  	v36 =	vld [tilespmem:$0x0]  }
0x63: {  	v37 =	vld [tilespmem:$0x340]  }
0x64: {  	v10 =	vld [tilespmem:$0x10]  }
0x65: {  	v11 =	vld [tilespmem:$0x350]  }
0x66: {  	v12 =	vld [tilespmem:$0x20]  }
0x67: {  	v13 =	vld [tilespmem:$0x360]  }
0x68: {  	v14 =	vld [tilespmem:$0x30]  }
0x69: {  	v15 =	vld [tilespmem:$0x370]  }
0x6a: {  	v16 =	vld [tilespmem:$0x0]  }
0x6b: {  	v17 =	vld [tilespmem:$0x380]  }
0x6c: {  	v18 =	vld [tilespmem:$0x10]  }
0x6d: {  	v19 =	vld [tilespmem:$0x390]  }
0x6e: {  	v38 =	vld [tilespmem:$0x20];
	vm12 =	vgt.s32 v28, $0xFFFFFFFF  }
0x6f: {  	v39 =	vld [tilespmem:$0x3A0];
	vm13 =	vgt.s32 v30, $0xFFFFFFFF;
	v1 =	vnsel vm12, $0x0, v29  }
0x70: {  	v41 =	vld [tilespmem:$0x30];
	vm14 =	vgt.s32 v32, $0xFFFFFFFF;
	v40 =	vnsel vm13, $0x0, v31;
	[tilespmem:$0x400] =	vst v1  }
0x71: {  	v43 =	vld [tilespmem:$0x3B0];
	vm15 =	vgt.s32 v34, $0xFFFFFFFF;
	v42 =	vnsel vm14, $0x0, v33;
	[tilespmem:$0x410] =	vst v40  }
0x72: {  	v45 =	vld [tilespmem:$0x0];
	vm4 =	vgt.s32 v36, $0xFFFFFFFF;
	v44 =	vnsel vm15, $0x0, v35;
	[tilespmem:$0x420] =	vst v42  }
0x73: {  	v47 =	vld [tilespmem:$0x3C0];
	vm5 =	vgt.s32 v10, $0xFFFFFFFF;
	v46 =	vnsel vm4, $0x0, v37;
	[tilespmem:$0x430] =	vst v44  }
0x74: {  	v49 =	vld [tilespmem:$0x10];
	vm6 =	vgt.s32 v12, $0xFFFFFFFF;
	v48 =	vnsel vm5, $0x0, v11;
	[tilespmem:$0x440] =	vst v46  }
0x75: {  	v51 =	vld [tilespmem:$0x3D0];
	vm7 =	vgt.s32 v14, $0xFFFFFFFF;
	v50 =	vnsel vm6, $0x0, v13;
	[tilespmem:$0x450] =	vst v48  }
0x76: {  	v53 =	vld [tilespmem:$0x20];
	vm8 =	vgt.s32 v16, $0xFFFFFFFF;
	v52 =	vnsel vm7, $0x0, v15;
	[tilespmem:$0x460] =	vst v50  }
0x77: {  	v55 =	vld [tilespmem:$0x3E0];
	vm9 =	vgt.s32 v18, $0xFFFFFFFF;
	v54 =	vnsel vm8, $0x0, v17;
	[tilespmem:$0x470] =	vst v52  }
0x78: {  	v57 =	vld [tilespmem:$0x30];
	vm10 =	vgt.s32 v38, $0xFFFFFFFF;
	v56 =	vnsel vm9, $0x0, v19;
	[tilespmem:$0x480] =	vst v54  }
0x79: {  	v59 =	vld [tilespmem:$0x3F0];
	vm11 =	vgt.s32 v41, $0xFFFFFFFF;
	v58 =	vnsel vm10, $0x0, v39;
	[tilespmem:$0x490] =	vst v56  }
0x7a: {  	v60 =	vnsel vm11, $0x0, v43;
	vm12 =	vgt.s32 v45, $0xFFFFFFFF;
	[tilespmem:$0x4A0] =	vst v58  }
0x7b: {  	vm13 =	vgt.s32 v49, $0xFFFFFFFF;
	[tilespmem:$0x4B0] =	vst v60;
	v61 =	vnsel vm12, $0x0, v47  }
0x7c: {  	vm14 =	vgt.s32 v53, $0xFFFFFFFF;
	v62 =	vnsel vm13, $0x0, v51;
	[tilespmem:$0x4C0] =	vst v61  }
0x7d: {  	vm15 =	vgt.s32 v57, $0xFFFFFFFF;
	v63 =	vnsel vm14, $0x0, v55;
	[tilespmem:$0x4D0] =	vst v62  }
0x7e: {  	v0 =	vnsel vm15, $0x0, v59;
	[tilespmem:$0x4E0] =	vst v63  }
0x7f: {  	[tilespmem:$0x4F0] =	vst v0  }
0x80: {  	[hbm4b:s5+s3] =	stream.linear.scatter [tilespmem:s20], [sflag:$0x2], $0x40, $0x38;
	[tilespmem:$0x500] =	vst v63  }
0x81: {  	_ =	swait.ge [sflag:s12], $0x40  }
0x82: {  	[sflag:s12] =	ssyncset.done $0x0  }
0x83: {  	[sflag:s12] =	ssyncadd.s32 $0xFFFFFFC0  }
0x84: {  	[hbm4b:s8+s3] =	stream.linear.scatter [tilespmem:s21], [sflag:$0x2], $0x40, $0x38;
	[tilespmem:$0x500] =	vst v63  }
0x85: {  	_ =	swait.ge [sflag:s12], $0x40  }
0x86: {  	[sflag:s12] =	ssyncset.done $0x0  }
0x87: {  	[sflag:s12] =	ssyncadd.s32 $0xFFFFFFC0  }
0x88: {  	[hbm4b:s9+s3] =	stream.linear.scatter [tilespmem:s22], [sflag:$0x2], $0x40, $0x38;
	[tilespmem:$0x500] =	vst v63  }
0x89: {  	_ =	swait.ge [sflag:s12], $0x40  }
0x8a: {  	p0 =	sne.s32 s11, $0x1;
	[sflag:s12] =	ssyncset.done $0x0  }
.Ltmp0:
0x8b: {  	[sflag:s12] =	ssyncadd.s32 $0xFFFFFFC0;
	(pc) =	sbr.rel @p0 .LBB2_1-.Ltmp0, $4  }
0x8c: {  	[hbm4b:s10+s3] =	stream.linear.scatter [tilespmem:s23], [sflag:$0x2], $0x40, $0x38;
	[tilespmem:$0x500] =	vst v63  }
0x8d: {  	_ =	swait.ge [sflag:s12], $0x40  }
0x8e: {  	[sflag:s12] =	ssyncset.done $0x0  }
0x8f: {  	s11 =	sadd.s32 $0xFFFFFFFF, s11;
	[sflag:s12] =	ssyncadd.s32 $0xFFFFFFC0  }
0x90: {  	_ =	sfence.sel $0x180000  }
0x91: {  	[bflag:$0x0] =	sbarrier.arrive $0xFFFF  }
0x92: {  	p0 =	sne.s32 s2, $0x0;
	_ =	strace $0x9000004A  }
0x93: {  	s0 =	sadd.s32 @!p0 $0x100000, s0;
	[bflag:$0x2] =	sbarrier.arrive $0xFFFF  }
0x94: {  	[sflag:s0] =	ssyncadd.tile.s32 @!p0 $0x1;
	_ =	shalt  }
.Lfunc_end2:
_tile_overlayer_lowered:
.L_overlay_start_2:
0x95: {  	(tag) =	ssettag $0x2  }
0x96: {  	s0 =	rddreg [dreg:$0x0];
	s2 =	stileid.u32  }
0x97: {  	s1 =	rddreg [dreg:$0x1];
	p0 =	sne.s32 s2, $0x0  }
0x98: {  	s3 =	rddreg [dreg:$0x2];
	[bflag:$0x3] =	sbarrier.arrive $0xFFFF;
	s2 =	simm.s32 @!p0 $0x1C02  }
0x99: {  	[timem:s3], [sflag:s2] =	dma.local @!p0 [hbm:s0], s1  }
0x9a: {  	s0 =	simm.s32 @!p0 $0x2  }
0x9b: {  	_ =	swait.ge @!p0 [sflag:s0], s1  }
0x9c: {  	s1 =	ssub.s32 @!p0 $0x0, s1;
	[sflag:s0] =	ssyncset.done @!p0 $0x0  }
0x9d: {  	[sflag:s0] =	ssyncadd.s32 @!p0 s1  }
0x9e: {  	[bflag:$0x3] =	sbarrier.arrive $0xFFFF  }
0x9f: {  	_ =	shalt  }

</sc_bundles>
